<compile_context>
chip_gen: v7x
topology: tpu7x:2x2x1
jax: 0.10.2.dev20260603
libtpu: 0.0.44.dev20260713+nightly
codegen_flags: <defaults>
</compile_context>

<pallas_src>
import functools

import jax
import jax.numpy as jnp
from jax import lax
from jax.experimental import pallas as pl
from jax.experimental.pallas import tpu as pltpu
from jax.experimental.pallas import tpu_sc as plsc

H = 128
NPAD = 10240
NB = 512
EB = 1280
NW = 32
NPH = 5
F32 = jnp.float32


def _pack_bf16_pair(p):
    lo = jax.lax.bitcast_convert_type(
        p[:, :H].astype(jnp.bfloat16), jnp.int16).astype(jnp.int32) & 0xFFFF
    hi = jax.lax.bitcast_convert_type(
        p[:, H:].astype(jnp.bfloat16), jnp.int16).astype(jnp.int32) << 16
    return lo | hi


def _unpack_bf16_pair(g):
    lo = jax.lax.bitcast_convert_type(g << 16, F32)
    hi = jax.lax.bitcast_convert_type(g & jnp.int32(-65536), F32)
    return jnp.concatenate([lo, hi], axis=1)


def _node_body(x_ref, w1_ref, b1_ref, w2_ref, b2_ref, ws_ref, wr_ref,
               nodebuf_ref, ps_ref, pr_ref, de0_ref, de1_ref, ds0_ref,
               ds1_ref):
    x = x_ref[...]
    h = jnp.dot(x, w1_ref[...], preferred_element_type=F32) + b1_ref[...]
    hs = h * jax.nn.sigmoid(h)
    o = jnp.dot(hs, w2_ref[...], preferred_element_type=F32) + b2_ref[...]
    dE0, dE1 = o[:, 0:1], o[:, 1:2]
    dS0, dS1 = o[:, 2:3], o[:, 3:4]
    l, m0, m1, m2 = o[:, 4:5], o[:, 5:6], o[:, 6:7], o[:, 7:8]
    a = m0 * m0
    b = m0 * m1
    c = m1 * m1 + m2 * m2
    nt0 = -l * dE1 + a * dS0 + b * dS1
    nt1 = l * dE0 + b * dS0 + c * dS1
    ge0 = a * dE0 + b * dE1
    ge1 = b * dE0 + c * dE1
    gs0 = -l * dS1
    gs1 = l * dS0
    z10 = jnp.zeros((nt0.shape[0], 10), F32)
    nodebuf_ref[...] = jnp.concatenate(
        [nt0, nt1, ge0, ge1, gs0, gs1, z10], axis=1)
    ps_ref[...] = _pack_bf16_pair(
        jnp.dot(x, ws_ref[...], preferred_element_type=F32))
    pr_ref[...] = _pack_bf16_pair(
        jnp.dot(x, wr_ref[...], preferred_element_type=F32))
    de0_ref[...] = o[:, 0]
    de1_ref[...] = o[:, 1]
    ds0_ref[...] = o[:, 2]
    ds1_ref[...] = o[:, 3]


def _node_call(xpad, w1, b1, w2, b2, ws, wr):
    n = xpad.shape[0]
    grid = (n // NB,)
    return pl.pallas_call(
        _node_body,
        grid=grid,
        in_specs=[
            pl.BlockSpec((NB, H), lambda i: (i, 0)),
            pl.BlockSpec((H, 4 * H), lambda i: (0, 0)),
            pl.BlockSpec((1, 4 * H), lambda i: (0, 0)),
            pl.BlockSpec((4 * H, 8), lambda i: (0, 0)),
            pl.BlockSpec((1, 8), lambda i: (0, 0)),
            pl.BlockSpec((H, 2 * H), lambda i: (0, 0)),
            pl.BlockSpec((H, 2 * H), lambda i: (0, 0)),
        ],
        out_specs=[
            pl.BlockSpec((NB, 16), lambda i: (i, 0)),
            pl.BlockSpec((NB, H), lambda i: (i, 0)),
            pl.BlockSpec((NB, H), lambda i: (i, 0)),
            pl.BlockSpec((NB,), lambda i: (i,)),
            pl.BlockSpec((NB,), lambda i: (i,)),
            pl.BlockSpec((NB,), lambda i: (i,)),
            pl.BlockSpec((NB,), lambda i: (i,)),
        ],
        out_shape=[
            jax.ShapeDtypeStruct((n, 16), F32),
            jax.ShapeDtypeStruct((n, H), jnp.int32),
            jax.ShapeDtypeStruct((n, H), jnp.int32),
            jax.ShapeDtypeStruct((n,), F32),
            jax.ShapeDtypeStruct((n,), F32),
            jax.ShapeDtypeStruct((n,), F32),
            jax.ShapeDtypeStruct((n,), F32),
        ],
    )(xpad, w1, b1, w2, b2, ws, wr)


def _sc_gather(ps, pr, s3d, r3d, e_total):
    nchunk = s3d.shape[1]
    gc = s3d.shape[2]
    epw = nchunk * gc
    mesh = plsc.VectorSubcoreMesh(core_axis_name="c", subcore_axis_name="s")

    @functools.partial(
        pl.kernel, mesh=mesh,
        out_type=[
            jax.ShapeDtypeStruct((e_total, H), jnp.int32),
            jax.ShapeDtypeStruct((e_total, H), jnp.int32),
        ],
        scratch_types=[
            pltpu.VMEM((nchunk, gc), jnp.int32),
            pltpu.VMEM((nchunk, gc), jnp.int32),
            pltpu.VMEM((gc, H), jnp.int32),
            pltpu.VMEM((gc, H), jnp.int32),
            pltpu.SemaphoreType.DMA,
        ],
    )
    def k(ps_hbm, pr_hbm, s_hbm, r_hbm, gs_out, gr_out,
          sidx_v, ridx_v, gs_v, gr_v, sem):
        wid = lax.axis_index("s") * 2 + lax.axis_index("c")
        base = wid * epw
        pltpu.sync_copy(s_hbm.at[wid], sidx_v)
        pltpu.sync_copy(r_hbm.at[wid], ridx_v)

        def chunk(j, carry):
            pltpu.async_copy(ps_hbm.at[sidx_v.at[j]], gs_v, sem).wait()
            pltpu.async_copy(pr_hbm.at[ridx_v.at[j]], gr_v, sem).wait()
            off = base + j * gc
            pltpu.sync_copy(gs_v, gs_out.at[pl.ds(off, gc)])
            pltpu.sync_copy(gr_v, gr_out.at[pl.ds(off, gc)])
            return carry

        lax.fori_loop(0, nchunk, chunk, 0)

    return k(ps, pr, s3d, r3d)


def _edge_body(ea_ref, gs_ref, gr_ref, a_ref, b1_ref, w2_ref, b2_ref,
               lm4_ref):
    z = (jnp.dot(ea_ref[...].astype(jnp.bfloat16), a_ref[...],
                 preferred_element_type=F32)
         + _unpack_bf16_pair(gs_ref[...]) + _unpack_bf16_pair(gr_ref[...])
         + b1_ref[...])
    hs = z * jax.nn.sigmoid(z)
    lm_t = jax.lax.dot_general(
        w2_ref[...], hs.astype(jnp.bfloat16),
        (((0,), (1,)), ((), ())), preferred_element_type=F32) + b2_ref[...]
    l = lm_t[0:1, :]
    m0 = lm_t[1:2, :]
    m1 = lm_t[2:3, :]
    m2 = lm_t[3:4, :]
    lm4_ref[...] = jnp.concatenate(
        [l, m0 * m0, m0 * m1, m1 * m1 + m2 * m2], axis=0)


def _edge_call(edge_attr, gs, gr, a_e, b1e, w2e, b2e, off):
    e = gs.shape[0]
    grid = (e // EB,)
    return pl.pallas_call(
        _edge_body,
        grid=grid,
        in_specs=[
            pl.BlockSpec((EB, H), lambda i, off=off: (i + off, 0)),
            pl.BlockSpec((EB, H), lambda i: (i, 0)),
            pl.BlockSpec((EB, H), lambda i: (i, 0)),
            pl.BlockSpec((H, 2 * H), lambda i: (0, 0)),
            pl.BlockSpec((1, 2 * H), lambda i: (0, 0)),
            pl.BlockSpec((2 * H, 4), lambda i: (0, 0)),
            pl.BlockSpec((4, 1), lambda i: (0, 0)),
        ],
        out_specs=pl.BlockSpec((4, EB), lambda i: (0, i)),
        out_shape=jax.ShapeDtypeStruct((4, e), F32),
    )(edge_attr, gs, gr, a_e, b1e, w2e, b2e)


def _sc_scatter(l_arr, a_arr, b_arr, c_arr, s2d, r2d, de0, de1, ds0, ds1):
    e_total = l_arr.shape[0]
    epw = e_total // NW
    npd = de0.shape[0]
    mesh = plsc.VectorSubcoreMesh(core_axis_name="c", subcore_axis_name="s")

    @functools.partial(
        pl.kernel, mesh=mesh,
        out_type=jax.ShapeDtypeStruct((NW, 2 * NPAD), F32),
        compiler_params=pltpu.CompilerParams(needs_layout_passes=False),
        scratch_types=[
            pltpu.VMEM((epw,), F32),
            pltpu.VMEM((epw,), F32),
            pltpu.VMEM((epw,), F32),
            pltpu.VMEM((epw,), F32),
            pltpu.VMEM((epw,), jnp.int32),
            pltpu.VMEM((epw,), jnp.int32),
            pltpu.VMEM((npd,), F32),
            pltpu.VMEM((npd,), F32),
            pltpu.VMEM((npd,), F32),
            pltpu.VMEM((npd,), F32),
            pltpu.VMEM((2 * NPAD,), F32),
        ],
    )
    def k(l_hbm, a_hbm, b_hbm, c_hbm, s_hbm, r_hbm,
          de0_hbm, de1_hbm, ds0_hbm, ds1_hbm, out_hbm,
          l_v, a_v, b_v, c_v, sidx_v, ridx_v,
          de0_v, de1_v, ds0_v, ds1_v, acc_v):
        wid = lax.axis_index("s") * 2 + lax.axis_index("c")
        base = wid * epw
        pltpu.sync_copy(l_hbm.at[pl.ds(base, epw)], l_v)
        pltpu.sync_copy(a_hbm.at[pl.ds(base, epw)], a_v)
        pltpu.sync_copy(b_hbm.at[pl.ds(base, epw)], b_v)
        pltpu.sync_copy(c_hbm.at[pl.ds(base, epw)], c_v)
        pltpu.sync_copy(s_hbm.at[wid], sidx_v)
        pltpu.sync_copy(r_hbm.at[wid], ridx_v)
        pltpu.sync_copy(de0_hbm, de0_v)
        pltpu.sync_copy(de1_hbm, de1_v)
        pltpu.sync_copy(ds0_hbm, ds0_v)
        pltpu.sync_copy(ds1_hbm, ds1_v)

        def zero(i, carry):
            acc_v[pl.ds(i * 16, 16)] = jnp.zeros((16,), F32)
            return carry

        lax.fori_loop(0, (2 * NPAD) // 16, zero, 0)

        def step(i, carry):
            sl = pl.ds(i * 16, 16)
            sidx = sidx_v[sl]
            de0s = plsc.load_gather(de0_v, [sidx])
            de1s = plsc.load_gather(de1_v, [sidx])
            ds0s = plsc.load_gather(ds0_v, [sidx])
            ds1s = plsc.load_gather(ds1_v, [sidx])
            l = l_v[sl]
            a = a_v[sl]
            b = b_v[sl]
            c = c_v[sl]
            et0 = -l * de1s + a * ds0s + b * ds1s
            et1 = l * de0s + b * ds0s + c * ds1s
            ridx = ridx_v[sl]
            plsc.addupdate_scatter(acc_v, [ridx], et0)
            plsc.addupdate_scatter(acc_v, [ridx + NPAD], et1)
            return carry

        lax.fori_loop(0, epw // 16, step, 0)
        pltpu.sync_copy(acc_v, out_hbm.at[wid])

    return k(l_arr, a_arr, b_arr, c_arr, s2d, r2d, de0, de1, ds0, ds1)


def _combine_body(nb_ref, p0_ref, p1_ref, out_ref):
    s0 = jnp.sum(p0_ref[...], axis=0)
    s1 = jnp.sum(p1_ref[...], axis=0)
    nb = nb_ref[...]
    out0 = nb[:, 0] - s0
    out1 = nb[:, 1] - s1
    z10 = jnp.zeros((nb.shape[0], 10), F32)
    out_ref[...] = jnp.concatenate(
        [out0[:, None], out1[:, None], nb[:, 2:6], z10], axis=1)


def _combine_call(nodebuf, partials):
    n = nodebuf.shape[0]
    grid = (n // NB,)
    nblk = n // NB
    return pl.pallas_call(
        _combine_body,
        grid=grid,
        in_specs=[
            pl.BlockSpec((NB, 16), lambda i: (i, 0)),
            pl.BlockSpec((NW, NB), lambda i: (0, i)),
            pl.BlockSpec((NW, NB), lambda i, nblk=nblk: (0, i + nblk)),
        ],
        out_specs=pl.BlockSpec((NB, 16), lambda i: (i, 0)),
        out_shape=jax.ShapeDtypeStruct((n, 16), F32),
    )(nodebuf, partials, partials)


def kernel(node_attr, edge_attr, params, edge_index):
    n = node_attr.shape[0]
    e = edge_attr.shape[0]
    senders = edge_index[0]
    receivers = edge_index[1]
    p = params

    w1n = jnp.concatenate([p["energy"]["W1"], p["entropy"]["W1"],
                           p["L_n"]["W1"], p["M_n"]["W1"]], axis=1)
    b1n = jnp.concatenate([p["energy"]["b1"], p["entropy"]["b1"],
                           p["L_n"]["b1"], p["M_n"]["b1"]])[None, :]
    w2n = jnp.zeros((4 * H, 8), F32)
    w2n = w2n.at[0:H, 0:2].set(p["energy"]["W2"])
    w2n = w2n.at[H:2 * H, 2:4].set(p["entropy"]["W2"])
    w2n = w2n.at[2 * H:3 * H, 4:5].set(p["L_n"]["W2"])
    w2n = w2n.at[3 * H:4 * H, 5:8].set(p["M_n"]["W2"])
    b2n = jnp.concatenate([p["energy"]["b2"], p["entropy"]["b2"],
                           p["L_n"]["b2"], p["M_n"]["b2"]])[None, :]

    a_e = jnp.concatenate([p["L_e"]["W1"][:H], p["M_e"]["W1"][:H]], axis=1)
    ws = jnp.concatenate([p["L_e"]["W1"][H:2 * H],
                          p["M_e"]["W1"][H:2 * H]], axis=1)
    wr = jnp.concatenate([p["L_e"]["W1"][2 * H:3 * H],
                          p["M_e"]["W1"][2 * H:3 * H]], axis=1)
    b1e = jnp.concatenate([p["L_e"]["b1"], p["M_e"]["b1"]])[None, :]
    w2e = jnp.zeros((2 * H, 4), F32)
    w2e = w2e.at[0:H, 0:1].set(p["L_e"]["W2"])
    w2e = w2e.at[H:2 * H, 1:4].set(p["M_e"]["W2"])
    b2e = jnp.concatenate([p["L_e"]["b2"], p["M_e"]["b2"]])[:, None]

    xpad = jnp.zeros((NPAD, H), F32).at[:n].set(node_attr)
    nodebuf, ps, pr, de0, de1, ds0, ds1 = _node_call(
        xpad, w1n, b1n, w2n, b2n, ws, wr)

    eh = e // NPH
    epw_p = eh // NW
    gcp = 80
    nchunk_p = epw_p // gcp
    a_bf = a_e.astype(jnp.bfloat16)
    w2_bf = w2e.astype(jnp.bfloat16)
    parts = []
    for p in range(NPH):
        sl = slice(p * eh, (p + 1) * eh)
        s3d = senders[sl].reshape(NW, nchunk_p, gcp)
        r3d = receivers[sl].reshape(NW, nchunk_p, gcp)
        gs_i, gr_i = _sc_gather(ps, pr, s3d, r3d, eh)
        lm4 = _edge_call(edge_attr, gs_i, gr_i, a_bf, b1e, w2_bf,
                         b2e, p * (eh // EB))
        parts.append(tuple(lm4[j] for j in range(4)))

    l_arr, a_arr, b_arr, c_arr = (
        jnp.concatenate([parts[p][j] for p in range(NPH)]) for j in range(4))

    epw = e // NW
    partials = _sc_scatter(l_arr, a_arr, b_arr, c_arr,
                           senders.reshape(NW, epw),
                           receivers.reshape(NW, epw),
                           de0, de1, ds0, ds1)

    res = _combine_call(nodebuf, partials)
    dzdt = res[:n, 0:2]
    deg_e = res[:n, 2:4].reshape(n, 2, 1)
    deg_s = res[:n, 4:6].reshape(n, 2, 1)
    return (dzdt, deg_e, deg_s)

# --- scband reference (transcript-rebuilt; emitter-appended) ---
"""Pipeline reference for scband-decoder-39298950758847 (READ-ONLY COPY).

The authoritative reference and input builder live on the scoring server;
editing this copy changes nothing except your own understanding.
"""

import jax, jax.numpy as jnp
import numpy as np

H = 128

def _init_linear(key, fan_in, fan_out):
    k1, k2 = jax.random.split(key)
    bound = 1.0 / np.sqrt(fan_in)
    W = jax.random.uniform(k1, (fan_in, fan_out), minval=-bound, maxval=bound, dtype=jnp.float32)
    b = jax.random.uniform(k2, (fan_out,), minval=-bound, maxval=bound, dtype=jnp.float32)
    return W, b

def _init_mlp(key, in_size, hidden, out):
    k1, k2 = jax.random.split(key)
    W1, b1 = _init_linear(k1, in_size, hidden)
    W2, b2 = _init_linear(k2, hidden, out)
    return {"W1": W1, "b1": b1, "W2": W2, "b2": b2}

def _mlp(p, x):
    h = jax.nn.silu(x @ p["W1"] + p["b1"])
    return h @ p["W2"] + p["b2"]

def _build_L(l):
    # output_size=2: strict lower triangle has 1 entry at (1,0)
    L = jnp.zeros((l.shape[0], 2, 2), dtype=l.dtype)
    return L.at[:, 1, 0].set(l[:, 0])

def _build_M(m):
    # output_size=2: lower triangle (incl diag) has entries (0,0),(1,0),(1,1) in row-major order
    M = jnp.zeros((m.shape[0], 2, 2), dtype=m.dtype)
    M = M.at[:, 0, 0].set(m[:, 0])
    M = M.at[:, 1, 0].set(m[:, 1])
    M = M.at[:, 1, 1].set(m[:, 2])
    return M

def setup_inputs(seed: int = 0):
    key = jax.random.key(seed)
    ks = jax.random.split(key, 9)
    N, E = 10000, 320000
    node_attr = jax.random.normal(ks[0], (N, H), dtype=jnp.float32)
    edge_attr = jax.random.normal(ks[1], (E, H), dtype=jnp.float32)
    edge_index = jax.random.randint(ks[2], (2, E), 0, N, dtype=jnp.int32)
    params = {
        "energy": _init_mlp(ks[3], H, H, 2),
        "entropy": _init_mlp(ks[4], H, H, 2),
        "L_n": _init_mlp(ks[5], H, H, 1),
        "M_n": _init_mlp(ks[6], H, H, 3),
        "L_e": _init_mlp(ks[7], 3 * H, H, 1),
        "M_e": _init_mlp(ks[8], 3 * H, H, 3),
    }
    return {"node_attr": node_attr, "edge_attr": edge_attr, "params": params, "edge_index": edge_index}

def reference(node_attr, edge_attr, params, edge_index):
    senders, receivers = edge_index[0], edge_index[1]
    N = node_attr.shape[0]
    dEdz = _mlp(params["energy"], node_attr)[..., None]
    dSdz = _mlp(params["entropy"], node_attr)[..., None]
    l_n = _mlp(params["L_n"], node_attr)
    m_n = _mlp(params["M_n"], node_attr)
    e_in = jnp.concatenate([edge_attr, node_attr[senders], node_attr[receivers]], axis=1)
    l_e = _mlp(params["L_e"], e_in)
    m_e = _mlp(params["M_e"], e_in)
    L_n = _build_L(l_n)
    M_n = _build_M(m_n)
    L_nodes = L_n - jnp.transpose(L_n, (0, 2, 1))
    M_nodes = jnp.matmul(M_n, jnp.transpose(M_n, (0, 2, 1)))
    L_e_m = _build_L(l_e)
    M_e_m = _build_M(m_e)
    L_edges = L_e_m - jnp.transpose(L_e_m, (0, 2, 1))
    M_edges = jnp.matmul(M_e_m, jnp.transpose(M_e_m, (0, 2, 1)))
    L_dEdz_nodes = jnp.matmul(L_nodes, dEdz)
    M_dSdz_nodes = jnp.matmul(M_nodes, dSdz)
    nodes_term = L_dEdz_nodes + M_dSdz_nodes
    edges_term = jnp.matmul(L_edges, dEdz[senders]) + jnp.matmul(M_edges, dSdz[senders])
    agg = jax.ops.segment_sum(edges_term[:, :, 0], receivers, num_segments=N)
    dzdt_net = nodes_term[:, :, 0] - agg
    deg_E = jnp.matmul(M_nodes, dEdz)
    deg_S = jnp.matmul(L_nodes, dSdz)
    return (dzdt_net, deg_E, deg_S)

if __name__ == "__main__":
    import jax
    _d = setup_inputs()
    print(jax.jit(kernel)(*tuple(_d.values())))

</pallas_src>

<mosaic_0001>
#map = affine_map<(d0, d1) -> (0, 0)>
#map1 = affine_map<(d0, d1) -> (0, 0, 0)>
module attributes {stable_mosaic.version = 14 : i64} {
  func.func @k(%arg0: i32, %arg1: i32, %arg2: memref<10240x128xi32, #tpu.memory_space<hbm>>, %arg3: memref<10240x128xi32, #tpu.memory_space<hbm>>, %arg4: memref<32x25x80xi32, #tpu.memory_space<hbm>>, %arg5: memref<32x25x80xi32, #tpu.memory_space<hbm>>, %arg6: memref<64000x128xi32, #tpu.memory_space<hbm>>, %arg7: memref<64000x128xi32, #tpu.memory_space<hbm>>, %arg8: memref<25x80xi32, #tpu.memory_space<vmem>>, %arg9: memref<25x80xi32, #tpu.memory_space<vmem>>, %arg10: memref<80x128xi32, #tpu.memory_space<vmem>>, %arg11: memref<80x128xi32, #tpu.memory_space<vmem>>, %arg12: memref<!tpu.dma_semaphore, #tpu.memory_space<semaphore_mem>>) attributes {dimension_semantics = [#tpu.dimension_semantics<core_parallel>, #tpu.dimension_semantics<subcore_parallel>], iteration_bounds = array<i64: 2, 16>, scalar_prefetch = 0 : i64, scratch_operands = 5 : i64, tpu.core_type = #tpu.core_type<sc_vector_subcore>, window_params = [{transform_indices = #map}, {transform_indices = #map}, {transform_indices = #map1}, {transform_indices = #map1}, {transform_indices = #map}, {transform_indices = #map}]} {
    %mul3A = arith.constant 2 : i32
    %mul3A_0 = arith.muli %arg1, %mul3A : i32
    %add3A = arith.addi %mul3A_0, %arg0 : i32
    %mul3A_1 = arith.constant 2000 : i32
    %mul3A_2 = arith.muli %add3A, %mul3A_1 : i32
    "tpu.region"() ({
      %run_scoped3A = tpu.sem_alloc : memref<!tpu.dma_semaphore, #tpu.memory_space<semaphore_mem>>
      %dma_start3A = arith.constant 0 : i32
      %dma_start3A_8 = arith.constant 0 : i32
      %dma_start3A_9 = tpu.memref_slice %arg4[%add3A, %dma_start3A, %dma_start3A_8] : memref<32x25x80xi32, #tpu.memory_space<hbm>> -> memref<1x25x80xi32, #tpu.memory_space<hbm>>
      %dma_start3A_10 = tpu.memref_squeeze %dma_start3A_9 : memref<1x25x80xi32, #tpu.memory_space<hbm>> -> memref<25x80xi32, #tpu.memory_space<hbm>>
      %dma_start3A_11 = arith.constant 0 : i32
      %dma_start3A_12 = arith.constant 0 : i32
      %dma_start3A_13 = tpu.memref_slice %arg4[%add3A, %dma_start3A_11, %dma_start3A_12] : memref<32x25x80xi32, #tpu.memory_space<hbm>> -> memref<1x25x80xi32, #tpu.memory_space<hbm>>
      %dma_start3A_14 = tpu.memref_squeeze %dma_start3A_13 : memref<1x25x80xi32, #tpu.memory_space<hbm>> -> memref<25x80xi32, #tpu.memory_space<hbm>>
      tpu.enqueue_dma source(%dma_start3A_14 : memref<25x80xi32, #tpu.memory_space<hbm>>) target(%arg8 : memref<25x80xi32, #tpu.memory_space<vmem>>) target_semaphore(%run_scoped3A : memref<!tpu.dma_semaphore, #tpu.memory_space<semaphore_mem>>)
      %dma_wait3A = arith.constant 0 : i32
      %dma_wait3A_15 = arith.constant 0 : i32
      %dma_wait3A_16 = tpu.memref_slice %arg4[%add3A, %dma_wait3A, %dma_wait3A_15] : memref<32x25x80xi32, #tpu.memory_space<hbm>> -> memref<1x25x80xi32, #tpu.memory_space<hbm>>
      %dma_wait3A_17 = tpu.memref_squeeze %dma_wait3A_16 : memref<1x25x80xi32, #tpu.memory_space<hbm>> -> memref<25x80xi32, #tpu.memory_space<hbm>>
      %dma_wait3A_18 = arith.constant 0 : i32
      %dma_wait3A_19 = arith.constant 0 : i32
      %dma_wait3A_20 = tpu.memref_slice %arg4[%add3A, %dma_wait3A_18, %dma_wait3A_19] : memref<32x25x80xi32, #tpu.memory_space<hbm>> -> memref<1x25x80xi32, #tpu.memory_space<hbm>>
      %dma_wait3A_21 = tpu.memref_squeeze %dma_wait3A_20 : memref<1x25x80xi32, #tpu.memory_space<hbm>> -> memref<25x80xi32, #tpu.memory_space<hbm>>
      tpu.wait_dma2 semaphore(%run_scoped3A : memref<!tpu.dma_semaphore, #tpu.memory_space<semaphore_mem>>) src(%dma_wait3A_21 : memref<25x80xi32, #tpu.memory_space<hbm>>) dst(%arg8 : memref<25x80xi32, #tpu.memory_space<vmem>>)
      tpu.yield
    }) : () -> ()
    "tpu.region"() ({
      %run_scoped3A = tpu.sem_alloc : memref<!tpu.dma_semaphore, #tpu.memory_space<semaphore_mem>>
      %dma_start3A = arith.constant 0 : i32
      %dma_start3A_8 = arith.constant 0 : i32
      %dma_start3A_9 = tpu.memref_slice %arg5[%add3A, %dma_start3A, %dma_start3A_8] : memref<32x25x80xi32, #tpu.memory_space<hbm>> -> memref<1x25x80xi32, #tpu.memory_space<hbm>>
      %dma_start3A_10 = tpu.memref_squeeze %dma_start3A_9 : memref<1x25x80xi32, #tpu.memory_space<hbm>> -> memref<25x80xi32, #tpu.memory_space<hbm>>
      %dma_start3A_11 = arith.constant 0 : i32
      %dma_start3A_12 = arith.constant 0 : i32
      %dma_start3A_13 = tpu.memref_slice %arg5[%add3A, %dma_start3A_11, %dma_start3A_12] : memref<32x25x80xi32, #tpu.memory_space<hbm>> -> memref<1x25x80xi32, #tpu.memory_space<hbm>>
      %dma_start3A_14 = tpu.memref_squeeze %dma_start3A_13 : memref<1x25x80xi32, #tpu.memory_space<hbm>> -> memref<25x80xi32, #tpu.memory_space<hbm>>
      tpu.enqueue_dma source(%dma_start3A_14 : memref<25x80xi32, #tpu.memory_space<hbm>>) target(%arg9 : memref<25x80xi32, #tpu.memory_space<vmem>>) target_semaphore(%run_scoped3A : memref<!tpu.dma_semaphore, #tpu.memory_space<semaphore_mem>>)
      %dma_wait3A = arith.constant 0 : i32
      %dma_wait3A_15 = arith.constant 0 : i32
      %dma_wait3A_16 = tpu.memref_slice %arg5[%add3A, %dma_wait3A, %dma_wait3A_15] : memref<32x25x80xi32, #tpu.memory_space<hbm>> -> memref<1x25x80xi32, #tpu.memory_space<hbm>>
      %dma_wait3A_17 = tpu.memref_squeeze %dma_wait3A_16 : memref<1x25x80xi32, #tpu.memory_space<hbm>> -> memref<25x80xi32, #tpu.memory_space<hbm>>
      %dma_wait3A_18 = arith.constant 0 : i32
      %dma_wait3A_19 = arith.constant 0 : i32
      %dma_wait3A_20 = tpu.memref_slice %arg5[%add3A, %dma_wait3A_18, %dma_wait3A_19] : memref<32x25x80xi32, #tpu.memory_space<hbm>> -> memref<1x25x80xi32, #tpu.memory_space<hbm>>
      %dma_wait3A_21 = tpu.memref_squeeze %dma_wait3A_20 : memref<1x25x80xi32, #tpu.memory_space<hbm>> -> memref<25x80xi32, #tpu.memory_space<hbm>>
      tpu.wait_dma2 semaphore(%run_scoped3A : memref<!tpu.dma_semaphore, #tpu.memory_space<semaphore_mem>>) src(%dma_wait3A_21 : memref<25x80xi32, #tpu.memory_space<hbm>>) dst(%arg9 : memref<25x80xi32, #tpu.memory_space<vmem>>)
      tpu.yield
    }) : () -> ()
    %scan3A = arith.constant 0 : i32
    %scan3A_3 = arith.constant 0 : i32
    %scan3A_4 = arith.constant 25 : i32
    %scan3A_5 = arith.addi %scan3A_3, %scan3A_4 : i32
    %scan3A_6 = arith.constant 1 : i32
    scf.for %scan3A_8 = %scan3A_3 to %scan3A_5 step %scan3A_6  : i32 {
      %dma_start3A = arith.constant 0 : i32
      %dma_start3A_9 = tpu.memref_slice %arg8[%scan3A_8, %dma_start3A] : memref<25x80xi32, #tpu.memory_space<vmem>> -> memref<1x80xi32, #tpu.memory_space<vmem>>
      %dma_start3A_10 = tpu.memref_squeeze %dma_start3A_9 : memref<1x80xi32, #tpu.memory_space<vmem>> -> memref<80xi32, #tpu.memory_space<vmem>>
      %dma_start3A_11 = arith.constant 0 : i32
      %dma_start3A_12 = arith.constant 0 : i32
      %dma_start3A_13 = tpu.memref_slice %arg2[%dma_start3A_11, %dma_start3A_12] : memref<10240x128xi32, #tpu.memory_space<hbm>> -> memref<10240x128xi32, #tpu.memory_space<hbm>>
      tpu.enqueue_indirect_dma source(%dma_start3A_13 : memref<10240x128xi32, #tpu.memory_space<hbm>>) target(%arg10 : memref<80x128xi32, #tpu.memory_space<vmem>>) offsets(%dma_start3A_10 : memref<80xi32, #tpu.memory_space<vmem>>) semaphore(%arg12 : memref<!tpu.dma_semaphore, #tpu.memory_space<semaphore_mem>>)
      %dma_wait3A = arith.constant 0 : i32
      %dma_wait3A_14 = tpu.memref_slice %arg8[%scan3A_8, %dma_wait3A] : memref<25x80xi32, #tpu.memory_space<vmem>> -> memref<1x80xi32, #tpu.memory_space<vmem>>
      %dma_wait3A_15 = tpu.memref_squeeze %dma_wait3A_14 : memref<1x80xi32, #tpu.memory_space<vmem>> -> memref<80xi32, #tpu.memory_space<vmem>>
      %dma_wait3A_16 = arith.constant 0 : i32
      %dma_wait3A_17 = arith.constant 0 : i32
      %dma_wait3A_18 = tpu.memref_slice %arg2[%dma_wait3A_16, %dma_wait3A_17] : memref<10240x128xi32, #tpu.memory_space<hbm>> -> memref<10240x128xi32, #tpu.memory_space<hbm>>
      tpu.wait_indirect_dma semaphore(%arg12 : memref<!tpu.dma_semaphore, #tpu.memory_space<semaphore_mem>>) src(%dma_wait3A_18 : memref<10240x128xi32, #tpu.memory_space<hbm>>) dst(%arg10 : memref<80x128xi32, #tpu.memory_space<vmem>>)
      %dma_start3A_19 = arith.constant 0 : i32
      %dma_start3A_20 = tpu.memref_slice %arg9[%scan3A_8, %dma_start3A_19] : memref<25x80xi32, #tpu.memory_space<vmem>> -> memref<1x80xi32, #tpu.memory_space<vmem>>
      %dma_start3A_21 = tpu.memref_squeeze %dma_start3A_20 : memref<1x80xi32, #tpu.memory_space<vmem>> -> memref<80xi32, #tpu.memory_space<vmem>>
      %dma_start3A_22 = arith.constant 0 : i32
      %dma_start3A_23 = arith.constant 0 : i32
      %dma_start3A_24 = tpu.memref_slice %arg3[%dma_start3A_22, %dma_start3A_23] : memref<10240x128xi32, #tpu.memory_space<hbm>> -> memref<10240x128xi32, #tpu.memory_space<hbm>>
      tpu.enqueue_indirect_dma source(%dma_start3A_24 : memref<10240x128xi32, #tpu.memory_space<hbm>>) target(%arg11 : memref<80x128xi32, #tpu.memory_space<vmem>>) offsets(%dma_start3A_21 : memref<80xi32, #tpu.memory_space<vmem>>) semaphore(%arg12 : memref<!tpu.dma_semaphore, #tpu.memory_space<semaphore_mem>>)
      %dma_wait3A_25 = arith.constant 0 : i32
      %dma_wait3A_26 = tpu.memref_slice %arg9[%scan3A_8, %dma_wait3A_25] : memref<25x80xi32, #tpu.memory_space<vmem>> -> memref<1x80xi32, #tpu.memory_space<vmem>>
      %dma_wait3A_27 = tpu.memref_squeeze %dma_wait3A_26 : memref<1x80xi32, #tpu.memory_space<vmem>> -> memref<80xi32, #tpu.memory_space<vmem>>
      %dma_wait3A_28 = arith.constant 0 : i32
      %dma_wait3A_29 = arith.constant 0 : i32
      %dma_wait3A_30 = tpu.memref_slice %arg3[%dma_wait3A_28, %dma_wait3A_29] : memref<10240x128xi32, #tpu.memory_space<hbm>> -> memref<10240x128xi32, #tpu.memory_space<hbm>>
      tpu.wait_indirect_dma semaphore(%arg12 : memref<!tpu.dma_semaphore, #tpu.memory_space<semaphore_mem>>) src(%dma_wait3A_30 : memref<10240x128xi32, #tpu.memory_space<hbm>>) dst(%arg11 : memref<80x128xi32, #tpu.memory_space<vmem>>)
      %mul3A_31 = arith.constant 80 : i32
      %mul3A_32 = arith.muli %scan3A_8, %mul3A_31 : i32
      %add3A_33 = arith.addi %mul3A_2, %mul3A_32 : i32
      "tpu.region"() ({
        %run_scoped3A = tpu.sem_alloc : memref<!tpu.dma_semaphore, #tpu.memory_space<semaphore_mem>>
        %dma_start3A_34 = arith.constant 0 : i32
        %dma_start3A_35 = tpu.memref_slice %arg6[%add3A_33, %dma_start3A_34] : memref<64000x128xi32, #tpu.memory_space<hbm>> -> memref<80x128xi32, #tpu.memory_space<hbm>>
        %dma_start3A_36 = arith.constant 0 : i32
        %dma_start3A_37 = tpu.memref_slice %arg6[%add3A_33, %dma_start3A_36] : memref<64000x128xi32, #tpu.memory_space<hbm>> -> memref<80x128xi32, #tpu.memory_space<hbm>>
        tpu.enqueue_dma source(%arg10 : memref<80x128xi32, #tpu.memory_space<vmem>>) target(%dma_start3A_37 : memref<80x128xi32, #tpu.memory_space<hbm>>) target_semaphore(%run_scoped3A : memref<!tpu.dma_semaphore, #tpu.memory_space<semaphore_mem>>)
        %dma_wait3A_38 = arith.constant 0 : i32
        %dma_wait3A_39 = tpu.memref_slice %arg6[%add3A_33, %dma_wait3A_38] : memref<64000x128xi32, #tpu.memory_space<hbm>> -> memref<80x128xi32, #tpu.memory_space<hbm>>
        %dma_wait3A_40 = arith.constant 0 : i32
        %dma_wait3A_41 = tpu.memref_slice %arg6[%add3A_33, %dma_wait3A_40] : memref<64000x128xi32, #tpu.memory_space<hbm>> -> memref<80x128xi32, #tpu.memory_space<hbm>>
        tpu.wait_dma2 semaphore(%run_scoped3A : memref<!tpu.dma_semaphore, #tpu.memory_space<semaphore_mem>>) src(%arg10 : memref<80x128xi32, #tpu.memory_space<vmem>>) dst(%dma_wait3A_41 : memref<80x128xi32, #tpu.memory_space<hbm>>)
        tpu.yield
      }) : () -> ()
      "tpu.region"() ({
        %run_scoped3A = tpu.sem_alloc : memref<!tpu.dma_semaphore, #tpu.memory_space<semaphore_mem>>
        %dma_start3A_34 = arith.constant 0 : i32
        %dma_start3A_35 = tpu.memref_slice %arg7[%add3A_33, %dma_start3A_34] : memref<64000x128xi32, #tpu.memory_space<hbm>> -> memref<80x128xi32, #tpu.memory_space<hbm>>
        %dma_start3A_36 = arith.constant 0 : i32
        %dma_start3A_37 = tpu.memref_slice %arg7[%add3A_33, %dma_start3A_36] : memref<64000x128xi32, #tpu.memory_space<hbm>> -> memref<80x128xi32, #tpu.memory_space<hbm>>
        tpu.enqueue_dma source(%arg11 : memref<80x128xi32, #tpu.memory_space<vmem>>) target(%dma_start3A_37 : memref<80x128xi32, #tpu.memory_space<hbm>>) target_semaphore(%run_scoped3A : memref<!tpu.dma_semaphore, #tpu.memory_space<semaphore_mem>>)
        %dma_wait3A_38 = arith.constant 0 : i32
        %dma_wait3A_39 = tpu.memref_slice %arg7[%add3A_33, %dma_wait3A_38] : memref<64000x128xi32, #tpu.memory_space<hbm>> -> memref<80x128xi32, #tpu.memory_space<hbm>>
        %dma_wait3A_40 = arith.constant 0 : i32
        %dma_wait3A_41 = tpu.memref_slice %arg7[%add3A_33, %dma_wait3A_40] : memref<64000x128xi32, #tpu.memory_space<hbm>> -> memref<80x128xi32, #tpu.memory_space<hbm>>
        tpu.wait_dma2 semaphore(%run_scoped3A : memref<!tpu.dma_semaphore, #tpu.memory_space<semaphore_mem>>) src(%arg11 : memref<80x128xi32, #tpu.memory_space<vmem>>) dst(%dma_wait3A_41 : memref<80x128xi32, #tpu.memory_space<hbm>>)
        tpu.yield
      }) : () -> ()
    }
    %scan3A_7 = arith.constant 25 : i32
    return
  }
}

#map = affine_map<(d0, d1) -> (0, 0)>
#map1 = affine_map<(d0, d1) -> (0, 0, 0)>
module attributes {stable_mosaic.version = 14 : i64} {
  func.func @k(%arg0: i32, %arg1: i32, %arg2: memref<10240x128xi32, #tpu.memory_space<hbm>>, %arg3: memref<10240x128xi32, #tpu.memory_space<hbm>>, %arg4: memref<32x25x80xi32, #tpu.memory_space<hbm>>, %arg5: memref<32x25x80xi32, #tpu.memory_space<hbm>>, %arg6: memref<64000x128xi32, #tpu.memory_space<hbm>>, %arg7: memref<64000x128xi32, #tpu.memory_space<hbm>>, %arg8: memref<25x80xi32, #tpu.memory_space<vmem>>, %arg9: memref<25x80xi32, #tpu.memory_space<vmem>>, %arg10: memref<80x128xi32, #tpu.memory_space<vmem>>, %arg11: memref<80x128xi32, #tpu.memory_space<vmem>>, %arg12: memref<!tpu.dma_semaphore, #tpu.memory_space<semaphore_mem>>) attributes {dimension_semantics = [#tpu.dimension_semantics<core_parallel>, #tpu.dimension_semantics<subcore_parallel>], iteration_bounds = array<i64: 2, 16>, scalar_prefetch = 0 : i64, scratch_operands = 5 : i64, tpu.core_type = #tpu.core_type<sc_vector_subcore>, window_params = [{transform_indices = #map}, {transform_indices = #map}, {transform_indices = #map1}, {transform_indices = #map1}, {transform_indices = #map}, {transform_indices = #map}]} {
    %mul3A = arith.constant 2 : i32
    %mul3A_0 = arith.muli %arg1, %mul3A : i32
    %add3A = arith.addi %mul3A_0, %arg0 : i32
    %mul3A_1 = arith.constant 2000 : i32
    %mul3A_2 = arith.muli %add3A, %mul3A_1 : i32
    "tpu.region"() ({
      %run_scoped3A = tpu.sem_alloc : memref<!tpu.dma_semaphore, #tpu.memory_space<semaphore_mem>>
      %dma_start3A = arith.constant 0 : i32
      %dma_start3A_8 = arith.constant 0 : i32
      %dma_start3A_9 = tpu.memref_slice %arg4[%add3A, %dma_start3A, %dma_start3A_8] : memref<32x25x80xi32, #tpu.memory_space<hbm>> -> memref<1x25x80xi32, #tpu.memory_space<hbm>>
      %dma_start3A_10 = tpu.memref_squeeze %dma_start3A_9 : memref<1x25x80xi32, #tpu.memory_space<hbm>> -> memref<25x80xi32, #tpu.memory_space<hbm>>
      %dma_start3A_11 = arith.constant 0 : i32
      %dma_start3A_12 = arith.constant 0 : i32
      %dma_start3A_13 = tpu.memref_slice %arg4[%add3A, %dma_start3A_11, %dma_start3A_12] : memref<32x25x80xi32, #tpu.memory_space<hbm>> -> memref<1x25x80xi32, #tpu.memory_space<hbm>>
      %dma_start3A_14 = tpu.memref_squeeze %dma_start3A_13 : memref<1x25x80xi32, #tpu.memory_space<hbm>> -> memref<25x80xi32, #tpu.memory_space<hbm>>
      tpu.enqueue_dma source(%dma_start3A_14 : memref<25x80xi32, #tpu.memory_space<hbm>>) target(%arg8 : memref<25x80xi32, #tpu.memory_space<vmem>>) target_semaphore(%run_scoped3A : memref<!tpu.dma_semaphore, #tpu.memory_space<semaphore_mem>>)
      %dma_wait3A = arith.constant 0 : i32
      %dma_wait3A_15 = arith.constant 0 : i32
      %dma_wait3A_16 = tpu.memref_slice %arg4[%add3A, %dma_wait3A, %dma_wait3A_15] : memref<32x25x80xi32, #tpu.memory_space<hbm>> -> memref<1x25x80xi32, #tpu.memory_space<hbm>>
      %dma_wait3A_17 = tpu.memref_squeeze %dma_wait3A_16 : memref<1x25x80xi32, #tpu.memory_space<hbm>> -> memref<25x80xi32, #tpu.memory_space<hbm>>
      %dma_wait3A_18 = arith.constant 0 : i32
      %dma_wait3A_19 = arith.constant 0 : i32
      %dma_wait3A_20 = tpu.memref_slice %arg4[%add3A, %dma_wait3A_18, %dma_wait3A_19] : memref<32x25x80xi32, #tpu.memory_space<hbm>> -> memref<1x25x80xi32, #tpu.memory_space<hbm>>
      %dma_wait3A_21 = tpu.memref_squeeze %dma_wait3A_20 : memref<1x25x80xi32, #tpu.memory_space<hbm>> -> memref<25x80xi32, #tpu.memory_space<hbm>>
      tpu.wait_dma2 semaphore(%run_scoped3A : memref<!tpu.dma_semaphore, #tpu.memory_space<semaphore_mem>>) src(%dma_wait3A_21 : memref<25x80xi32, #tpu.memory_space<hbm>>) dst(%arg8 : memref<25x80xi32, #tpu.memory_space<vmem>>)
      tpu.yield
    }) : () -> ()
    "tpu.region"() ({
      %run_scoped3A = tpu.sem_alloc : memref<!tpu.dma_semaphore, #tpu.memory_space<semaphore_mem>>
      %dma_start3A = arith.constant 0 : i32
      %dma_start3A_8 = arith.constant 0 : i32
      %dma_start3A_9 = tpu.memref_slice %arg5[%add3A, %dma_start3A, %dma_start3A_8] : memref<32x25x80xi32, #tpu.memory_space<hbm>> -> memref<1x25x80xi32, #tpu.memory_space<hbm>>
      %dma_start3A_10 = tpu.memref_squeeze %dma_start3A_9 : memref<1x25x80xi32, #tpu.memory_space<hbm>> -> memref<25x80xi32, #tpu.memory_space<hbm>>
      %dma_start3A_11 = arith.constant 0 : i32
      %dma_start3A_12 = arith.constant 0 : i32
      %dma_start3A_13 = tpu.memref_slice %arg5[%add3A, %dma_start3A_11, %dma_start3A_12] : memref<32x25x80xi32, #tpu.memory_space<hbm>> -> memref<1x25x80xi32, #tpu.memory_space<hbm>>
      %dma_start3A_14 = tpu.memref_squeeze %dma_start3A_13 : memref<1x25x80xi32, #tpu.memory_space<hbm>> -> memref<25x80xi32, #tpu.memory_space<hbm>>
      tpu.enqueue_dma source(%dma_start3A_14 : memref<25x80xi32, #tpu.memory_space<hbm>>) target(%arg9 : memref<25x80xi32, #tpu.memory_space<vmem>>) target_semaphore(%run_scoped3A : memref<!tpu.dma_semaphore, #tpu.memory_space<semaphore_mem>>)
      %dma_wait3A = arith.constant 0 : i32
      %dma_wait3A_15 = arith.constant 0 : i32
      %dma_wait3A_16 = tpu.memref_slice %arg5[%add3A, %dma_wait3A, %dma_wait3A_15] : memref<32x25x80xi32, #tpu.memory_space<hbm>> -> memref<1x25x80xi32, #tpu.memory_space<hbm>>
      %dma_wait3A_17 = tpu.memref_squeeze %dma_wait3A_16 : memref<1x25x80xi32, #tpu.memory_space<hbm>> -> memref<25x80xi32, #tpu.memory_space<hbm>>
      %dma_wait3A_18 = arith.constant 0 : i32
      %dma_wait3A_19 = arith.constant 0 : i32
      %dma_wait3A_20 = tpu.memref_slice %arg5[%add3A, %dma_wait3A_18, %dma_wait3A_19] : memref<32x25x80xi32, #tpu.memory_space<hbm>> -> memref<1x25x80xi32, #tpu.memory_space<hbm>>
      %dma_wait3A_21 = tpu.memref_squeeze %dma_wait3A_20 : memref<1x25x80xi32, #tpu.memory_space<hbm>> -> memref<25x80xi32, #tpu.memory_space<hbm>>
      tpu.wait_dma2 semaphore(%run_scoped3A : memref<!tpu.dma_semaphore, #tpu.memory_space<semaphore_mem>>) src(%dma_wait3A_21 : memref<25x80xi32, #tpu.memory_space<hbm>>) dst(%arg9 : memref<25x80xi32, #tpu.memory_space<vmem>>)
      tpu.yield
    }) : () -> ()
    %scan3A = arith.constant 0 : i32
    %scan3A_3 = arith.constant 0 : i32
    %scan3A_4 = arith.constant 25 : i32
    %scan3A_5 = arith.addi %scan3A_3, %scan3A_4 : i32
    %scan3A_6 = arith.constant 1 : i32
    scf.for %scan3A_8 = %scan3A_3 to %scan3A_5 step %scan3A_6  : i32 {
      %dma_start3A = arith.constant 0 : i32
      %dma_start3A_9 = tpu.memref_slice %arg8[%scan3A_8, %dma_start3A] : memref<25x80xi32, #tpu.memory_space<vmem>> -> memref<1x80xi32, #tpu.memory_space<vmem>>
      %dma_start3A_10 = tpu.memref_squeeze %dma_start3A_9 : memref<1x80xi32, #tpu.memory_space<vmem>> -> memref<80xi32, #tpu.memory_space<vmem>>
      %dma_start3A_11 = arith.constant 0 : i32
      %dma_start3A_12 = arith.constant 0 : i32
      %dma_start3A_13 = tpu.memref_slice %arg2[%dma_start3A_11, %dma_start3A_12] : memref<10240x128xi32, #tpu.memory_space<hbm>> -> memref<10240x128xi32, #tpu.memory_space<hbm>>
      tpu.enqueue_indirect_dma source(%dma_start3A_13 : memref<10240x128xi32, #tpu.memory_space<hbm>>) target(%arg10 : memref<80x128xi32, #tpu.memory_space<vmem>>) offsets(%dma_start3A_10 : memref<80xi32, #tpu.memory_space<vmem>>) semaphore(%arg12 : memref<!tpu.dma_semaphore, #tpu.memory_space<semaphore_mem>>)
      %dma_wait3A = arith.constant 0 : i32
      %dma_wait3A_14 = tpu.memref_slice %arg8[%scan3A_8, %dma_wait3A] : memref<25x80xi32, #tpu.memory_space<vmem>> -> memref<1x80xi32, #tpu.memory_space<vmem>>
      %dma_wait3A_15 = tpu.memref_squeeze %dma_wait3A_14 : memref<1x80xi32, #tpu.memory_space<vmem>> -> memref<80xi32, #tpu.memory_space<vmem>>
      %dma_wait3A_16 = arith.constant 0 : i32
      %dma_wait3A_17 = arith.constant 0 : i32
      %dma_wait3A_18 = tpu.memref_slice %arg2[%dma_wait3A_16, %dma_wait3A_17] : memref<10240x128xi32, #tpu.memory_space<hbm>> -> memref<10240x128xi32, #tpu.memory_space<hbm>>
      tpu.wait_indirect_dma semaphore(%arg12 : memref<!tpu.dma_semaphore, #tpu.memory_space<semaphore_mem>>) src(%dma_wait3A_18 : memref<10240x128xi32, #tpu.memory_space<hbm>>) dst(%arg10 : memref<80x128xi32, #tpu.memory_space<vmem>>)
      %dma_start3A_19 = arith.constant 0 : i32
      %dma_start3A_20 = tpu.memref_slice %arg9[%scan3A_8, %dma_start3A_19] : memref<25x80xi32, #tpu.memory_space<vmem>> -> memref<1x80xi32, #tpu.memory_space<vmem>>
      %dma_start3A_21 = tpu.memref_squeeze %dma_start3A_20 : memref<1x80xi32, #tpu.memory_space<vmem>> -> memref<80xi32, #tpu.memory_space<vmem>>
      %dma_start3A_22 = arith.constant 0 : i32
      %dma_start3A_23 = arith.constant 0 : i32
      %dma_start3A_24 = tpu.memref_slice %arg3[%dma_start3A_22, %dma_start3A_23] : memref<10240x128xi32, #tpu.memory_space<hbm>> -> memref<10240x128xi32, #tpu.memory_space<hbm>>
      tpu.enqueue_indirect_dma source(%dma_start3A_24 : memref<10240x128xi32, #tpu.memory_space<hbm>>) target(%arg11 : memref<80x128xi32, #tpu.memory_space<vmem>>) offsets(%dma_start3A_21 : memref<80xi32, #tpu.memory_space<vmem>>) semaphore(%arg12 : memref<!tpu.dma_semaphore, #tpu.memory_space<semaphore_mem>>)
      %dma_wait3A_25 = arith.constant 0 : i32
      %dma_wait3A_26 = tpu.memref_slice %arg9[%scan3A_8, %dma_wait3A_25] : memref<25x80xi32, #tpu.memory_space<vmem>> -> memref<1x80xi32, #tpu.memory_space<vmem>>
      %dma_wait3A_27 = tpu.memref_squeeze %dma_wait3A_26 : memref<1x80xi32, #tpu.memory_space<vmem>> -> memref<80xi32, #tpu.memory_space<vmem>>
      %dma_wait3A_28 = arith.constant 0 : i32
      %dma_wait3A_29 = arith.constant 0 : i32
      %dma_wait3A_30 = tpu.memref_slice %arg3[%dma_wait3A_28, %dma_wait3A_29] : memref<10240x128xi32, #tpu.memory_space<hbm>> -> memref<10240x128xi32, #tpu.memory_space<hbm>>
      tpu.wait_indirect_dma semaphore(%arg12 : memref<!tpu.dma_semaphore, #tpu.memory_space<semaphore_mem>>) src(%dma_wait3A_30 : memref<10240x128xi32, #tpu.memory_space<hbm>>) dst(%arg11 : memref<80x128xi32, #tpu.memory_space<vmem>>)
      %mul3A_31 = arith.constant 80 : i32
      %mul3A_32 = arith.muli %scan3A_8, %mul3A_31 : i32
      %add3A_33 = arith.addi %mul3A_2, %mul3A_32 : i32
      "tpu.region"() ({
        %run_scoped3A = tpu.sem_alloc : memref<!tpu.dma_semaphore, #tpu.memory_space<semaphore_mem>>
        %dma_start3A_34 = arith.constant 0 : i32
        %dma_start3A_35 = tpu.memref_slice %arg6[%add3A_33, %dma_start3A_34] : memref<64000x128xi32, #tpu.memory_space<hbm>> -> memref<80x128xi32, #tpu.memory_space<hbm>>
        %dma_start3A_36 = arith.constant 0 : i32
        %dma_start3A_37 = tpu.memref_slice %arg6[%add3A_33, %dma_start3A_36] : memref<64000x128xi32, #tpu.memory_space<hbm>> -> memref<80x128xi32, #tpu.memory_space<hbm>>
        tpu.enqueue_dma source(%arg10 : memref<80x128xi32, #tpu.memory_space<vmem>>) target(%dma_start3A_37 : memref<80x128xi32, #tpu.memory_space<hbm>>) target_semaphore(%run_scoped3A : memref<!tpu.dma_semaphore, #tpu.memory_space<semaphore_mem>>)
        %dma_wait3A_38 = arith.constant 0 : i32
        %dma_wait3A_39 = tpu.memref_slice %arg6[%add3A_33, %dma_wait3A_38] : memref<64000x128xi32, #tpu.memory_space<hbm>> -> memref<80x128xi32, #tpu.memory_space<hbm>>
        %dma_wait3A_40 = arith.constant 0 : i32
        %dma_wait3A_41 = tpu.memref_slice %arg6[%add3A_33, %dma_wait3A_40] : memref<64000x128xi32, #tpu.memory_space<hbm>> -> memref<80x128xi32, #tpu.memory_space<hbm>>
        tpu.wait_dma2 semaphore(%run_scoped3A : memref<!tpu.dma_semaphore, #tpu.memory_space<semaphore_mem>>) src(%arg10 : memref<80x128xi32, #tpu.memory_space<vmem>>) dst(%dma_wait3A_41 : memref<80x128xi32, #tpu.memory_space<hbm>>)
        tpu.yield
      }) : () -> ()
      "tpu.region"() ({
        %run_scoped3A = tpu.sem_alloc : memref<!tpu.dma_semaphore, #tpu.memory_space<semaphore_mem>>
        %dma_start3A_34 = arith.constant 0 : i32
        %dma_start3A_35 = tpu.memref_slice %arg7[%add3A_33, %dma_start3A_34] : memref<64000x128xi32, #tpu.memory_space<hbm>> -> memref<80x128xi32, #tpu.memory_space<hbm>>
        %dma_start3A_36 = arith.constant 0 : i32
        %dma_start3A_37 = tpu.memref_slice %arg7[%add3A_33, %dma_start3A_36] : memref<64000x128xi32, #tpu.memory_space<hbm>> -> memref<80x128xi32, #tpu.memory_space<hbm>>
        tpu.enqueue_dma source(%arg11 : memref<80x128xi32, #tpu.memory_space<vmem>>) target(%dma_start3A_37 : memref<80x128xi32, #tpu.memory_space<hbm>>) target_semaphore(%run_scoped3A : memref<!tpu.dma_semaphore, #tpu.memory_space<semaphore_mem>>)
        %dma_wait3A_38 = arith.constant 0 : i32
        %dma_wait3A_39 = tpu.memref_slice %arg7[%add3A_33, %dma_wait3A_38] : memref<64000x128xi32, #tpu.memory_space<hbm>> -> memref<80x128xi32, #tpu.memory_space<hbm>>
        %dma_wait3A_40 = arith.constant 0 : i32
        %dma_wait3A_41 = tpu.memref_slice %arg7[%add3A_33, %dma_wait3A_40] : memref<64000x128xi32, #tpu.memory_space<hbm>> -> memref<80x128xi32, #tpu.memory_space<hbm>>
        tpu.wait_dma2 semaphore(%run_scoped3A : memref<!tpu.dma_semaphore, #tpu.memory_space<semaphore_mem>>) src(%arg11 : memref<80x128xi32, #tpu.memory_space<vmem>>) dst(%dma_wait3A_41 : memref<80x128xi32, #tpu.memory_space<hbm>>)
        tpu.yield
      }) : () -> ()
    }
    %scan3A_7 = arith.constant 25 : i32
    return
  }
}

#map = affine_map<(d0, d1) -> (0, 0)>
#map1 = affine_map<(d0, d1) -> (0, 0, 0)>
module attributes {stable_mosaic.version = 14 : i64} {
  func.func @k(%arg0: i32, %arg1: i32, %arg2: memref<10240x128xi32, #tpu.memory_space<hbm>>, %arg3: memref<10240x128xi32, #tpu.memory_space<hbm>>, %arg4: memref<32x25x80xi32, #tpu.memory_space<hbm>>, %arg5: memref<32x25x80xi32, #tpu.memory_space<hbm>>, %arg6: memref<64000x128xi32, #tpu.memory_space<hbm>>, %arg7: memref<64000x128xi32, #tpu.memory_space<hbm>>, %arg8: memref<25x80xi32, #tpu.memory_space<vmem>>, %arg9: memref<25x80xi32, #tpu.memory_space<vmem>>, %arg10: memref<80x128xi32, #tpu.memory_space<vmem>>, %arg11: memref<80x128xi32, #tpu.memory_space<vmem>>, %arg12: memref<!tpu.dma_semaphore, #tpu.memory_space<semaphore_mem>>) attributes {dimension_semantics = [#tpu.dimension_semantics<core_parallel>, #tpu.dimension_semantics<subcore_parallel>], iteration_bounds = array<i64: 2, 16>, scalar_prefetch = 0 : i64, scratch_operands = 5 : i64, tpu.core_type = #tpu.core_type<sc_vector_subcore>, window_params = [{transform_indices = #map}, {transform_indices = #map}, {transform_indices = #map1}, {transform_indices = #map1}, {transform_indices = #map}, {transform_indices = #map}]} {
    %mul3A = arith.constant 2 : i32
    %mul3A_0 = arith.muli %arg1, %mul3A : i32
    %add3A = arith.addi %mul3A_0, %arg0 : i32
    %mul3A_1 = arith.constant 2000 : i32
    %mul3A_2 = arith.muli %add3A, %mul3A_1 : i32
    "tpu.region"() ({
      %run_scoped3A = tpu.sem_alloc : memref<!tpu.dma_semaphore, #tpu.memory_space<semaphore_mem>>
      %dma_start3A = arith.constant 0 : i32
      %dma_start3A_8 = arith.constant 0 : i32
      %dma_start3A_9 = tpu.memref_slice %arg4[%add3A, %dma_start3A, %dma_start3A_8] : memref<32x25x80xi32, #tpu.memory_space<hbm>> -> memref<1x25x80xi32, #tpu.memory_space<hbm>>
      %dma_start3A_10 = tpu.memref_squeeze %dma_start3A_9 : memref<1x25x80xi32, #tpu.memory_space<hbm>> -> memref<25x80xi32, #tpu.memory_space<hbm>>
      %dma_start3A_11 = arith.constant 0 : i32
      %dma_start3A_12 = arith.constant 0 : i32
      %dma_start3A_13 = tpu.memref_slice %arg4[%add3A, %dma_start3A_11, %dma_start3A_12] : memref<32x25x80xi32, #tpu.memory_space<hbm>> -> memref<1x25x80xi32, #tpu.memory_space<hbm>>
      %dma_start3A_14 = tpu.memref_squeeze %dma_start3A_13 : memref<1x25x80xi32, #tpu.memory_space<hbm>> -> memref<25x80xi32, #tpu.memory_space<hbm>>
      tpu.enqueue_dma source(%dma_start3A_14 : memref<25x80xi32, #tpu.memory_space<hbm>>) target(%arg8 : memref<25x80xi32, #tpu.memory_space<vmem>>) target_semaphore(%run_scoped3A : memref<!tpu.dma_semaphore, #tpu.memory_space<semaphore_mem>>)
      %dma_wait3A = arith.constant 0 : i32
      %dma_wait3A_15 = arith.constant 0 : i32
      %dma_wait3A_16 = tpu.memref_slice %arg4[%add3A, %dma_wait3A, %dma_wait3A_15] : memref<32x25x80xi32, #tpu.memory_space<hbm>> -> memref<1x25x80xi32, #tpu.memory_space<hbm>>
      %dma_wait3A_17 = tpu.memref_squeeze %dma_wait3A_16 : memref<1x25x80xi32, #tpu.memory_space<hbm>> -> memref<25x80xi32, #tpu.memory_space<hbm>>
      %dma_wait3A_18 = arith.constant 0 : i32
      %dma_wait3A_19 = arith.constant 0 : i32
      %dma_wait3A_20 = tpu.memref_slice %arg4[%add3A, %dma_wait3A_18, %dma_wait3A_19] : memref<32x25x80xi32, #tpu.memory_space<hbm>> -> memref<1x25x80xi32, #tpu.memory_space<hbm>>
      %dma_wait3A_21 = tpu.memref_squeeze %dma_wait3A_20 : memref<1x25x80xi32, #tpu.memory_space<hbm>> -> memref<25x80xi32, #tpu.memory_space<hbm>>
      tpu.wait_dma2 semaphore(%run_scoped3A : memref<!tpu.dma_semaphore, #tpu.memory_space<semaphore_mem>>) src(%dma_wait3A_21 : memref<25x80xi32, #tpu.memory_space<hbm>>) dst(%arg8 : memref<25x80xi32, #tpu.memory_space<vmem>>)
      tpu.yield
    }) : () -> ()
    "tpu.region"() ({
      %run_scoped3A = tpu.sem_alloc : memref<!tpu.dma_semaphore, #tpu.memory_space<semaphore_mem>>
      %dma_start3A = arith.constant 0 : i32
      %dma_start3A_8 = arith.constant 0 : i32
      %dma_start3A_9 = tpu.memref_slice %arg5[%add3A, %dma_start3A, %dma_start3A_8] : memref<32x25x80xi32, #tpu.memory_space<hbm>> -> memref<1x25x80xi32, #tpu.memory_space<hbm>>
      %dma_start3A_10 = tpu.memref_squeeze %dma_start3A_9 : memref<1x25x80xi32, #tpu.memory_space<hbm>> -> memref<25x80xi32, #tpu.memory_space<hbm>>
      %dma_start3A_11 = arith.constant 0 : i32
      %dma_start3A_12 = arith.constant 0 : i32
      %dma_start3A_13 = tpu.memref_slice %arg5[%add3A, %dma_start3A_11, %dma_start3A_12] : memref<32x25x80xi32, #tpu.memory_space<hbm>> -> memref<1x25x80xi32, #tpu.memory_space<hbm>>
      %dma_start3A_14 = tpu.memref_squeeze %dma_start3A_13 : memref<1x25x80xi32, #tpu.memory_space<hbm>> -> memref<25x80xi32, #tpu.memory_space<hbm>>
      tpu.enqueue_dma source(%dma_start3A_14 : memref<25x80xi32, #tpu.memory_space<hbm>>) target(%arg9 : memref<25x80xi32, #tpu.memory_space<vmem>>) target_semaphore(%run_scoped3A : memref<!tpu.dma_semaphore, #tpu.memory_space<semaphore_mem>>)
      %dma_wait3A = arith.constant 0 : i32
      %dma_wait3A_15 = arith.constant 0 : i32
      %dma_wait3A_16 = tpu.memref_slice %arg5[%add3A, %dma_wait3A, %dma_wait3A_15] : memref<32x25x80xi32, #tpu.memory_space<hbm>> -> memref<1x25x80xi32, #tpu.memory_space<hbm>>
      %dma_wait3A_17 = tpu.memref_squeeze %dma_wait3A_16 : memref<1x25x80xi32, #tpu.memory_space<hbm>> -> memref<25x80xi32, #tpu.memory_space<hbm>>
      %dma_wait3A_18 = arith.constant 0 : i32
      %dma_wait3A_19 = arith.constant 0 : i32
      %dma_wait3A_20 = tpu.memref_slice %arg5[%add3A, %dma_wait3A_18, %dma_wait3A_19] : memref<32x25x80xi32, #tpu.memory_space<hbm>> -> memref<1x25x80xi32, #tpu.memory_space<hbm>>
      %dma_wait3A_21 = tpu.memref_squeeze %dma_wait3A_20 : memref<1x25x80xi32, #tpu.memory_space<hbm>> -> memref<25x80xi32, #tpu.memory_space<hbm>>
      tpu.wait_dma2 semaphore(%run_scoped3A : memref<!tpu.dma_semaphore, #tpu.memory_space<semaphore_mem>>) src(%dma_wait3A_21 : memref<25x80xi32, #tpu.memory_space<hbm>>) dst(%arg9 : memref<25x80xi32, #tpu.memory_space<vmem>>)
      tpu.yield
    }) : () -> ()
    %scan3A = arith.constant 0 : i32
    %scan3A_3 = arith.constant 0 : i32
    %scan3A_4 = arith.constant 25 : i32
    %scan3A_5 = arith.addi %scan3A_3, %scan3A_4 : i32
    %scan3A_6 = arith.constant 1 : i32
    scf.for %scan3A_8 = %scan3A_3 to %scan3A_5 step %scan3A_6  : i32 {
      %dma_start3A = arith.constant 0 : i32
      %dma_start3A_9 = tpu.memref_slice %arg8[%scan3A_8, %dma_start3A] : memref<25x80xi32, #tpu.memory_space<vmem>> -> memref<1x80xi32, #tpu.memory_space<vmem>>
      %dma_start3A_10 = tpu.memref_squeeze %dma_start3A_9 : memref<1x80xi32, #tpu.memory_space<vmem>> -> memref<80xi32, #tpu.memory_space<vmem>>
      %dma_start3A_11 = arith.constant 0 : i32
      %dma_start3A_12 = arith.constant 0 : i32
      %dma_start3A_13 = tpu.memref_slice %arg2[%dma_start3A_11, %dma_start3A_12] : memref<10240x128xi32, #tpu.memory_space<hbm>> -> memref<10240x128xi32, #tpu.memory_space<hbm>>
      tpu.enqueue_indirect_dma source(%dma_start3A_13 : memref<10240x128xi32, #tpu.memory_space<hbm>>) target(%arg10 : memref<80x128xi32, #tpu.memory_space<vmem>>) offsets(%dma_start3A_10 : memref<80xi32, #tpu.memory_space<vmem>>) semaphore(%arg12 : memref<!tpu.dma_semaphore, #tpu.memory_space<semaphore_mem>>)
      %dma_wait3A = arith.constant 0 : i32
      %dma_wait3A_14 = tpu.memref_slice %arg8[%scan3A_8, %dma_wait3A] : memref<25x80xi32, #tpu.memory_space<vmem>> -> memref<1x80xi32, #tpu.memory_space<vmem>>
      %dma_wait3A_15 = tpu.memref_squeeze %dma_wait3A_14 : memref<1x80xi32, #tpu.memory_space<vmem>> -> memref<80xi32, #tpu.memory_space<vmem>>
      %dma_wait3A_16 = arith.constant 0 : i32
      %dma_wait3A_17 = arith.constant 0 : i32
      %dma_wait3A_18 = tpu.memref_slice %arg2[%dma_wait3A_16, %dma_wait3A_17] : memref<10240x128xi32, #tpu.memory_space<hbm>> -> memref<10240x128xi32, #tpu.memory_space<hbm>>
      tpu.wait_indirect_dma semaphore(%arg12 : memref<!tpu.dma_semaphore, #tpu.memory_space<semaphore_mem>>) src(%dma_wait3A_18 : memref<10240x128xi32, #tpu.memory_space<hbm>>) dst(%arg10 : memref<80x128xi32, #tpu.memory_space<vmem>>)
      %dma_start3A_19 = arith.constant 0 : i32
      %dma_start3A_20 = tpu.memref_slice %arg9[%scan3A_8, %dma_start3A_19] : memref<25x80xi32, #tpu.memory_space<vmem>> -> memref<1x80xi32, #tpu.memory_space<vmem>>
      %dma_start3A_21 = tpu.memref_squeeze %dma_start3A_20 : memref<1x80xi32, #tpu.memory_space<vmem>> -> memref<80xi32, #tpu.memory_space<vmem>>
      %dma_start3A_22 = arith.constant 0 : i32
      %dma_start3A_23 = arith.constant 0 : i32
      %dma_start3A_24 = tpu.memref_slice %arg3[%dma_start3A_22, %dma_start3A_23] : memref<10240x128xi32, #tpu.memory_space<hbm>> -> memref<10240x128xi32, #tpu.memory_space<hbm>>
      tpu.enqueue_indirect_dma source(%dma_start3A_24 : memref<10240x128xi32, #tpu.memory_space<hbm>>) target(%arg11 : memref<80x128xi32, #tpu.memory_space<vmem>>) offsets(%dma_start3A_21 : memref<80xi32, #tpu.memory_space<vmem>>) semaphore(%arg12 : memref<!tpu.dma_semaphore, #tpu.memory_space<semaphore_mem>>)
      %dma_wait3A_25 = arith.constant 0 : i32
      %dma_wait3A_26 = tpu.memref_slice %arg9[%scan3A_8, %dma_wait3A_25] : memref<25x80xi32, #tpu.memory_space<vmem>> -> memref<1x80xi32, #tpu.memory_space<vmem>>
      %dma_wait3A_27 = tpu.memref_squeeze %dma_wait3A_26 : memref<1x80xi32, #tpu.memory_space<vmem>> -> memref<80xi32, #tpu.memory_space<vmem>>
      %dma_wait3A_28 = arith.constant 0 : i32
      %dma_wait3A_29 = arith.constant 0 : i32
      %dma_wait3A_30 = tpu.memref_slice %arg3[%dma_wait3A_28, %dma_wait3A_29] : memref<10240x128xi32, #tpu.memory_space<hbm>> -> memref<10240x128xi32, #tpu.memory_space<hbm>>
      tpu.wait_indirect_dma semaphore(%arg12 : memref<!tpu.dma_semaphore, #tpu.memory_space<semaphore_mem>>) src(%dma_wait3A_30 : memref<10240x128xi32, #tpu.memory_space<hbm>>) dst(%arg11 : memref<80x128xi32, #tpu.memory_space<vmem>>)
      %mul3A_31 = arith.constant 80 : i32
      %mul3A_32 = arith.muli %scan3A_8, %mul3A_31 : i32
      %add3A_33 = arith.addi %mul3A_2, %mul3A_32 : i32
      "tpu.region"() ({
        %run_scoped3A = tpu.sem_alloc : memref<!tpu.dma_semaphore, #tpu.memory_space<semaphore_mem>>
        %dma_start3A_34 = arith.constant 0 : i32
        %dma_start3A_35 = tpu.memref_slice %arg6[%add3A_33, %dma_start3A_34] : memref<64000x128xi32, #tpu.memory_space<hbm>> -> memref<80x128xi32, #tpu.memory_space<hbm>>
        %dma_start3A_36 = arith.constant 0 : i32
        %dma_start3A_37 = tpu.memref_slice %arg6[%add3A_33, %dma_start3A_36] : memref<64000x128xi32, #tpu.memory_space<hbm>> -> memref<80x128xi32, #tpu.memory_space<hbm>>
        tpu.enqueue_dma source(%arg10 : memref<80x128xi32, #tpu.memory_space<vmem>>) target(%dma_start3A_37 : memref<80x128xi32, #tpu.memory_space<hbm>>) target_semaphore(%run_scoped3A : memref<!tpu.dma_semaphore, #tpu.memory_space<semaphore_mem>>)
        %dma_wait3A_38 = arith.constant 0 : i32
        %dma_wait3A_39 = tpu.memref_slice %arg6[%add3A_33, %dma_wait3A_38] : memref<64000x128xi32, #tpu.memory_space<hbm>> -> memref<80x128xi32, #tpu.memory_space<hbm>>
        %dma_wait3A_40 = arith.constant 0 : i32
        %dma_wait3A_41 = tpu.memref_slice %arg6[%add3A_33, %dma_wait3A_40] : memref<64000x128xi32, #tpu.memory_space<hbm>> -> memref<80x128xi32, #tpu.memory_space<hbm>>
        tpu.wait_dma2 semaphore(%run_scoped3A : memref<!tpu.dma_semaphore, #tpu.memory_space<semaphore_mem>>) src(%arg10 : memref<80x128xi32, #tpu.memory_space<vmem>>) dst(%dma_wait3A_41 : memref<80x128xi32, #tpu.memory_space<hbm>>)
        tpu.yield
      }) : () -> ()
      "tpu.region"() ({
        %run_scoped3A = tpu.sem_alloc : memref<!tpu.dma_semaphore, #tpu.memory_space<semaphore_mem>>
        %dma_start3A_34 = arith.constant 0 : i32
        %dma_start3A_35 = tpu.memref_slice %arg7[%add3A_33, %dma_start3A_34] : memref<64000x128xi32, #tpu.memory_space<hbm>> -> memref<80x128xi32, #tpu.memory_space<hbm>>
        %dma_start3A_36 = arith.constant 0 : i32
        %dma_start3A_37 = tpu.memref_slice %arg7[%add3A_33, %dma_start3A_36] : memref<64000x128xi32, #tpu.memory_space<hbm>> -> memref<80x128xi32, #tpu.memory_space<hbm>>
        tpu.enqueue_dma source(%arg11 : memref<80x128xi32, #tpu.memory_space<vmem>>) target(%dma_start3A_37 : memref<80x128xi32, #tpu.memory_space<hbm>>) target_semaphore(%run_scoped3A : memref<!tpu.dma_semaphore, #tpu.memory_space<semaphore_mem>>)
        %dma_wait3A_38 = arith.constant 0 : i32
        %dma_wait3A_39 = tpu.memref_slice %arg7[%add3A_33, %dma_wait3A_38] : memref<64000x128xi32, #tpu.memory_space<hbm>> -> memref<80x128xi32, #tpu.memory_space<hbm>>
        %dma_wait3A_40 = arith.constant 0 : i32
        %dma_wait3A_41 = tpu.memref_slice %arg7[%add3A_33, %dma_wait3A_40] : memref<64000x128xi32, #tpu.memory_space<hbm>> -> memref<80x128xi32, #tpu.memory_space<hbm>>
        tpu.wait_dma2 semaphore(%run_scoped3A : memref<!tpu.dma_semaphore, #tpu.memory_space<semaphore_mem>>) src(%arg11 : memref<80x128xi32, #tpu.memory_space<vmem>>) dst(%dma_wait3A_41 : memref<80x128xi32, #tpu.memory_space<hbm>>)
        tpu.yield
      }) : () -> ()
    }
    %scan3A_7 = arith.constant 25 : i32
    return
  }
}

#map = affine_map<(d0, d1) -> (0, 0)>
#map1 = affine_map<(d0, d1) -> (0, 0, 0)>
module attributes {stable_mosaic.version = 14 : i64} {
  func.func @k(%arg0: i32, %arg1: i32, %arg2: memref<10240x128xi32, #tpu.memory_space<hbm>>, %arg3: memref<10240x128xi32, #tpu.memory_space<hbm>>, %arg4: memref<32x25x80xi32, #tpu.memory_space<hbm>>, %arg5: memref<32x25x80xi32, #tpu.memory_space<hbm>>, %arg6: memref<64000x128xi32, #tpu.memory_space<hbm>>, %arg7: memref<64000x128xi32, #tpu.memory_space<hbm>>, %arg8: memref<25x80xi32, #tpu.memory_space<vmem>>, %arg9: memref<25x80xi32, #tpu.memory_space<vmem>>, %arg10: memref<80x128xi32, #tpu.memory_space<vmem>>, %arg11: memref<80x128xi32, #tpu.memory_space<vmem>>, %arg12: memref<!tpu.dma_semaphore, #tpu.memory_space<semaphore_mem>>) attributes {dimension_semantics = [#tpu.dimension_semantics<core_parallel>, #tpu.dimension_semantics<subcore_parallel>], iteration_bounds = array<i64: 2, 16>, scalar_prefetch = 0 : i64, scratch_operands = 5 : i64, tpu.core_type = #tpu.core_type<sc_vector_subcore>, window_params = [{transform_indices = #map}, {transform_indices = #map}, {transform_indices = #map1}, {transform_indices = #map1}, {transform_indices = #map}, {transform_indices = #map}]} {
    %mul3A = arith.constant 2 : i32
    %mul3A_0 = arith.muli %arg1, %mul3A : i32
    %add3A = arith.addi %mul3A_0, %arg0 : i32
    %mul3A_1 = arith.constant 2000 : i32
    %mul3A_2 = arith.muli %add3A, %mul3A_1 : i32
    "tpu.region"() ({
      %run_scoped3A = tpu.sem_alloc : memref<!tpu.dma_semaphore, #tpu.memory_space<semaphore_mem>>
      %dma_start3A = arith.constant 0 : i32
      %dma_start3A_8 = arith.constant 0 : i32
      %dma_start3A_9 = tpu.memref_slice %arg4[%add3A, %dma_start3A, %dma_start3A_8] : memref<32x25x80xi32, #tpu.memory_space<hbm>> -> memref<1x25x80xi32, #tpu.memory_space<hbm>>
      %dma_start3A_10 = tpu.memref_squeeze %dma_start3A_9 : memref<1x25x80xi32, #tpu.memory_space<hbm>> -> memref<25x80xi32, #tpu.memory_space<hbm>>
      %dma_start3A_11 = arith.constant 0 : i32
      %dma_start3A_12 = arith.constant 0 : i32
      %dma_start3A_13 = tpu.memref_slice %arg4[%add3A, %dma_start3A_11, %dma_start3A_12] : memref<32x25x80xi32, #tpu.memory_space<hbm>> -> memref<1x25x80xi32, #tpu.memory_space<hbm>>
      %dma_start3A_14 = tpu.memref_squeeze %dma_start3A_13 : memref<1x25x80xi32, #tpu.memory_space<hbm>> -> memref<25x80xi32, #tpu.memory_space<hbm>>
      tpu.enqueue_dma source(%dma_start3A_14 : memref<25x80xi32, #tpu.memory_space<hbm>>) target(%arg8 : memref<25x80xi32, #tpu.memory_space<vmem>>) target_semaphore(%run_scoped3A : memref<!tpu.dma_semaphore, #tpu.memory_space<semaphore_mem>>)
      %dma_wait3A = arith.constant 0 : i32
      %dma_wait3A_15 = arith.constant 0 : i32
      %dma_wait3A_16 = tpu.memref_slice %arg4[%add3A, %dma_wait3A, %dma_wait3A_15] : memref<32x25x80xi32, #tpu.memory_space<hbm>> -> memref<1x25x80xi32, #tpu.memory_space<hbm>>
      %dma_wait3A_17 = tpu.memref_squeeze %dma_wait3A_16 : memref<1x25x80xi32, #tpu.memory_space<hbm>> -> memref<25x80xi32, #tpu.memory_space<hbm>>
      %dma_wait3A_18 = arith.constant 0 : i32
      %dma_wait3A_19 = arith.constant 0 : i32
      %dma_wait3A_20 = tpu.memref_slice %arg4[%add3A, %dma_wait3A_18, %dma_wait3A_19] : memref<32x25x80xi32, #tpu.memory_space<hbm>> -> memref<1x25x80xi32, #tpu.memory_space<hbm>>
      %dma_wait3A_21 = tpu.memref_squeeze %dma_wait3A_20 : memref<1x25x80xi32, #tpu.memory_space<hbm>> -> memref<25x80xi32, #tpu.memory_space<hbm>>
      tpu.wait_dma2 semaphore(%run_scoped3A : memref<!tpu.dma_semaphore, #tpu.memory_space<semaphore_mem>>) src(%dma_wait3A_21 : memref<25x80xi32, #tpu.memory_space<hbm>>) dst(%arg8 : memref<25x80xi32, #tpu.memory_space<vmem>>)
      tpu.yield
    }) : () -> ()
    "tpu.region"() ({
      %run_scoped3A = tpu.sem_alloc : memref<!tpu.dma_semaphore, #tpu.memory_space<semaphore_mem>>
      %dma_start3A = arith.constant 0 : i32
      %dma_start3A_8 = arith.constant 0 : i32
      %dma_start3A_9 = tpu.memref_slice %arg5[%add3A, %dma_start3A, %dma_start3A_8] : memref<32x25x80xi32, #tpu.memory_space<hbm>> -> memref<1x25x80xi32, #tpu.memory_space<hbm>>
      %dma_start3A_10 = tpu.memref_squeeze %dma_start3A_9 : memref<1x25x80xi32, #tpu.memory_space<hbm>> -> memref<25x80xi32, #tpu.memory_space<hbm>>
      %dma_start3A_11 = arith.constant 0 : i32
      %dma_start3A_12 = arith.constant 0 : i32
      %dma_start3A_13 = tpu.memref_slice %arg5[%add3A, %dma_start3A_11, %dma_start3A_12] : memref<32x25x80xi32, #tpu.memory_space<hbm>> -> memref<1x25x80xi32, #tpu.memory_space<hbm>>
      %dma_start3A_14 = tpu.memref_squeeze %dma_start3A_13 : memref<1x25x80xi32, #tpu.memory_space<hbm>> -> memref<25x80xi32, #tpu.memory_space<hbm>>
      tpu.enqueue_dma source(%dma_start3A_14 : memref<25x80xi32, #tpu.memory_space<hbm>>) target(%arg9 : memref<25x80xi32, #tpu.memory_space<vmem>>) target_semaphore(%run_scoped3A : memref<!tpu.dma_semaphore, #tpu.memory_space<semaphore_mem>>)
      %dma_wait3A = arith.constant 0 : i32
      %dma_wait3A_15 = arith.constant 0 : i32
      %dma_wait3A_16 = tpu.memref_slice %arg5[%add3A, %dma_wait3A, %dma_wait3A_15] : memref<32x25x80xi32, #tpu.memory_space<hbm>> -> memref<1x25x80xi32, #tpu.memory_space<hbm>>
      %dma_wait3A_17 = tpu.memref_squeeze %dma_wait3A_16 : memref<1x25x80xi32, #tpu.memory_space<hbm>> -> memref<25x80xi32, #tpu.memory_space<hbm>>
      %dma_wait3A_18 = arith.constant 0 : i32
      %dma_wait3A_19 = arith.constant 0 : i32
      %dma_wait3A_20 = tpu.memref_slice %arg5[%add3A, %dma_wait3A_18, %dma_wait3A_19] : memref<32x25x80xi32, #tpu.memory_space<hbm>> -> memref<1x25x80xi32, #tpu.memory_space<hbm>>
      %dma_wait3A_21 = tpu.memref_squeeze %dma_wait3A_20 : memref<1x25x80xi32, #tpu.memory_space<hbm>> -> memref<25x80xi32, #tpu.memory_space<hbm>>
      tpu.wait_dma2 semaphore(%run_scoped3A : memref<!tpu.dma_semaphore, #tpu.memory_space<semaphore_mem>>) src(%dma_wait3A_21 : memref<25x80xi32, #tpu.memory_space<hbm>>) dst(%arg9 : memref<25x80xi32, #tpu.memory_space<vmem>>)
      tpu.yield
    }) : () -> ()
    %scan3A = arith.constant 0 : i32
    %scan3A_3 = arith.constant 0 : i32
    %scan3A_4 = arith.constant 25 : i32
    %scan3A_5 = arith.addi %scan3A_3, %scan3A_4 : i32
    %scan3A_6 = arith.constant 1 : i32
    scf.for %scan3A_8 = %scan3A_3 to %scan3A_5 step %scan3A_6  : i32 {
      %dma_start3A = arith.constant 0 : i32
      %dma_start3A_9 = tpu.memref_slice %arg8[%scan3A_8, %dma_start3A] : memref<25x80xi32, #tpu.memory_space<vmem>> -> memref<1x80xi32, #tpu.memory_space<vmem>>
      %dma_start3A_10 = tpu.memref_squeeze %dma_start3A_9 : memref<1x80xi32, #tpu.memory_space<vmem>> -> memref<80xi32, #tpu.memory_space<vmem>>
      %dma_start3A_11 = arith.constant 0 : i32
      %dma_start3A_12 = arith.constant 0 : i32
      %dma_start3A_13 = tpu.memref_slice %arg2[%dma_start3A_11, %dma_start3A_12] : memref<10240x128xi32, #tpu.memory_space<hbm>> -> memref<10240x128xi32, #tpu.memory_space<hbm>>
      tpu.enqueue_indirect_dma source(%dma_start3A_13 : memref<10240x128xi32, #tpu.memory_space<hbm>>) target(%arg10 : memref<80x128xi32, #tpu.memory_space<vmem>>) offsets(%dma_start3A_10 : memref<80xi32, #tpu.memory_space<vmem>>) semaphore(%arg12 : memref<!tpu.dma_semaphore, #tpu.memory_space<semaphore_mem>>)
      %dma_wait3A = arith.constant 0 : i32
      %dma_wait3A_14 = tpu.memref_slice %arg8[%scan3A_8, %dma_wait3A] : memref<25x80xi32, #tpu.memory_space<vmem>> -> memref<1x80xi32, #tpu.memory_space<vmem>>
      %dma_wait3A_15 = tpu.memref_squeeze %dma_wait3A_14 : memref<1x80xi32, #tpu.memory_space<vmem>> -> memref<80xi32, #tpu.memory_space<vmem>>
      %dma_wait3A_16 = arith.constant 0 : i32
      %dma_wait3A_17 = arith.constant 0 : i32
      %dma_wait3A_18 = tpu.memref_slice %arg2[%dma_wait3A_16, %dma_wait3A_17] : memref<10240x128xi32, #tpu.memory_space<hbm>> -> memref<10240x128xi32, #tpu.memory_space<hbm>>
      tpu.wait_indirect_dma semaphore(%arg12 : memref<!tpu.dma_semaphore, #tpu.memory_space<semaphore_mem>>) src(%dma_wait3A_18 : memref<10240x128xi32, #tpu.memory_space<hbm>>) dst(%arg10 : memref<80x128xi32, #tpu.memory_space<vmem>>)
      %dma_start3A_19 = arith.constant 0 : i32
      %dma_start3A_20 = tpu.memref_slice %arg9[%scan3A_8, %dma_start3A_19] : memref<25x80xi32, #tpu.memory_space<vmem>> -> memref<1x80xi32, #tpu.memory_space<vmem>>
      %dma_start3A_21 = tpu.memref_squeeze %dma_start3A_20 : memref<1x80xi32, #tpu.memory_space<vmem>> -> memref<80xi32, #tpu.memory_space<vmem>>
      %dma_start3A_22 = arith.constant 0 : i32
      %dma_start3A_23 = arith.constant 0 : i32
      %dma_start3A_24 = tpu.memref_slice %arg3[%dma_start3A_22, %dma_start3A_23] : memref<10240x128xi32, #tpu.memory_space<hbm>> -> memref<10240x128xi32, #tpu.memory_space<hbm>>
      tpu.enqueue_indirect_dma source(%dma_start3A_24 : memref<10240x128xi32, #tpu.memory_space<hbm>>) target(%arg11 : memref<80x128xi32, #tpu.memory_space<vmem>>) offsets(%dma_start3A_21 : memref<80xi32, #tpu.memory_space<vmem>>) semaphore(%arg12 : memref<!tpu.dma_semaphore, #tpu.memory_space<semaphore_mem>>)
      %dma_wait3A_25 = arith.constant 0 : i32
      %dma_wait3A_26 = tpu.memref_slice %arg9[%scan3A_8, %dma_wait3A_25] : memref<25x80xi32, #tpu.memory_space<vmem>> -> memref<1x80xi32, #tpu.memory_space<vmem>>
      %dma_wait3A_27 = tpu.memref_squeeze %dma_wait3A_26 : memref<1x80xi32, #tpu.memory_space<vmem>> -> memref<80xi32, #tpu.memory_space<vmem>>
      %dma_wait3A_28 = arith.constant 0 : i32
      %dma_wait3A_29 = arith.constant 0 : i32
      %dma_wait3A_30 = tpu.memref_slice %arg3[%dma_wait3A_28, %dma_wait3A_29] : memref<10240x128xi32, #tpu.memory_space<hbm>> -> memref<10240x128xi32, #tpu.memory_space<hbm>>
      tpu.wait_indirect_dma semaphore(%arg12 : memref<!tpu.dma_semaphore, #tpu.memory_space<semaphore_mem>>) src(%dma_wait3A_30 : memref<10240x128xi32, #tpu.memory_space<hbm>>) dst(%arg11 : memref<80x128xi32, #tpu.memory_space<vmem>>)
      %mul3A_31 = arith.constant 80 : i32
      %mul3A_32 = arith.muli %scan3A_8, %mul3A_31 : i32
      %add3A_33 = arith.addi %mul3A_2, %mul3A_32 : i32
      "tpu.region"() ({
        %run_scoped3A = tpu.sem_alloc : memref<!tpu.dma_semaphore, #tpu.memory_space<semaphore_mem>>
        %dma_start3A_34 = arith.constant 0 : i32
        %dma_start3A_35 = tpu.memref_slice %arg6[%add3A_33, %dma_start3A_34] : memref<64000x128xi32, #tpu.memory_space<hbm>> -> memref<80x128xi32, #tpu.memory_space<hbm>>
        %dma_start3A_36 = arith.constant 0 : i32
        %dma_start3A_37 = tpu.memref_slice %arg6[%add3A_33, %dma_start3A_36] : memref<64000x128xi32, #tpu.memory_space<hbm>> -> memref<80x128xi32, #tpu.memory_space<hbm>>
        tpu.enqueue_dma source(%arg10 : memref<80x128xi32, #tpu.memory_space<vmem>>) target(%dma_start3A_37 : memref<80x128xi32, #tpu.memory_space<hbm>>) target_semaphore(%run_scoped3A : memref<!tpu.dma_semaphore, #tpu.memory_space<semaphore_mem>>)
        %dma_wait3A_38 = arith.constant 0 : i32
        %dma_wait3A_39 = tpu.memref_slice %arg6[%add3A_33, %dma_wait3A_38] : memref<64000x128xi32, #tpu.memory_space<hbm>> -> memref<80x128xi32, #tpu.memory_space<hbm>>
        %dma_wait3A_40 = arith.constant 0 : i32
        %dma_wait3A_41 = tpu.memref_slice %arg6[%add3A_33, %dma_wait3A_40] : memref<64000x128xi32, #tpu.memory_space<hbm>> -> memref<80x128xi32, #tpu.memory_space<hbm>>
        tpu.wait_dma2 semaphore(%run_scoped3A : memref<!tpu.dma_semaphore, #tpu.memory_space<semaphore_mem>>) src(%arg10 : memref<80x128xi32, #tpu.memory_space<vmem>>) dst(%dma_wait3A_41 : memref<80x128xi32, #tpu.memory_space<hbm>>)
        tpu.yield
      }) : () -> ()
      "tpu.region"() ({
        %run_scoped3A = tpu.sem_alloc : memref<!tpu.dma_semaphore, #tpu.memory_space<semaphore_mem>>
        %dma_start3A_34 = arith.constant 0 : i32
        %dma_start3A_35 = tpu.memref_slice %arg7[%add3A_33, %dma_start3A_34] : memref<64000x128xi32, #tpu.memory_space<hbm>> -> memref<80x128xi32, #tpu.memory_space<hbm>>
        %dma_start3A_36 = arith.constant 0 : i32
        %dma_start3A_37 = tpu.memref_slice %arg7[%add3A_33, %dma_start3A_36] : memref<64000x128xi32, #tpu.memory_space<hbm>> -> memref<80x128xi32, #tpu.memory_space<hbm>>
        tpu.enqueue_dma source(%arg11 : memref<80x128xi32, #tpu.memory_space<vmem>>) target(%dma_start3A_37 : memref<80x128xi32, #tpu.memory_space<hbm>>) target_semaphore(%run_scoped3A : memref<!tpu.dma_semaphore, #tpu.memory_space<semaphore_mem>>)
        %dma_wait3A_38 = arith.constant 0 : i32
        %dma_wait3A_39 = tpu.memref_slice %arg7[%add3A_33, %dma_wait3A_38] : memref<64000x128xi32, #tpu.memory_space<hbm>> -> memref<80x128xi32, #tpu.memory_space<hbm>>
        %dma_wait3A_40 = arith.constant 0 : i32
        %dma_wait3A_41 = tpu.memref_slice %arg7[%add3A_33, %dma_wait3A_40] : memref<64000x128xi32, #tpu.memory_space<hbm>> -> memref<80x128xi32, #tpu.memory_space<hbm>>
        tpu.wait_dma2 semaphore(%run_scoped3A : memref<!tpu.dma_semaphore, #tpu.memory_space<semaphore_mem>>) src(%arg11 : memref<80x128xi32, #tpu.memory_space<vmem>>) dst(%dma_wait3A_41 : memref<80x128xi32, #tpu.memory_space<hbm>>)
        tpu.yield
      }) : () -> ()
    }
    %scan3A_7 = arith.constant 25 : i32
    return
  }
}

#map = affine_map<(d0, d1) -> (0)>
#map1 = affine_map<(d0, d1) -> (0, 0)>
module attributes {stable_mosaic.version = 14 : i64} {
  func.func @k(%arg0: i32, %arg1: i32, %arg2: memref<320000xf32, #tpu.memory_space<hbm>>, %arg3: memref<320000xf32, #tpu.memory_space<hbm>>, %arg4: memref<320000xf32, #tpu.memory_space<hbm>>, %arg5: memref<320000xf32, #tpu.memory_space<hbm>>, %arg6: memref<32x10000xi32, #tpu.memory_space<hbm>>, %arg7: memref<32x10000xi32, #tpu.memory_space<hbm>>, %arg8: memref<10240xf32, #tpu.memory_space<hbm>>, %arg9: memref<10240xf32, #tpu.memory_space<hbm>>, %arg10: memref<10240xf32, #tpu.memory_space<hbm>>, %arg11: memref<10240xf32, #tpu.memory_space<hbm>>, %arg12: memref<32x20480xf32, #tpu.memory_space<hbm>>, %arg13: memref<10000xf32, #tpu.memory_space<vmem>>, %arg14: memref<10000xf32, #tpu.memory_space<vmem>>, %arg15: memref<10000xf32, #tpu.memory_space<vmem>>, %arg16: memref<10000xf32, #tpu.memory_space<vmem>>, %arg17: memref<10000xi32, #tpu.memory_space<vmem>>, %arg18: memref<10000xi32, #tpu.memory_space<vmem>>, %arg19: memref<10240xf32, #tpu.memory_space<vmem>>, %arg20: memref<10240xf32, #tpu.memory_space<vmem>>, %arg21: memref<10240xf32, #tpu.memory_space<vmem>>, %arg22: memref<10240xf32, #tpu.memory_space<vmem>>, %arg23: memref<20480xf32, #tpu.memory_space<vmem>>) attributes {dimension_semantics = [#tpu.dimension_semantics<core_parallel>, #tpu.dimension_semantics<subcore_parallel>], iteration_bounds = array<i64: 2, 16>, scalar_prefetch = 0 : i64, scratch_operands = 11 : i64, tpu.core_type = #tpu.core_type<sc_vector_subcore>, window_params = [{transform_indices = #map}, {transform_indices = #map}, {transform_indices = #map}, {transform_indices = #map}, {transform_indices = #map1}, {transform_indices = #map1}, {transform_indices = #map}, {transform_indices = #map}, {transform_indices = #map}, {transform_indices = #map}, {transform_indices = #map1}]} {
    %mul3A = arith.constant 2 : i32
    %mul3A_0 = arith.muli %arg1, %mul3A : i32
    %add3A = arith.addi %mul3A_0, %arg0 : i32
    %mul3A_1 = arith.constant 10000 : i32
    %mul3A_2 = arith.muli %add3A, %mul3A_1 : i32
    "tpu.region"() ({
      %run_scoped3A = tpu.sem_alloc : memref<!tpu.dma_semaphore, #tpu.memory_space<semaphore_mem>>
      %dma_start3A = tpu.memref_slice %arg2[%mul3A_2] : memref<320000xf32, #tpu.memory_space<hbm>> -> memref<10000xf32, #tpu.memory_space<hbm>>
      %dma_start3A_14 = tpu.memref_slice %arg2[%mul3A_2] : memref<320000xf32, #tpu.memory_space<hbm>> -> memref<10000xf32, #tpu.memory_space<hbm>>
      tpu.enqueue_dma source(%dma_start3A_14 : memref<10000xf32, #tpu.memory_space<hbm>>) target(%arg13 : memref<10000xf32, #tpu.memory_space<vmem>>) target_semaphore(%run_scoped3A : memref<!tpu.dma_semaphore, #tpu.memory_space<semaphore_mem>>)
      %dma_wait3A = tpu.memref_slice %arg2[%mul3A_2] : memref<320000xf32, #tpu.memory_space<hbm>> -> memref<10000xf32, #tpu.memory_space<hbm>>
      %dma_wait3A_15 = tpu.memref_slice %arg2[%mul3A_2] : memref<320000xf32, #tpu.memory_space<hbm>> -> memref<10000xf32, #tpu.memory_space<hbm>>
      tpu.wait_dma2 semaphore(%run_scoped3A : memref<!tpu.dma_semaphore, #tpu.memory_space<semaphore_mem>>) src(%dma_wait3A_15 : memref<10000xf32, #tpu.memory_space<hbm>>) dst(%arg13 : memref<10000xf32, #tpu.memory_space<vmem>>)
      tpu.yield
    }) : () -> ()
    "tpu.region"() ({
      %run_scoped3A = tpu.sem_alloc : memref<!tpu.dma_semaphore, #tpu.memory_space<semaphore_mem>>
      %dma_start3A = tpu.memref_slice %arg3[%mul3A_2] : memref<320000xf32, #tpu.memory_space<hbm>> -> memref<10000xf32, #tpu.memory_space<hbm>>
      %dma_start3A_14 = tpu.memref_slice %arg3[%mul3A_2] : memref<320000xf32, #tpu.memory_space<hbm>> -> memref<10000xf32, #tpu.memory_space<hbm>>
      tpu.enqueue_dma source(%dma_start3A_14 : memref<10000xf32, #tpu.memory_space<hbm>>) target(%arg14 : memref<10000xf32, #tpu.memory_space<vmem>>) target_semaphore(%run_scoped3A : memref<!tpu.dma_semaphore, #tpu.memory_space<semaphore_mem>>)
      %dma_wait3A = tpu.memref_slice %arg3[%mul3A_2] : memref<320000xf32, #tpu.memory_space<hbm>> -> memref<10000xf32, #tpu.memory_space<hbm>>
      %dma_wait3A_15 = tpu.memref_slice %arg3[%mul3A_2] : memref<320000xf32, #tpu.memory_space<hbm>> -> memref<10000xf32, #tpu.memory_space<hbm>>
      tpu.wait_dma2 semaphore(%run_scoped3A : memref<!tpu.dma_semaphore, #tpu.memory_space<semaphore_mem>>) src(%dma_wait3A_15 : memref<10000xf32, #tpu.memory_space<hbm>>) dst(%arg14 : memref<10000xf32, #tpu.memory_space<vmem>>)
      tpu.yield
    }) : () -> ()
    "tpu.region"() ({
      %run_scoped3A = tpu.sem_alloc : memref<!tpu.dma_semaphore, #tpu.memory_space<semaphore_mem>>
      %dma_start3A = tpu.memref_slice %arg4[%mul3A_2] : memref<320000xf32, #tpu.memory_space<hbm>> -> memref<10000xf32, #tpu.memory_space<hbm>>
      %dma_start3A_14 = tpu.memref_slice %arg4[%mul3A_2] : memref<320000xf32, #tpu.memory_space<hbm>> -> memref<10000xf32, #tpu.memory_space<hbm>>
      tpu.enqueue_dma source(%dma_start3A_14 : memref<10000xf32, #tpu.memory_space<hbm>>) target(%arg15 : memref<10000xf32, #tpu.memory_space<vmem>>) target_semaphore(%run_scoped3A : memref<!tpu.dma_semaphore, #tpu.memory_space<semaphore_mem>>)
      %dma_wait3A = tpu.memref_slice %arg4[%mul3A_2] : memref<320000xf32, #tpu.memory_space<hbm>> -> memref<10000xf32, #tpu.memory_space<hbm>>
      %dma_wait3A_15 = tpu.memref_slice %arg4[%mul3A_2] : memref<320000xf32, #tpu.memory_space<hbm>> -> memref<10000xf32, #tpu.memory_space<hbm>>
      tpu.wait_dma2 semaphore(%run_scoped3A : memref<!tpu.dma_semaphore, #tpu.memory_space<semaphore_mem>>) src(%dma_wait3A_15 : memref<10000xf32, #tpu.memory_space<hbm>>) dst(%arg15 : memref<10000xf32, #tpu.memory_space<vmem>>)
      tpu.yield
    }) : () -> ()
    "tpu.region"() ({
      %run_scoped3A = tpu.sem_alloc : memref<!tpu.dma_semaphore, #tpu.memory_space<semaphore_mem>>
      %dma_start3A = tpu.memref_slice %arg5[%mul3A_2] : memref<320000xf32, #tpu.memory_space<hbm>> -> memref<10000xf32, #tpu.memory_space<hbm>>
      %dma_start3A_14 = tpu.memref_slice %arg5[%mul3A_2] : memref<320000xf32, #tpu.memory_space<hbm>> -> memref<10000xf32, #tpu.memory_space<hbm>>
      tpu.enqueue_dma source(%dma_start3A_14 : memref<10000xf32, #tpu.memory_space<hbm>>) target(%arg16 : memref<10000xf32, #tpu.memory_space<vmem>>) target_semaphore(%run_scoped3A : memref<!tpu.dma_semaphore, #tpu.memory_space<semaphore_mem>>)
      %dma_wait3A = tpu.memref_slice %arg5[%mul3A_2] : memref<320000xf32, #tpu.memory_space<hbm>> -> memref<10000xf32, #tpu.memory_space<hbm>>
      %dma_wait3A_15 = tpu.memref_slice %arg5[%mul3A_2] : memref<320000xf32, #tpu.memory_space<hbm>> -> memref<10000xf32, #tpu.memory_space<hbm>>
      tpu.wait_dma2 semaphore(%run_scoped3A : memref<!tpu.dma_semaphore, #tpu.memory_space<semaphore_mem>>) src(%dma_wait3A_15 : memref<10000xf32, #tpu.memory_space<hbm>>) dst(%arg16 : memref<10000xf32, #tpu.memory_space<vmem>>)
      tpu.yield
    }) : () -> ()
    "tpu.region"() ({
      %run_scoped3A = tpu.sem_alloc : memref<!tpu.dma_semaphore, #tpu.memory_space<semaphore_mem>>
      %dma_start3A = arith.constant 0 : i32
      %dma_start3A_14 = tpu.memref_slice %arg6[%add3A, %dma_start3A] : memref<32x10000xi32, #tpu.memory_space<hbm>> -> memref<1x10000xi32, #tpu.memory_space<hbm>>
      %dma_start3A_15 = tpu.memref_squeeze %dma_start3A_14 : memref<1x10000xi32, #tpu.memory_space<hbm>> -> memref<10000xi32, #tpu.memory_space<hbm>>
      %dma_start3A_16 = arith.constant 0 : i32
      %dma_start3A_17 = tpu.memref_slice %arg6[%add3A, %dma_start3A_16] : memref<32x10000xi32, #tpu.memory_space<hbm>> -> memref<1x10000xi32, #tpu.memory_space<hbm>>
      %dma_start3A_18 = tpu.memref_squeeze %dma_start3A_17 : memref<1x10000xi32, #tpu.memory_space<hbm>> -> memref<10000xi32, #tpu.memory_space<hbm>>
      tpu.enqueue_dma source(%dma_start3A_18 : memref<10000xi32, #tpu.memory_space<hbm>>) target(%arg17 : memref<10000xi32, #tpu.memory_space<vmem>>) target_semaphore(%run_scoped3A : memref<!tpu.dma_semaphore, #tpu.memory_space<semaphore_mem>>)
      %dma_wait3A = arith.constant 0 : i32
      %dma_wait3A_19 = tpu.memref_slice %arg6[%add3A, %dma_wait3A] : memref<32x10000xi32, #tpu.memory_space<hbm>> -> memref<1x10000xi32, #tpu.memory_space<hbm>>
      %dma_wait3A_20 = tpu.memref_squeeze %dma_wait3A_19 : memref<1x10000xi32, #tpu.memory_space<hbm>> -> memref<10000xi32, #tpu.memory_space<hbm>>
      %dma_wait3A_21 = arith.constant 0 : i32
      %dma_wait3A_22 = tpu.memref_slice %arg6[%add3A, %dma_wait3A_21] : memref<32x10000xi32, #tpu.memory_space<hbm>> -> memref<1x10000xi32, #tpu.memory_space<hbm>>
      %dma_wait3A_23 = tpu.memref_squeeze %dma_wait3A_22 : memref<1x10000xi32, #tpu.memory_space<hbm>> -> memref<10000xi32, #tpu.memory_space<hbm>>
      tpu.wait_dma2 semaphore(%run_scoped3A : memref<!tpu.dma_semaphore, #tpu.memory_space<semaphore_mem>>) src(%dma_wait3A_23 : memref<10000xi32, #tpu.memory_space<hbm>>) dst(%arg17 : memref<10000xi32, #tpu.memory_space<vmem>>)
      tpu.yield
    }) : () -> ()
    "tpu.region"() ({
      %run_scoped3A = tpu.sem_alloc : memref<!tpu.dma_semaphore, #tpu.memory_space<semaphore_mem>>
      %dma_start3A = arith.constant 0 : i32
      %dma_start3A_14 = tpu.memref_slice %arg7[%add3A, %dma_start3A] : memref<32x10000xi32, #tpu.memory_space<hbm>> -> memref<1x10000xi32, #tpu.memory_space<hbm>>
      %dma_start3A_15 = tpu.memref_squeeze %dma_start3A_14 : memref<1x10000xi32, #tpu.memory_space<hbm>> -> memref<10000xi32, #tpu.memory_space<hbm>>
      %dma_start3A_16 = arith.constant 0 : i32
      %dma_start3A_17 = tpu.memref_slice %arg7[%add3A, %dma_start3A_16] : memref<32x10000xi32, #tpu.memory_space<hbm>> -> memref<1x10000xi32, #tpu.memory_space<hbm>>
      %dma_start3A_18 = tpu.memref_squeeze %dma_start3A_17 : memref<1x10000xi32, #tpu.memory_space<hbm>> -> memref<10000xi32, #tpu.memory_space<hbm>>
      tpu.enqueue_dma source(%dma_start3A_18 : memref<10000xi32, #tpu.memory_space<hbm>>) target(%arg18 : memref<10000xi32, #tpu.memory_space<vmem>>) target_semaphore(%run_scoped3A : memref<!tpu.dma_semaphore, #tpu.memory_space<semaphore_mem>>)
      %dma_wait3A = arith.constant 0 : i32
      %dma_wait3A_19 = tpu.memref_slice %arg7[%add3A, %dma_wait3A] : memref<32x10000xi32, #tpu.memory_space<hbm>> -> memref<1x10000xi32, #tpu.memory_space<hbm>>
      %dma_wait3A_20 = tpu.memref_squeeze %dma_wait3A_19 : memref<1x10000xi32, #tpu.memory_space<hbm>> -> memref<10000xi32, #tpu.memory_space<hbm>>
      %dma_wait3A_21 = arith.constant 0 : i32
      %dma_wait3A_22 = tpu.memref_slice %arg7[%add3A, %dma_wait3A_21] : memref<32x10000xi32, #tpu.memory_space<hbm>> -> memref<1x10000xi32, #tpu.memory_space<hbm>>
      %dma_wait3A_23 = tpu.memref_squeeze %dma_wait3A_22 : memref<1x10000xi32, #tpu.memory_space<hbm>> -> memref<10000xi32, #tpu.memory_space<hbm>>
      tpu.wait_dma2 semaphore(%run_scoped3A : memref<!tpu.dma_semaphore, #tpu.memory_space<semaphore_mem>>) src(%dma_wait3A_23 : memref<10000xi32, #tpu.memory_space<hbm>>) dst(%arg18 : memref<10000xi32, #tpu.memory_space<vmem>>)
      tpu.yield
    }) : () -> ()
    "tpu.region"() ({
      %run_scoped3A = tpu.sem_alloc : memref<!tpu.dma_semaphore, #tpu.memory_space<semaphore_mem>>
      tpu.enqueue_dma source(%arg8 : memref<10240xf32, #tpu.memory_space<hbm>>) target(%arg19 : memref<10240xf32, #tpu.memory_space<vmem>>) target_semaphore(%run_scoped3A : memref<!tpu.dma_semaphore, #tpu.memory_space<semaphore_mem>>)
      tpu.wait_dma2 semaphore(%run_scoped3A : memref<!tpu.dma_semaphore, #tpu.memory_space<semaphore_mem>>) src(%arg8 : memref<10240xf32, #tpu.memory_space<hbm>>) dst(%arg19 : memref<10240xf32, #tpu.memory_space<vmem>>)
      tpu.yield
    }) : () -> ()
    "tpu.region"() ({
      %run_scoped3A = tpu.sem_alloc : memref<!tpu.dma_semaphore, #tpu.memory_space<semaphore_mem>>
      tpu.enqueue_dma source(%arg9 : memref<10240xf32, #tpu.memory_space<hbm>>) target(%arg20 : memref<10240xf32, #tpu.memory_space<vmem>>) target_semaphore(%run_scoped3A : memref<!tpu.dma_semaphore, #tpu.memory_space<semaphore_mem>>)
      tpu.wait_dma2 semaphore(%run_scoped3A : memref<!tpu.dma_semaphore, #tpu.memory_space<semaphore_mem>>) src(%arg9 : memref<10240xf32, #tpu.memory_space<hbm>>) dst(%arg20 : memref<10240xf32, #tpu.memory_space<vmem>>)
      tpu.yield
    }) : () -> ()
    "tpu.region"() ({
      %run_scoped3A = tpu.sem_alloc : memref<!tpu.dma_semaphore, #tpu.memory_space<semaphore_mem>>
      tpu.enqueue_dma source(%arg10 : memref<10240xf32, #tpu.memory_space<hbm>>) target(%arg21 : memref<10240xf32, #tpu.memory_space<vmem>>) target_semaphore(%run_scoped3A : memref<!tpu.dma_semaphore, #tpu.memory_space<semaphore_mem>>)
      tpu.wait_dma2 semaphore(%run_scoped3A : memref<!tpu.dma_semaphore, #tpu.memory_space<semaphore_mem>>) src(%arg10 : memref<10240xf32, #tpu.memory_space<hbm>>) dst(%arg21 : memref<10240xf32, #tpu.memory_space<vmem>>)
      tpu.yield
    }) : () -> ()
    "tpu.region"() ({
      %run_scoped3A = tpu.sem_alloc : memref<!tpu.dma_semaphore, #tpu.memory_space<semaphore_mem>>
      tpu.enqueue_dma source(%arg11 : memref<10240xf32, #tpu.memory_space<hbm>>) target(%arg22 : memref<10240xf32, #tpu.memory_space<vmem>>) target_semaphore(%run_scoped3A : memref<!tpu.dma_semaphore, #tpu.memory_space<semaphore_mem>>)
      tpu.wait_dma2 semaphore(%run_scoped3A : memref<!tpu.dma_semaphore, #tpu.memory_space<semaphore_mem>>) src(%arg11 : memref<10240xf32, #tpu.memory_space<hbm>>) dst(%arg22 : memref<10240xf32, #tpu.memory_space<vmem>>)
      tpu.yield
    }) : () -> ()
    %scan3A = arith.constant 0 : i32
    %scan3A_3 = arith.constant 0 : i32
    %scan3A_4 = arith.constant 1280 : i32
    %scan3A_5 = arith.addi %scan3A_3, %scan3A_4 : i32
    %scan3A_6 = arith.constant 1 : i32
    scf.for %scan3A_14 = %scan3A_3 to %scan3A_5 step %scan3A_6  : i32 {
      %broadcast_in_dim3A = arith.constant 0.000000e+00 : f32
      %broadcast_in_dim3A_15 = vector.broadcast %broadcast_in_dim3A : f32 to vector<16xf32>
      %mul3A_16 = arith.constant 16 : i32
      %mul3A_17 = arith.muli %scan3A_14, %mul3A_16 : i32
      %swap3A = arith.index_cast %mul3A_17 : i32 to index
      %swap3A_18 = tpu.vector_load %arg23[%swap3A] {strides = array<i32>} : memref<20480xf32, #tpu.memory_space<vmem>>, vector<16xf32>,
      tpu.vector_store %arg23[%swap3A], %broadcast_in_dim3A_15 {strides = array<i32>} : memref<20480xf32, #tpu.memory_space<vmem>>, vector<16xf32>,
    }
    %scan3A_7 = arith.constant 1280 : i32
    %scan3A_8 = arith.constant 0 : i32
    %scan3A_9 = arith.constant 0 : i32
    %scan3A_10 = arith.constant 625 : i32
    %scan3A_11 = arith.addi %scan3A_9, %scan3A_10 : i32
    %scan3A_12 = arith.constant 1 : i32
    scf.for %scan3A_14 = %scan3A_9 to %scan3A_11 step %scan3A_12  : i32 {
      %mul3A_15 = arith.constant 16 : i32
      %mul3A_16 = arith.muli %scan3A_14, %mul3A_15 : i32
      %get3A = arith.index_cast %mul3A_16 : i32 to index
      %get3A_17 = tpu.vector_load %arg17[%get3A] {strides = array<i32>} : memref<10000xi32, #tpu.memory_space<vmem>>, vector<16xi32>,
      %gather3A = tpu.vector_load_idx %arg19[%get3A_17] : memref<10240xf32, #tpu.memory_space<vmem>>[vector<16xi32>], vector<16xf32>,
      %gather3A_18 = tpu.vector_load_idx %arg20[%get3A_17] : memref<10240xf32, #tpu.memory_space<vmem>>[vector<16xi32>], vector<16xf32>,
      %gather3A_19 = tpu.vector_load_idx %arg21[%get3A_17] : memref<10240xf32, #tpu.memory_space<vmem>>[vector<16xi32>], vector<16xf32>,
      %gather3A_20 = tpu.vector_load_idx %arg22[%get3A_17] : memref<10240xf32, #tpu.memory_space<vmem>>[vector<16xi32>], vector<16xf32>,
      %get3A_21 = arith.index_cast %mul3A_16 : i32 to index
      %get3A_22 = tpu.vector_load %arg13[%get3A_21] {strides = array<i32>} : memref<10000xf32, #tpu.memory_space<vmem>>, vector<16xf32>,
      %get3A_23 = arith.index_cast %mul3A_16 : i32 to index
      %get3A_24 = tpu.vector_load %arg14[%get3A_23] {strides = array<i32>} : memref<10000xf32, #tpu.memory_space<vmem>>, vector<16xf32>,
      %get3A_25 = arith.index_cast %mul3A_16 : i32 to index
      %get3A_26 = tpu.vector_load %arg15[%get3A_25] {strides = array<i32>} : memref<10000xf32, #tpu.memory_space<vmem>>, vector<16xf32>,
      %get3A_27 = arith.index_cast %mul3A_16 : i32 to index
      %get3A_28 = tpu.vector_load %arg16[%get3A_27] {strides = array<i32>} : memref<10000xf32, #tpu.memory_space<vmem>>, vector<16xf32>,
      %neg3A = arith.constant 0.000000e+00 : f32
      %neg3A_29 = vector.broadcast %neg3A : f32 to vector<16xf32>
      %neg3A_30 = arith.subf %neg3A_29, %get3A_22 : vector<16xf32>
      %mul3A_31 = arith.mulf %neg3A_30, %gather3A_18 : vector<16xf32>
      %mul3A_32 = arith.mulf %get3A_24, %gather3A_19 : vector<16xf32>
      %add3A_33 = arith.addf %mul3A_31, %mul3A_32 : vector<16xf32>
      %mul3A_34 = arith.mulf %get3A_26, %gather3A_20 : vector<16xf32>
      %add3A_35 = arith.addf %add3A_33, %mul3A_34 : vector<16xf32>
      %mul3A_36 = arith.mulf %get3A_22, %gather3A : vector<16xf32>
      %mul3A_37 = arith.mulf %get3A_26, %gather3A_19 : vector<16xf32>
      %add3A_38 = arith.addf %mul3A_36, %mul3A_37 : vector<16xf32>
      %mul3A_39 = arith.mulf %get3A_28, %gather3A_20 : vector<16xf32>
      %add3A_40 = arith.addf %add3A_38, %mul3A_39 : vector<16xf32>
      %get3A_41 = arith.index_cast %mul3A_16 : i32 to index
      %get3A_42 = tpu.vector_load %arg18[%get3A_41] {strides = array<i32>} : memref<10000xi32, #tpu.memory_space<vmem>>, vector<16xi32>,
      tpu.vector_store_idx %arg23[%get3A_42], %add3A_35 {add = true} : memref<20480xf32, #tpu.memory_space<vmem>>[vector<16xi32>], vector<16xf32>,
      %add3A_43 = arith.constant 10240 : i32
      %add3A_44 = vector.broadcast %add3A_43 : i32 to vector<16xi32>
      %add3A_45 = arith.addi %get3A_42, %add3A_44 : vector<16xi32>
      tpu.vector_store_idx %arg23[%add3A_45], %add3A_40 {add = true} : memref<20480xf32, #tpu.memory_space<vmem>>[vector<16xi32>], vector<16xf32>,
    }
    %scan3A_13 = arith.constant 625 : i32
    "tpu.region"() ({
      %run_scoped3A = tpu.sem_alloc : memref<!tpu.dma_semaphore, #tpu.memory_space<semaphore_mem>>
      %dma_start3A = arith.constant 0 : i32
      %dma_start3A_14 = tpu.memref_slice %arg12[%add3A, %dma_start3A] : memref<32x20480xf32, #tpu.memory_space<hbm>> -> memref<1x20480xf32, #tpu.memory_space<hbm>>
      %dma_start3A_15 = tpu.memref_squeeze %dma_start3A_14 : memref<1x20480xf32, #tpu.memory_space<hbm>> -> memref<20480xf32, #tpu.memory_space<hbm>>
      %dma_start3A_16 = arith.constant 0 : i32
      %dma_start3A_17 = tpu.memref_slice %arg12[%add3A, %dma_start3A_16] : memref<32x20480xf32, #tpu.memory_space<hbm>> -> memref<1x20480xf32, #tpu.memory_space<hbm>>
      %dma_start3A_18 = tpu.memref_squeeze %dma_start3A_17 : memref<1x20480xf32, #tpu.memory_space<hbm>> -> memref<20480xf32, #tpu.memory_space<hbm>>
      tpu.enqueue_dma source(%arg23 : memref<20480xf32, #tpu.memory_space<vmem>>) target(%dma_start3A_18 : memref<20480xf32, #tpu.memory_space<hbm>>) target_semaphore(%run_scoped3A : memref<!tpu.dma_semaphore, #tpu.memory_space<semaphore_mem>>)
      %dma_wait3A = arith.constant 0 : i32
      %dma_wait3A_19 = tpu.memref_slice %arg12[%add3A, %dma_wait3A] : memref<32x20480xf32, #tpu.memory_space<hbm>> -> memref<1x20480xf32, #tpu.memory_space<hbm>>
      %dma_wait3A_20 = tpu.memref_squeeze %dma_wait3A_19 : memref<1x20480xf32, #tpu.memory_space<hbm>> -> memref<20480xf32, #tpu.memory_space<hbm>>
      %dma_wait3A_21 = arith.constant 0 : i32
      %dma_wait3A_22 = tpu.memref_slice %arg12[%add3A, %dma_wait3A_21] : memref<32x20480xf32, #tpu.memory_space<hbm>> -> memref<1x20480xf32, #tpu.memory_space<hbm>>
      %dma_wait3A_23 = tpu.memref_squeeze %dma_wait3A_22 : memref<1x20480xf32, #tpu.memory_space<hbm>> -> memref<20480xf32, #tpu.memory_space<hbm>>
      tpu.wait_dma2 semaphore(%run_scoped3A : memref<!tpu.dma_semaphore, #tpu.memory_space<semaphore_mem>>) src(%arg23 : memref<20480xf32, #tpu.memory_space<vmem>>) dst(%dma_wait3A_23 : memref<20480xf32, #tpu.memory_space<hbm>>)
      tpu.yield
    }) : () -> ()
    return
  }
}

#map = affine_map<(d0, d1) -> (0, 0)>
#map1 = affine_map<(d0, d1) -> (0, 0, 0)>
module attributes {stable_mosaic.version = 14 : i64} {
  func.func @k(%arg0: i32, %arg1: i32, %arg2: memref<10240x128xi32, #tpu.memory_space<hbm>>, %arg3: memref<10240x128xi32, #tpu.memory_space<hbm>>, %arg4: memref<32x25x80xi32, #tpu.memory_space<hbm>>, %arg5: memref<32x25x80xi32, #tpu.memory_space<hbm>>, %arg6: memref<64000x128xi32, #tpu.memory_space<hbm>>, %arg7: memref<64000x128xi32, #tpu.memory_space<hbm>>, %arg8: memref<25x80xi32, #tpu.memory_space<vmem>>, %arg9: memref<25x80xi32, #tpu.memory_space<vmem>>, %arg10: memref<80x128xi32, #tpu.memory_space<vmem>>, %arg11: memref<80x128xi32, #tpu.memory_space<vmem>>, %arg12: memref<!tpu.dma_semaphore, #tpu.memory_space<semaphore_mem>>) attributes {dimension_semantics = [#tpu.dimension_semantics<core_parallel>, #tpu.dimension_semantics<subcore_parallel>], iteration_bounds = array<i64: 2, 16>, scalar_prefetch = 0 : i64, scratch_operands = 5 : i64, tpu.core_type = #tpu.core_type<sc_vector_subcore>, window_params = [{transform_indices = #map}, {transform_indices = #map}, {transform_indices = #map1}, {transform_indices = #map1}, {transform_indices = #map}, {transform_indices = #map}]} {
    %mul3A = arith.constant 2 : i32
    %mul3A_0 = arith.muli %arg1, %mul3A : i32
    %add3A = arith.addi %mul3A_0, %arg0 : i32
    %mul3A_1 = arith.constant 2000 : i32
    %mul3A_2 = arith.muli %add3A, %mul3A_1 : i32
    "tpu.region"() ({
      %run_scoped3A = tpu.sem_alloc : memref<!tpu.dma_semaphore, #tpu.memory_space<semaphore_mem>>
      %dma_start3A = arith.constant 0 : i32
      %dma_start3A_8 = arith.constant 0 : i32
      %dma_start3A_9 = tpu.memref_slice %arg4[%add3A, %dma_start3A, %dma_start3A_8] : memref<32x25x80xi32, #tpu.memory_space<hbm>> -> memref<1x25x80xi32, #tpu.memory_space<hbm>>
      %dma_start3A_10 = tpu.memref_squeeze %dma_start3A_9 : memref<1x25x80xi32, #tpu.memory_space<hbm>> -> memref<25x80xi32, #tpu.memory_space<hbm>>
      %dma_start3A_11 = arith.constant 0 : i32
      %dma_start3A_12 = arith.constant 0 : i32
      %dma_start3A_13 = tpu.memref_slice %arg4[%add3A, %dma_start3A_11, %dma_start3A_12] : memref<32x25x80xi32, #tpu.memory_space<hbm>> -> memref<1x25x80xi32, #tpu.memory_space<hbm>>
      %dma_start3A_14 = tpu.memref_squeeze %dma_start3A_13 : memref<1x25x80xi32, #tpu.memory_space<hbm>> -> memref<25x80xi32, #tpu.memory_space<hbm>>
      tpu.enqueue_dma source(%dma_start3A_14 : memref<25x80xi32, #tpu.memory_space<hbm>>) target(%arg8 : memref<25x80xi32, #tpu.memory_space<vmem>>) target_semaphore(%run_scoped3A : memref<!tpu.dma_semaphore, #tpu.memory_space<semaphore_mem>>)
      %dma_wait3A = arith.constant 0 : i32
      %dma_wait3A_15 = arith.constant 0 : i32
      %dma_wait3A_16 = tpu.memref_slice %arg4[%add3A, %dma_wait3A, %dma_wait3A_15] : memref<32x25x80xi32, #tpu.memory_space<hbm>> -> memref<1x25x80xi32, #tpu.memory_space<hbm>>
      %dma_wait3A_17 = tpu.memref_squeeze %dma_wait3A_16 : memref<1x25x80xi32, #tpu.memory_space<hbm>> -> memref<25x80xi32, #tpu.memory_space<hbm>>
      %dma_wait3A_18 = arith.constant 0 : i32
      %dma_wait3A_19 = arith.constant 0 : i32
      %dma_wait3A_20 = tpu.memref_slice %arg4[%add3A, %dma_wait3A_18, %dma_wait3A_19] : memref<32x25x80xi32, #tpu.memory_space<hbm>> -> memref<1x25x80xi32, #tpu.memory_space<hbm>>
      %dma_wait3A_21 = tpu.memref_squeeze %dma_wait3A_20 : memref<1x25x80xi32, #tpu.memory_space<hbm>> -> memref<25x80xi32, #tpu.memory_space<hbm>>
      tpu.wait_dma2 semaphore(%run_scoped3A : memref<!tpu.dma_semaphore, #tpu.memory_space<semaphore_mem>>) src(%dma_wait3A_21 : memref<25x80xi32, #tpu.memory_space<hbm>>) dst(%arg8 : memref<25x80xi32, #tpu.memory_space<vmem>>)
      tpu.yield
    }) : () -> ()
    "tpu.region"() ({
      %run_scoped3A = tpu.sem_alloc : memref<!tpu.dma_semaphore, #tpu.memory_space<semaphore_mem>>
      %dma_start3A = arith.constant 0 : i32
      %dma_start3A_8 = arith.constant 0 : i32
      %dma_start3A_9 = tpu.memref_slice %arg5[%add3A, %dma_start3A, %dma_start3A_8] : memref<32x25x80xi32, #tpu.memory_space<hbm>> -> memref<1x25x80xi32, #tpu.memory_space<hbm>>
      %dma_start3A_10 = tpu.memref_squeeze %dma_start3A_9 : memref<1x25x80xi32, #tpu.memory_space<hbm>> -> memref<25x80xi32, #tpu.memory_space<hbm>>
      %dma_start3A_11 = arith.constant 0 : i32
      %dma_start3A_12 = arith.constant 0 : i32
      %dma_start3A_13 = tpu.memref_slice %arg5[%add3A, %dma_start3A_11, %dma_start3A_12] : memref<32x25x80xi32, #tpu.memory_space<hbm>> -> memref<1x25x80xi32, #tpu.memory_space<hbm>>
      %dma_start3A_14 = tpu.memref_squeeze %dma_start3A_13 : memref<1x25x80xi32, #tpu.memory_space<hbm>> -> memref<25x80xi32, #tpu.memory_space<hbm>>
      tpu.enqueue_dma source(%dma_start3A_14 : memref<25x80xi32, #tpu.memory_space<hbm>>) target(%arg9 : memref<25x80xi32, #tpu.memory_space<vmem>>) target_semaphore(%run_scoped3A : memref<!tpu.dma_semaphore, #tpu.memory_space<semaphore_mem>>)
      %dma_wait3A = arith.constant 0 : i32
      %dma_wait3A_15 = arith.constant 0 : i32
      %dma_wait3A_16 = tpu.memref_slice %arg5[%add3A, %dma_wait3A, %dma_wait3A_15] : memref<32x25x80xi32, #tpu.memory_space<hbm>> -> memref<1x25x80xi32, #tpu.memory_space<hbm>>
      %dma_wait3A_17 = tpu.memref_squeeze %dma_wait3A_16 : memref<1x25x80xi32, #tpu.memory_space<hbm>> -> memref<25x80xi32, #tpu.memory_space<hbm>>
      %dma_wait3A_18 = arith.constant 0 : i32
      %dma_wait3A_19 = arith.constant 0 : i32
      %dma_wait3A_20 = tpu.memref_slice %arg5[%add3A, %dma_wait3A_18, %dma_wait3A_19] : memref<32x25x80xi32, #tpu.memory_space<hbm>> -> memref<1x25x80xi32, #tpu.memory_space<hbm>>
      %dma_wait3A_21 = tpu.memref_squeeze %dma_wait3A_20 : memref<1x25x80xi32, #tpu.memory_space<hbm>> -> memref<25x80xi32, #tpu.memory_space<hbm>>
      tpu.wait_dma2 semaphore(%run_scoped3A : memref<!tpu.dma_semaphore, #tpu.memory_space<semaphore_mem>>) src(%dma_wait3A_21 : memref<25x80xi32, #tpu.memory_space<hbm>>) dst(%arg9 : memref<25x80xi32, #tpu.memory_space<vmem>>)
      tpu.yield
    }) : () -> ()
    %scan3A = arith.constant 0 : i32
    %scan3A_3 = arith.constant 0 : i32
    %scan3A_4 = arith.constant 25 : i32
    %scan3A_5 = arith.addi %scan3A_3, %scan3A_4 : i32
    %scan3A_6 = arith.constant 1 : i32
    scf.for %scan3A_8 = %scan3A_3 to %scan3A_5 step %scan3A_6  : i32 {
      %dma_start3A = arith.constant 0 : i32
      %dma_start3A_9 = tpu.memref_slice %arg8[%scan3A_8, %dma_start3A] : memref<25x80xi32, #tpu.memory_space<vmem>> -> memref<1x80xi32, #tpu.memory_space<vmem>>
      %dma_start3A_10 = tpu.memref_squeeze %dma_start3A_9 : memref<1x80xi32, #tpu.memory_space<vmem>> -> memref<80xi32, #tpu.memory_space<vmem>>
      %dma_start3A_11 = arith.constant 0 : i32
      %dma_start3A_12 = arith.constant 0 : i32
      %dma_start3A_13 = tpu.memref_slice %arg2[%dma_start3A_11, %dma_start3A_12] : memref<10240x128xi32, #tpu.memory_space<hbm>> -> memref<10240x128xi32, #tpu.memory_space<hbm>>
      tpu.enqueue_indirect_dma source(%dma_start3A_13 : memref<10240x128xi32, #tpu.memory_space<hbm>>) target(%arg10 : memref<80x128xi32, #tpu.memory_space<vmem>>) offsets(%dma_start3A_10 : memref<80xi32, #tpu.memory_space<vmem>>) semaphore(%arg12 : memref<!tpu.dma_semaphore, #tpu.memory_space<semaphore_mem>>)
      %dma_wait3A = arith.constant 0 : i32
      %dma_wait3A_14 = tpu.memref_slice %arg8[%scan3A_8, %dma_wait3A] : memref<25x80xi32, #tpu.memory_space<vmem>> -> memref<1x80xi32, #tpu.memory_space<vmem>>
      %dma_wait3A_15 = tpu.memref_squeeze %dma_wait3A_14 : memref<1x80xi32, #tpu.memory_space<vmem>> -> memref<80xi32, #tpu.memory_space<vmem>>
      %dma_wait3A_16 = arith.constant 0 : i32
      %dma_wait3A_17 = arith.constant 0 : i32
      %dma_wait3A_18 = tpu.memref_slice %arg2[%dma_wait3A_16, %dma_wait3A_17] : memref<10240x128xi32, #tpu.memory_space<hbm>> -> memref<10240x128xi32, #tpu.memory_space<hbm>>
      tpu.wait_indirect_dma semaphore(%arg12 : memref<!tpu.dma_semaphore, #tpu.memory_space<semaphore_mem>>) src(%dma_wait3A_18 : memref<10240x128xi32, #tpu.memory_space<hbm>>) dst(%arg10 : memref<80x128xi32, #tpu.memory_space<vmem>>)
      %dma_start3A_19 = arith.constant 0 : i32
      %dma_start3A_20 = tpu.memref_slice %arg9[%scan3A_8, %dma_start3A_19] : memref<25x80xi32, #tpu.memory_space<vmem>> -> memref<1x80xi32, #tpu.memory_space<vmem>>
      %dma_start3A_21 = tpu.memref_squeeze %dma_start3A_20 : memref<1x80xi32, #tpu.memory_space<vmem>> -> memref<80xi32, #tpu.memory_space<vmem>>
      %dma_start3A_22 = arith.constant 0 : i32
      %dma_start3A_23 = arith.constant 0 : i32
      %dma_start3A_24 = tpu.memref_slice %arg3[%dma_start3A_22, %dma_start3A_23] : memref<10240x128xi32, #tpu.memory_space<hbm>> -> memref<10240x128xi32, #tpu.memory_space<hbm>>
      tpu.enqueue_indirect_dma source(%dma_start3A_24 : memref<10240x128xi32, #tpu.memory_space<hbm>>) target(%arg11 : memref<80x128xi32, #tpu.memory_space<vmem>>) offsets(%dma_start3A_21 : memref<80xi32, #tpu.memory_space<vmem>>) semaphore(%arg12 : memref<!tpu.dma_semaphore, #tpu.memory_space<semaphore_mem>>)
      %dma_wait3A_25 = arith.constant 0 : i32
      %dma_wait3A_26 = tpu.memref_slice %arg9[%scan3A_8, %dma_wait3A_25] : memref<25x80xi32, #tpu.memory_space<vmem>> -> memref<1x80xi32, #tpu.memory_space<vmem>>
      %dma_wait3A_27 = tpu.memref_squeeze %dma_wait3A_26 : memref<1x80xi32, #tpu.memory_space<vmem>> -> memref<80xi32, #tpu.memory_space<vmem>>
      %dma_wait3A_28 = arith.constant 0 : i32
      %dma_wait3A_29 = arith.constant 0 : i32
      %dma_wait3A_30 = tpu.memref_slice %arg3[%dma_wait3A_28, %dma_wait3A_29] : memref<10240x128xi32, #tpu.memory_space<hbm>> -> memref<10240x128xi32, #tpu.memory_space<hbm>>
      tpu.wait_indirect_dma semaphore(%arg12 : memref<!tpu.dma_semaphore, #tpu.memory_space<semaphore_mem>>) src(%dma_wait3A_30 : memref<10240x128xi32, #tpu.memory_space<hbm>>) dst(%arg11 : memref<80x128xi32, #tpu.memory_space<vmem>>)
      %mul3A_31 = arith.constant 80 : i32
      %mul3A_32 = arith.muli %scan3A_8, %mul3A_31 : i32
      %add3A_33 = arith.addi %mul3A_2, %mul3A_32 : i32
      "tpu.region"() ({
        %run_scoped3A = tpu.sem_alloc : memref<!tpu.dma_semaphore, #tpu.memory_space<semaphore_mem>>
        %dma_start3A_34 = arith.constant 0 : i32
        %dma_start3A_35 = tpu.memref_slice %arg6[%add3A_33, %dma_start3A_34] : memref<64000x128xi32, #tpu.memory_space<hbm>> -> memref<80x128xi32, #tpu.memory_space<hbm>>
        %dma_start3A_36 = arith.constant 0 : i32
        %dma_start3A_37 = tpu.memref_slice %arg6[%add3A_33, %dma_start3A_36] : memref<64000x128xi32, #tpu.memory_space<hbm>> -> memref<80x128xi32, #tpu.memory_space<hbm>>
        tpu.enqueue_dma source(%arg10 : memref<80x128xi32, #tpu.memory_space<vmem>>) target(%dma_start3A_37 : memref<80x128xi32, #tpu.memory_space<hbm>>) target_semaphore(%run_scoped3A : memref<!tpu.dma_semaphore, #tpu.memory_space<semaphore_mem>>)
        %dma_wait3A_38 = arith.constant 0 : i32
        %dma_wait3A_39 = tpu.memref_slice %arg6[%add3A_33, %dma_wait3A_38] : memref<64000x128xi32, #tpu.memory_space<hbm>> -> memref<80x128xi32, #tpu.memory_space<hbm>>
        %dma_wait3A_40 = arith.constant 0 : i32
        %dma_wait3A_41 = tpu.memref_slice %arg6[%add3A_33, %dma_wait3A_40] : memref<64000x128xi32, #tpu.memory_space<hbm>> -> memref<80x128xi32, #tpu.memory_space<hbm>>
        tpu.wait_dma2 semaphore(%run_scoped3A : memref<!tpu.dma_semaphore, #tpu.memory_space<semaphore_mem>>) src(%arg10 : memref<80x128xi32, #tpu.memory_space<vmem>>) dst(%dma_wait3A_41 : memref<80x128xi32, #tpu.memory_space<hbm>>)
        tpu.yield
      }) : () -> ()
      "tpu.region"() ({
        %run_scoped3A = tpu.sem_alloc : memref<!tpu.dma_semaphore, #tpu.memory_space<semaphore_mem>>
        %dma_start3A_34 = arith.constant 0 : i32
        %dma_start3A_35 = tpu.memref_slice %arg7[%add3A_33, %dma_start3A_34] : memref<64000x128xi32, #tpu.memory_space<hbm>> -> memref<80x128xi32, #tpu.memory_space<hbm>>
        %dma_start3A_36 = arith.constant 0 : i32
        %dma_start3A_37 = tpu.memref_slice %arg7[%add3A_33, %dma_start3A_36] : memref<64000x128xi32, #tpu.memory_space<hbm>> -> memref<80x128xi32, #tpu.memory_space<hbm>>
        tpu.enqueue_dma source(%arg11 : memref<80x128xi32, #tpu.memory_space<vmem>>) target(%dma_start3A_37 : memref<80x128xi32, #tpu.memory_space<hbm>>) target_semaphore(%run_scoped3A : memref<!tpu.dma_semaphore, #tpu.memory_space<semaphore_mem>>)
        %dma_wait3A_38 = arith.constant 0 : i32
        %dma_wait3A_39 = tpu.memref_slice %arg7[%add3A_33, %dma_wait3A_38] : memref<64000x128xi32, #tpu.memory_space<hbm>> -> memref<80x128xi32, #tpu.memory_space<hbm>>
        %dma_wait3A_40 = arith.constant 0 : i32
        %dma_wait3A_41 = tpu.memref_slice %arg7[%add3A_33, %dma_wait3A_40] : memref<64000x128xi32, #tpu.memory_space<hbm>> -> memref<80x128xi32, #tpu.memory_space<hbm>>
        tpu.wait_dma2 semaphore(%run_scoped3A : memref<!tpu.dma_semaphore, #tpu.memory_space<semaphore_mem>>) src(%arg11 : memref<80x128xi32, #tpu.memory_space<vmem>>) dst(%dma_wait3A_41 : memref<80x128xi32, #tpu.memory_space<hbm>>)
        tpu.yield
      }) : () -> ()
    }
    %scan3A_7 = arith.constant 25 : i32
    return
  }
}

module attributes {stable_mosaic.version = 14 : i64} {
  func.func @_node_body(%arg0: i32, %arg1: memref<512x128xf32, #tpu.memory_space<vmem>>, %arg2: memref<128x512xf32, #tpu.memory_space<vmem>>, %arg3: memref<1x512xf32, #tpu.memory_space<vmem>>, %arg4: memref<512x8xf32, #tpu.memory_space<vmem>>, %arg5: memref<1x8xf32, #tpu.memory_space<vmem>>, %arg6: memref<128x256xf32, #tpu.memory_space<vmem>>, %arg7: memref<128x256xf32, #tpu.memory_space<vmem>>, %arg8: memref<512x16xf32, #tpu.memory_space<vmem>>, %arg9: memref<512x128xi32, #tpu.memory_space<vmem>>, %arg10: memref<512x128xi32, #tpu.memory_space<vmem>>, %arg11: memref<512xf32, #tpu.memory_space<vmem>>, %arg12: memref<512xf32, #tpu.memory_space<vmem>>, %arg13: memref<512xf32, #tpu.memory_space<vmem>>, %arg14: memref<512xf32, #tpu.memory_space<vmem>>) attributes {dimension_semantics = [#tpu.dimension_semantics<arbitrary>], iteration_bounds = array<i64: 20>, scalar_prefetch = 0 : i64, scratch_operands = 0 : i64, tpu.core_type = #tpu.core_type<tc>, window_params = [{transform_indices = @transform_0, window_bounds = array<i64: 512, 128>}, {pipeline_mode = #tpu.pipeline_mode<synchronous>, transform_indices = @transform_1, window_bounds = array<i64: 128, 512>}, {pipeline_mode = #tpu.pipeline_mode<synchronous>, transform_indices = @transform_2, window_bounds = array<i64: 1, 512>}, {pipeline_mode = #tpu.pipeline_mode<synchronous>, transform_indices = @transform_3, window_bounds = array<i64: 512, 8>}, {pipeline_mode = #tpu.pipeline_mode<synchronous>, transform_indices = @transform_4, window_bounds = array<i64: 1, 8>}, {pipeline_mode = #tpu.pipeline_mode<synchronous>, transform_indices = @transform_5, window_bounds = array<i64: 128, 256>}, {pipeline_mode = #tpu.pipeline_mode<synchronous>, transform_indices = @transform_6, window_bounds = array<i64: 128, 256>}, {transform_indices = @transform_7, window_bounds = array<i64: 512, 16>}, {transform_indices = @transform_8, window_bounds = array<i64: 512, 128>}, {transform_indices = @transform_9, window_bounds = array<i64: 512, 128>}, {transform_indices = @transform_10, window_bounds = array<i64: 512>}, {transform_indices = @transform_11, window_bounds = array<i64: 512>}, {transform_indices = @transform_12, window_bounds = array<i64: 512>}, {transform_indices = @transform_13, window_bounds = array<i64: 512>}]} {
    %get3A = arith.constant 0 : index
    %get3A_0 = arith.constant 0 : index
    %get3A_1 = vector.load %arg1[%get3A, %get3A_0] : memref<512x128xf32, #tpu.memory_space<vmem>>, vector<512x128xf32>
    %get3A_2 = arith.constant 0 : index
    %get3A_3 = arith.constant 0 : index
    %get3A_4 = vector.load %arg2[%get3A_2, %get3A_3] : memref<128x512xf32, #tpu.memory_space<vmem>>, vector<128x512xf32>
    %dot_general3A = arith.constant dense<0.000000e+00> : vector<512x512xf32>
    %dot_general3A_5 = tpu.matmul %get3A_1, %get3A_4, %dot_general3A {dimension_numbers = #tpu.dot_dimension_numbers<[1], [0], [0], [1], [0, 0, 1, 1], [], []>, transpose_lhs_hint = false} : vector<512x128xf32>, vector<128x512xf32>, vector<512x512xf32> -> vector<512x512xf32>
    %get3A_6 = arith.constant 0 : index
    %get3A_7 = arith.constant 0 : index
    %get3A_8 = vector.load %arg3[%get3A_6, %get3A_7] : memref<1x512xf32, #tpu.memory_space<vmem>>, vector<1x512xf32>
    %add3A = vector.broadcast %get3A_8 : vector<1x512xf32> to vector<512x512xf32>
    %add3A_9 = arith.addf %dot_general3A_5, %add3A : vector<512x512xf32>
    %logistic3A = arith.negf %add3A_9 : vector<512x512xf32>
    %logistic3A_10 = math.exp %logistic3A : vector<512x512xf32>
    %logistic3A_11 = arith.constant 1.000000e+00 : f32
    %logistic3A_12 = vector.broadcast %logistic3A_11 : f32 to vector<512x512xf32>
    %logistic3A_13 = arith.addf %logistic3A_12, %logistic3A_10 : vector<512x512xf32>
    %logistic3A_14 = arith.divf %logistic3A_12, %logistic3A_13 : vector<512x512xf32>
    %mul3A = arith.mulf %add3A_9, %logistic3A_14 : vector<512x512xf32>
    %get3A_15 = arith.constant 0 : index
    %get3A_16 = arith.constant 0 : index
    %get3A_17 = vector.load %arg4[%get3A_15, %get3A_16] : memref<512x8xf32, #tpu.memory_space<vmem>>, vector<512x8xf32>
    %dot_general3A_18 = arith.constant dense<0.000000e+00> : vector<512x8xf32>
    %dot_general3A_19 = tpu.matmul %mul3A, %get3A_17, %dot_general3A_18 {dimension_numbers = #tpu.dot_dimension_numbers<[1], [0], [0], [1], [0, 0, 1, 1], [], []>, transpose_lhs_hint = false} : vector<512x512xf32>, vector<512x8xf32>, vector<512x8xf32> -> vector<512x8xf32>
    %get3A_20 = arith.constant 0 : index
    %get3A_21 = arith.constant 0 : index
    %get3A_22 = vector.load %arg5[%get3A_20, %get3A_21] : memref<1x8xf32, #tpu.memory_space<vmem>>, vector<1x8xf32>
    %add3A_23 = vector.broadcast %get3A_22 : vector<1x8xf32> to vector<512x8xf32>
    %add3A_24 = arith.addf %dot_general3A_19, %add3A_23 : vector<512x8xf32>
    %slice3A = vector.extract_strided_slice %add3A_24 {offsets = [0, 0], sizes = [512, 1], strides = [1, 1]} : vector<512x8xf32> to vector<512x1xf32>
    %slice3A_25 = vector.extract_strided_slice %add3A_24 {offsets = [0, 1], sizes = [512, 1], strides = [1, 1]} : vector<512x8xf32> to vector<512x1xf32>
    %slice3A_26 = vector.extract_strided_slice %add3A_24 {offsets = [0, 2], sizes = [512, 1], strides = [1, 1]} : vector<512x8xf32> to vector<512x1xf32>
    %slice3A_27 = vector.extract_strided_slice %add3A_24 {offsets = [0, 3], sizes = [512, 1], strides = [1, 1]} : vector<512x8xf32> to vector<512x1xf32>
    %slice3A_28 = vector.extract_strided_slice %add3A_24 {offsets = [0, 4], sizes = [512, 1], strides = [1, 1]} : vector<512x8xf32> to vector<512x1xf32>
    %slice3A_29 = vector.extract_strided_slice %add3A_24 {offsets = [0, 5], sizes = [512, 1], strides = [1, 1]} : vector<512x8xf32> to vector<512x1xf32>
    %slice3A_30 = vector.extract_strided_slice %add3A_24 {offsets = [0, 6], sizes = [512, 1], strides = [1, 1]} : vector<512x8xf32> to vector<512x1xf32>
    %slice3A_31 = vector.extract_strided_slice %add3A_24 {offsets = [0, 7], sizes = [512, 1], strides = [1, 1]} : vector<512x8xf32> to vector<512x1xf32>
    %mul3A_32 = arith.mulf %slice3A_29, %slice3A_29 : vector<512x1xf32>
    %mul3A_33 = arith.mulf %slice3A_29, %slice3A_30 : vector<512x1xf32>
    %mul3A_34 = arith.mulf %slice3A_30, %slice3A_30 : vector<512x1xf32>
    %mul3A_35 = arith.mulf %slice3A_31, %slice3A_31 : vector<512x1xf32>
    %add3A_36 = arith.addf %mul3A_34, %mul3A_35 : vector<512x1xf32>
    %neg3A = arith.constant 0.000000e+00 : f32
    %neg3A_37 = vector.broadcast %neg3A : f32 to vector<512x1xf32>
    %neg3A_38 = arith.subf %neg3A_37, %slice3A_28 : vector<512x1xf32>
    %mul3A_39 = arith.mulf %neg3A_38, %slice3A_25 : vector<512x1xf32>
    %mul3A_40 = arith.mulf %mul3A_32, %slice3A_26 : vector<512x1xf32>
    %add3A_41 = arith.addf %mul3A_39, %mul3A_40 : vector<512x1xf32>
    %mul3A_42 = arith.mulf %mul3A_33, %slice3A_27 : vector<512x1xf32>
    %add3A_43 = arith.addf %add3A_41, %mul3A_42 : vector<512x1xf32>
    %mul3A_44 = arith.mulf %slice3A_28, %slice3A : vector<512x1xf32>
    %mul3A_45 = arith.mulf %mul3A_33, %slice3A_26 : vector<512x1xf32>
    %add3A_46 = arith.addf %mul3A_44, %mul3A_45 : vector<512x1xf32>
    %mul3A_47 = arith.mulf %add3A_36, %slice3A_27 : vector<512x1xf32>
    %add3A_48 = arith.addf %add3A_46, %mul3A_47 : vector<512x1xf32>
    %mul3A_49 = arith.mulf %mul3A_32, %slice3A : vector<512x1xf32>
    %mul3A_50 = arith.mulf %mul3A_33, %slice3A_25 : vector<512x1xf32>
    %add3A_51 = arith.addf %mul3A_49, %mul3A_50 : vector<512x1xf32>
    %mul3A_52 = arith.mulf %mul3A_33, %slice3A : vector<512x1xf32>
    %mul3A_53 = arith.mulf %add3A_36, %slice3A_25 : vector<512x1xf32>
    %add3A_54 = arith.addf %mul3A_52, %mul3A_53 : vector<512x1xf32>
    %neg3A_55 = arith.constant 0.000000e+00 : f32
    %neg3A_56 = vector.broadcast %neg3A_55 : f32 to vector<512x1xf32>
    %neg3A_57 = arith.subf %neg3A_56, %slice3A_28 : vector<512x1xf32>
    %mul3A_58 = arith.mulf %neg3A_57, %slice3A_27 : vector<512x1xf32>
    %mul3A_59 = arith.mulf %slice3A_28, %slice3A_26 : vector<512x1xf32>
    %broadcast_in_dim3A = arith.constant 0.000000e+00 : f32
    %broadcast_in_dim3A_60 = vector.broadcast %broadcast_in_dim3A : f32 to vector<512x10xf32>
    %concatenate3A = tpu.concatenate %add3A_43, %add3A_48, %add3A_51, %add3A_54, %mul3A_58, %mul3A_59, %broadcast_in_dim3A_60 in 1 : vector<512x1xf32>, vector<512x1xf32>, vector<512x1xf32>, vector<512x1xf32>, vector<512x1xf32>, vector<512x1xf32>, vector<512x10xf32> -> vector<512x16xf32>
    %swap3A = arith.constant 0 : index
    %swap3A_61 = arith.constant 0 : index
    %swap3A_62 = vector.load %arg8[%swap3A, %swap3A_61] : memref<512x16xf32, #tpu.memory_space<vmem>>, vector<512x16xf32>
    tpu.vector_store %arg8[%swap3A, %swap3A_61], %concatenate3A {strides = array<i32>} : memref<512x16xf32, #tpu.memory_space<vmem>>, vector<512x16xf32>,
    %get3A_63 = arith.constant 0 : index
    %get3A_64 = arith.constant 0 : index
    %get3A_65 = vector.load %arg6[%get3A_63, %get3A_64] : memref<128x256xf32, #tpu.memory_space<vmem>>, vector<128x256xf32>
    %dot_general3A_66 = arith.constant dense<0.000000e+00> : vector<512x256xf32>
    %dot_general3A_67 = tpu.matmul %get3A_1, %get3A_65, %dot_general3A_66 {dimension_numbers = #tpu.dot_dimension_numbers<[1], [0], [0], [1], [0, 0, 1, 1], [], []>, transpose_lhs_hint = false} : vector<512x128xf32>, vector<128x256xf32>, vector<512x256xf32> -> vector<512x256xf32>
    %slice3A_68 = vector.extract_strided_slice %dot_general3A_67 {offsets = [0, 0], sizes = [512, 128], strides = [1, 1]} : vector<512x256xf32> to vector<512x128xf32>
    %convert_element_type3A = arith.truncf %slice3A_68 : vector<512x128xf32> to vector<512x128xbf16>
    %bitcast_convert_type3A = tpu.bitcast %convert_element_type3A : vector<512x128xbf16> -> vector<512x128xi16>
    %convert_element_type3A_69 = arith.extsi %bitcast_convert_type3A : vector<512x128xi16> to vector<512x128xi32>
    %and3A = arith.constant 65535 : i32
    %and3A_70 = vector.broadcast %and3A : i32 to vector<512x128xi32>
    %and3A_71 = arith.andi %convert_element_type3A_69, %and3A_70 : vector<512x128xi32>
    %slice3A_72 = vector.extract_strided_slice %dot_general3A_67 {offsets = [0, 128], sizes = [512, 128], strides = [1, 1]} : vector<512x256xf32> to vector<512x128xf32>
    %convert_element_type3A_73 = arith.truncf %slice3A_72 : vector<512x128xf32> to vector<512x128xbf16>
    %bitcast_convert_type3A_74 = tpu.bitcast %convert_element_type3A_73 : vector<512x128xbf16> -> vector<512x128xi16>
    %convert_element_type3A_75 = arith.extsi %bitcast_convert_type3A_74 : vector<512x128xi16> to vector<512x128xi32>
    %shift_left3A = arith.constant 16 : i32
    %shift_left3A_76 = vector.broadcast %shift_left3A : i32 to vector<512x128xi32>
    %shift_left3A_77 = arith.shli %convert_element_type3A_75, %shift_left3A_76 : vector<512x128xi32>
    %or3A = arith.ori %and3A_71, %shift_left3A_77 : vector<512x128xi32>
    %swap3A_78 = arith.constant 0 : index
    %swap3A_79 = arith.constant 0 : index
    %swap3A_80 = vector.load %arg9[%swap3A_78, %swap3A_79] : memref<512x128xi32, #tpu.memory_space<vmem>>, vector<512x128xi32>
    tpu.vector_store %arg9[%swap3A_78, %swap3A_79], %or3A {strides = array<i32>} : memref<512x128xi32, #tpu.memory_space<vmem>>, vector<512x128xi32>,
    %get3A_81 = arith.constant 0 : index
    %get3A_82 = arith.constant 0 : index
    %get3A_83 = vector.load %arg7[%get3A_81, %get3A_82] : memref<128x256xf32, #tpu.memory_space<vmem>>, vector<128x256xf32>
    %dot_general3A_84 = arith.constant dense<0.000000e+00> : vector<512x256xf32>
    %dot_general3A_85 = tpu.matmul %get3A_1, %get3A_83, %dot_general3A_84 {dimension_numbers = #tpu.dot_dimension_numbers<[1], [0], [0], [1], [0, 0, 1, 1], [], []>, transpose_lhs_hint = false} : vector<512x128xf32>, vector<128x256xf32>, vector<512x256xf32> -> vector<512x256xf32>
    %slice3A_86 = vector.extract_strided_slice %dot_general3A_85 {offsets = [0, 0], sizes = [512, 128], strides = [1, 1]} : vector<512x256xf32> to vector<512x128xf32>
    %convert_element_type3A_87 = arith.truncf %slice3A_86 : vector<512x128xf32> to vector<512x128xbf16>
    %bitcast_convert_type3A_88 = tpu.bitcast %convert_element_type3A_87 : vector<512x128xbf16> -> vector<512x128xi16>
    %convert_element_type3A_89 = arith.extsi %bitcast_convert_type3A_88 : vector<512x128xi16> to vector<512x128xi32>
    %and3A_90 = arith.constant 65535 : i32
    %and3A_91 = vector.broadcast %and3A_90 : i32 to vector<512x128xi32>
    %and3A_92 = arith.andi %convert_element_type3A_89, %and3A_91 : vector<512x128xi32>
    %slice3A_93 = vector.extract_strided_slice %dot_general3A_85 {offsets = [0, 128], sizes = [512, 128], strides = [1, 1]} : vector<512x256xf32> to vector<512x128xf32>
    %convert_element_type3A_94 = arith.truncf %slice3A_93 : vector<512x128xf32> to vector<512x128xbf16>
    %bitcast_convert_type3A_95 = tpu.bitcast %convert_element_type3A_94 : vector<512x128xbf16> -> vector<512x128xi16>
    %convert_element_type3A_96 = arith.extsi %bitcast_convert_type3A_95 : vector<512x128xi16> to vector<512x128xi32>
    %shift_left3A_97 = arith.constant 16 : i32
    %shift_left3A_98 = vector.broadcast %shift_left3A_97 : i32 to vector<512x128xi32>
    %shift_left3A_99 = arith.shli %convert_element_type3A_96, %shift_left3A_98 : vector<512x128xi32>
    %or3A_100 = arith.ori %and3A_92, %shift_left3A_99 : vector<512x128xi32>
    %swap3A_101 = arith.constant 0 : index
    %swap3A_102 = arith.constant 0 : index
    %swap3A_103 = vector.load %arg10[%swap3A_101, %swap3A_102] : memref<512x128xi32, #tpu.memory_space<vmem>>, vector<512x128xi32>
    tpu.vector_store %arg10[%swap3A_101, %swap3A_102], %or3A_100 {strides = array<i32>} : memref<512x128xi32, #tpu.memory_space<vmem>>, vector<512x128xi32>,
    %slice3A_104 = vector.extract_strided_slice %add3A_24 {offsets = [0, 0], sizes = [512, 1], strides = [1, 1]} : vector<512x8xf32> to vector<512x1xf32>
    %squeeze3A = vector.shape_cast %slice3A_104 : vector<512x1xf32> to vector<512xf32>
    %swap3A_105 = arith.constant 0 : index
    %swap3A_106 = vector.load %arg11[%swap3A_105] : memref<512xf32, #tpu.memory_space<vmem>>, vector<512xf32>
    tpu.vector_store %arg11[%swap3A_105], %squeeze3A {strides = array<i32>} : memref<512xf32, #tpu.memory_space<vmem>>, vector<512xf32>,
    %slice3A_107 = vector.extract_strided_slice %add3A_24 {offsets = [0, 1], sizes = [512, 1], strides = [1, 1]} : vector<512x8xf32> to vector<512x1xf32>
    %squeeze3A_108 = vector.shape_cast %slice3A_107 : vector<512x1xf32> to vector<512xf32>
    %swap3A_109 = arith.constant 0 : index
    %swap3A_110 = vector.load %arg12[%swap3A_109] : memref<512xf32, #tpu.memory_space<vmem>>, vector<512xf32>
    tpu.vector_store %arg12[%swap3A_109], %squeeze3A_108 {strides = array<i32>} : memref<512xf32, #tpu.memory_space<vmem>>, vector<512xf32>,
    %slice3A_111 = vector.extract_strided_slice %add3A_24 {offsets = [0, 2], sizes = [512, 1], strides = [1, 1]} : vector<512x8xf32> to vector<512x1xf32>
    %squeeze3A_112 = vector.shape_cast %slice3A_111 : vector<512x1xf32> to vector<512xf32>
    %swap3A_113 = arith.constant 0 : index
    %swap3A_114 = vector.load %arg13[%swap3A_113] : memref<512xf32, #tpu.memory_space<vmem>>, vector<512xf32>
    tpu.vector_store %arg13[%swap3A_113], %squeeze3A_112 {strides = array<i32>} : memref<512xf32, #tpu.memory_space<vmem>>, vector<512xf32>,
    %slice3A_115 = vector.extract_strided_slice %add3A_24 {offsets = [0, 3], sizes = [512, 1], strides = [1, 1]} : vector<512x8xf32> to vector<512x1xf32>
    %squeeze3A_116 = vector.shape_cast %slice3A_115 : vector<512x1xf32> to vector<512xf32>
    %swap3A_117 = arith.constant 0 : index
    %swap3A_118 = vector.load %arg14[%swap3A_117] : memref<512xf32, #tpu.memory_space<vmem>>, vector<512xf32>
    tpu.vector_store %arg14[%swap3A_117], %squeeze3A_116 {strides = array<i32>} : memref<512xf32, #tpu.memory_space<vmem>>, vector<512xf32>,
    return
  }
  func.func @transform_0(%arg0: i32) -> (i32, i32) {
    %c0_i32 = arith.constant 0 : i32
    %c0_i32_0 = arith.constant 0 : i32
    return %arg0, %c0_i32 : i32, i32
  }
  func.func @transform_1(%arg0: i32) -> (i32, i32) {
    %c0_i32 = arith.constant 0 : i32
    %c0_i32_0 = arith.constant 0 : i32
    %c0_i32_1 = arith.constant 0 : i32
    return %c0_i32, %c0_i32_0 : i32, i32
  }
  func.func @transform_2(%arg0: i32) -> (i32, i32) {
    %c0_i32 = arith.constant 0 : i32
    %c0_i32_0 = arith.constant 0 : i32
    %c0_i32_1 = arith.constant 0 : i32
    return %c0_i32, %c0_i32_0 : i32, i32
  }
  func.func @transform_3(%arg0: i32) -> (i32, i32) {
    %c0_i32 = arith.constant 0 : i32
    %c0_i32_0 = arith.constant 0 : i32
    %c0_i32_1 = arith.constant 0 : i32
    return %c0_i32, %c0_i32_0 : i32, i32
  }
  func.func @transform_4(%arg0: i32) -> (i32, i32) {
    %c0_i32 = arith.constant 0 : i32
    %c0_i32_0 = arith.constant 0 : i32
    %c0_i32_1 = arith.constant 0 : i32
    return %c0_i32, %c0_i32_0 : i32, i32
  }
  func.func @transform_5(%arg0: i32) -> (i32, i32) {
    %c0_i32 = arith.constant 0 : i32
    %c0_i32_0 = arith.constant 0 : i32
    %c0_i32_1 = arith.constant 0 : i32
    return %c0_i32, %c0_i32_0 : i32, i32
  }
  func.func @transform_6(%arg0: i32) -> (i32, i32) {
    %c0_i32 = arith.constant 0 : i32
    %c0_i32_0 = arith.constant 0 : i32
    %c0_i32_1 = arith.constant 0 : i32
    return %c0_i32, %c0_i32_0 : i32, i32
  }
  func.func @transform_7(%arg0: i32) -> (i32, i32) {
    %c0_i32 = arith.constant 0 : i32
    %c0_i32_0 = arith.constant 0 : i32
    return %arg0, %c0_i32 : i32, i32
  }
  func.func @transform_8(%arg0: i32) -> (i32, i32) {
    %c0_i32 = arith.constant 0 : i32
    %c0_i32_0 = arith.constant 0 : i32
    return %arg0, %c0_i32 : i32, i32
  }
  func.func @transform_9(%arg0: i32) -> (i32, i32) {
    %c0_i32 = arith.constant 0 : i32
    %c0_i32_0 = arith.constant 0 : i32
    return %arg0, %c0_i32 : i32, i32
  }
  func.func @transform_10(%arg0: i32) -> i32 {
    %c0_i32 = arith.constant 0 : i32
    return %arg0 : i32
  }
  func.func @transform_11(%arg0: i32) -> i32 {
    %c0_i32 = arith.constant 0 : i32
    return %arg0 : i32
  }
  func.func @transform_12(%arg0: i32) -> i32 {
    %c0_i32 = arith.constant 0 : i32
    return %arg0 : i32
  }
  func.func @transform_13(%arg0: i32) -> i32 {
    %c0_i32 = arith.constant 0 : i32
    return %arg0 : i32
  }
}

module attributes {stable_mosaic.version = 14 : i64} {
  func.func @_edge_body(%arg0: i32, %arg1: memref<1280x128xf32, #tpu.memory_space<vmem>>, %arg2: memref<1280x128xi32, #tpu.memory_space<vmem>>, %arg3: memref<1280x128xi32, #tpu.memory_space<vmem>>, %arg4: memref<128x256xbf16, #tpu.memory_space<vmem>>, %arg5: memref<1x256xf32, #tpu.memory_space<vmem>>, %arg6: memref<256x4xbf16, #tpu.memory_space<vmem>>, %arg7: memref<4x1xf32, #tpu.memory_space<vmem>>, %arg8: memref<4x1280xf32, #tpu.memory_space<vmem>>) attributes {dimension_semantics = [#tpu.dimension_semantics<arbitrary>], iteration_bounds = array<i64: 50>, scalar_prefetch = 0 : i64, scratch_operands = 0 : i64, tpu.core_type = #tpu.core_type<tc>, window_params = [{transform_indices = @transform_0, window_bounds = array<i64: 1280, 128>}, {transform_indices = @transform_1, window_bounds = array<i64: 1280, 128>}, {transform_indices = @transform_2, window_bounds = array<i64: 1280, 128>}, {pipeline_mode = #tpu.pipeline_mode<synchronous>, transform_indices = @transform_3, window_bounds = array<i64: 128, 256>}, {pipeline_mode = #tpu.pipeline_mode<synchronous>, transform_indices = @transform_4, window_bounds = array<i64: 1, 256>}, {pipeline_mode = #tpu.pipeline_mode<synchronous>, transform_indices = @transform_5, window_bounds = array<i64: 256, 4>}, {pipeline_mode = #tpu.pipeline_mode<synchronous>, transform_indices = @transform_6, window_bounds = array<i64: 4, 1>}, {transform_indices = @transform_7, window_bounds = array<i64: 4, 1280>}]} {
    %get3A = arith.constant 0 : index
    %get3A_0 = arith.constant 0 : index
    %get3A_1 = vector.load %arg1[%get3A, %get3A_0] : memref<1280x128xf32, #tpu.memory_space<vmem>>, vector<1280x128xf32>
    %convert_element_type3A = arith.truncf %get3A_1 : vector<1280x128xf32> to vector<1280x128xbf16>
    %get3A_2 = arith.constant 0 : index
    %get3A_3 = arith.constant 0 : index
    %get3A_4 = vector.load %arg4[%get3A_2, %get3A_3] : memref<128x256xbf16, #tpu.memory_space<vmem>>, vector<128x256xbf16>
    %dot_general3A = arith.constant dense<0.000000e+00> : vector<1280x256xf32>
    %dot_general3A_5 = tpu.matmul %convert_element_type3A, %get3A_4, %dot_general3A {dimension_numbers = #tpu.dot_dimension_numbers<[1], [0], [0], [1], [0, 0, 1, 1], [], []>, transpose_lhs_hint = false} : vector<1280x128xbf16>, vector<128x256xbf16>, vector<1280x256xf32> -> vector<1280x256xf32>
    %get3A_6 = arith.constant 0 : index
    %get3A_7 = arith.constant 0 : index
    %get3A_8 = vector.load %arg2[%get3A_6, %get3A_7] : memref<1280x128xi32, #tpu.memory_space<vmem>>, vector<1280x128xi32>
    %shift_left3A = arith.constant 16 : i32
    %shift_left3A_9 = vector.broadcast %shift_left3A : i32 to vector<1280x128xi32>
    %shift_left3A_10 = arith.shli %get3A_8, %shift_left3A_9 : vector<1280x128xi32>
    %bitcast_convert_type3A = tpu.bitcast %shift_left3A_10 : vector<1280x128xi32> -> vector<1280x128xf32>
    %and3A = arith.constant -65536 : i32
    %and3A_11 = vector.broadcast %and3A : i32 to vector<1280x128xi32>
    %and3A_12 = arith.andi %get3A_8, %and3A_11 : vector<1280x128xi32>
    %bitcast_convert_type3A_13 = tpu.bitcast %and3A_12 : vector<1280x128xi32> -> vector<1280x128xf32>
    %concatenate3A = tpu.concatenate %bitcast_convert_type3A, %bitcast_convert_type3A_13 in 1 : vector<1280x128xf32>, vector<1280x128xf32> -> vector<1280x256xf32>
    %add3A = arith.addf %dot_general3A_5, %concatenate3A : vector<1280x256xf32>
    %get3A_14 = arith.constant 0 : index
    %get3A_15 = arith.constant 0 : index
    %get3A_16 = vector.load %arg3[%get3A_14, %get3A_15] : memref<1280x128xi32, #tpu.memory_space<vmem>>, vector<1280x128xi32>
    %shift_left3A_17 = arith.constant 16 : i32
    %shift_left3A_18 = vector.broadcast %shift_left3A_17 : i32 to vector<1280x128xi32>
    %shift_left3A_19 = arith.shli %get3A_16, %shift_left3A_18 : vector<1280x128xi32>
    %bitcast_convert_type3A_20 = tpu.bitcast %shift_left3A_19 : vector<1280x128xi32> -> vector<1280x128xf32>
    %and3A_21 = arith.constant -65536 : i32
    %and3A_22 = vector.broadcast %and3A_21 : i32 to vector<1280x128xi32>
    %and3A_23 = arith.andi %get3A_16, %and3A_22 : vector<1280x128xi32>
    %bitcast_convert_type3A_24 = tpu.bitcast %and3A_23 : vector<1280x128xi32> -> vector<1280x128xf32>
    %concatenate3A_25 = tpu.concatenate %bitcast_convert_type3A_20, %bitcast_convert_type3A_24 in 1 : vector<1280x128xf32>, vector<1280x128xf32> -> vector<1280x256xf32>
    %add3A_26 = arith.addf %add3A, %concatenate3A_25 : vector<1280x256xf32>
    %get3A_27 = arith.constant 0 : index
    %get3A_28 = arith.constant 0 : index
    %get3A_29 = vector.load %arg5[%get3A_27, %get3A_28] : memref<1x256xf32, #tpu.memory_space<vmem>>, vector<1x256xf32>
    %add3A_30 = vector.broadcast %get3A_29 : vector<1x256xf32> to vector<1280x256xf32>
    %add3A_31 = arith.addf %add3A_26, %add3A_30 : vector<1280x256xf32>
    %logistic3A = arith.negf %add3A_31 : vector<1280x256xf32>
    %logistic3A_32 = math.exp %logistic3A : vector<1280x256xf32>
    %logistic3A_33 = arith.constant 1.000000e+00 : f32
    %logistic3A_34 = vector.broadcast %logistic3A_33 : f32 to vector<1280x256xf32>
    %logistic3A_35 = arith.addf %logistic3A_34, %logistic3A_32 : vector<1280x256xf32>
    %logistic3A_36 = arith.divf %logistic3A_34, %logistic3A_35 : vector<1280x256xf32>
    %mul3A = arith.mulf %add3A_31, %logistic3A_36 : vector<1280x256xf32>
    %get3A_37 = arith.constant 0 : index
    %get3A_38 = arith.constant 0 : index
    %get3A_39 = vector.load %arg6[%get3A_37, %get3A_38] : memref<256x4xbf16, #tpu.memory_space<vmem>>, vector<256x4xbf16>
    %convert_element_type3A_40 = arith.truncf %mul3A : vector<1280x256xf32> to vector<1280x256xbf16>
    %dot_general3A_41 = arith.constant dense<0.000000e+00> : vector<4x1280xf32>
    %dot_general3A_42 = tpu.matmul %get3A_39, %convert_element_type3A_40, %dot_general3A_41 {dimension_numbers = #tpu.dot_dimension_numbers<[0], [1], [1], [0], [0, 1, 1, 0], [], []>, transpose_lhs_hint = false} : vector<256x4xbf16>, vector<1280x256xbf16>, vector<4x1280xf32> -> vector<4x1280xf32>
    %get3A_43 = arith.constant 0 : index
    %get3A_44 = arith.constant 0 : index
    %get3A_45 = vector.load %arg7[%get3A_43, %get3A_44] : memref<4x1xf32, #tpu.memory_space<vmem>>, vector<4x1xf32>
    %add3A_46 = vector.broadcast %get3A_45 : vector<4x1xf32> to vector<4x1280xf32>
    %add3A_47 = arith.addf %dot_general3A_42, %add3A_46 : vector<4x1280xf32>
    %slice3A = vector.extract_strided_slice %add3A_47 {offsets = [0, 0], sizes = [1, 1280], strides = [1, 1]} : vector<4x1280xf32> to vector<1x1280xf32>
    %slice3A_48 = vector.extract_strided_slice %add3A_47 {offsets = [1, 0], sizes = [1, 1280], strides = [1, 1]} : vector<4x1280xf32> to vector<1x1280xf32>
    %slice3A_49 = vector.extract_strided_slice %add3A_47 {offsets = [2, 0], sizes = [1, 1280], strides = [1, 1]} : vector<4x1280xf32> to vector<1x1280xf32>
    %slice3A_50 = vector.extract_strided_slice %add3A_47 {offsets = [3, 0], sizes = [1, 1280], strides = [1, 1]} : vector<4x1280xf32> to vector<1x1280xf32>
    %mul3A_51 = arith.mulf %slice3A_48, %slice3A_48 : vector<1x1280xf32>
    %mul3A_52 = arith.mulf %slice3A_48, %slice3A_49 : vector<1x1280xf32>
    %mul3A_53 = arith.mulf %slice3A_49, %slice3A_49 : vector<1x1280xf32>
    %mul3A_54 = arith.mulf %slice3A_50, %slice3A_50 : vector<1x1280xf32>
    %add3A_55 = arith.addf %mul3A_53, %mul3A_54 : vector<1x1280xf32>
    %concatenate3A_56 = tpu.concatenate %slice3A, %mul3A_51, %mul3A_52, %add3A_55 in 0 : vector<1x1280xf32>, vector<1x1280xf32>, vector<1x1280xf32>, vector<1x1280xf32> -> vector<4x1280xf32>
    %swap3A = arith.constant 0 : index
    %swap3A_57 = arith.constant 0 : index
    %swap3A_58 = vector.load %arg8[%swap3A, %swap3A_57] : memref<4x1280xf32, #tpu.memory_space<vmem>>, vector<4x1280xf32>
    tpu.vector_store %arg8[%swap3A, %swap3A_57], %concatenate3A_56 {strides = array<i32>} : memref<4x1280xf32, #tpu.memory_space<vmem>>, vector<4x1280xf32>,
    return
  }
  func.func @transform_0(%arg0: i32) -> (i32, i32) {
    %add3A = arith.constant 50 : i32
    %add3A_0 = arith.addi %arg0, %add3A : i32
    %c0_i32 = arith.constant 0 : i32
    %c0_i32_1 = arith.constant 0 : i32
    return %add3A_0, %c0_i32 : i32, i32
  }
  func.func @transform_1(%arg0: i32) -> (i32, i32) {
    %c0_i32 = arith.constant 0 : i32
    %c0_i32_0 = arith.constant 0 : i32
    return %arg0, %c0_i32 : i32, i32
  }
  func.func @transform_2(%arg0: i32) -> (i32, i32) {
    %c0_i32 = arith.constant 0 : i32
    %c0_i32_0 = arith.constant 0 : i32
    return %arg0, %c0_i32 : i32, i32
  }
  func.func @transform_3(%arg0: i32) -> (i32, i32) {
    %c0_i32 = arith.constant 0 : i32
    %c0_i32_0 = arith.constant 0 : i32
    %c0_i32_1 = arith.constant 0 : i32
    return %c0_i32, %c0_i32_0 : i32, i32
  }
  func.func @transform_4(%arg0: i32) -> (i32, i32) {
    %c0_i32 = arith.constant 0 : i32
    %c0_i32_0 = arith.constant 0 : i32
    %c0_i32_1 = arith.constant 0 : i32
    return %c0_i32, %c0_i32_0 : i32, i32
  }
  func.func @transform_5(%arg0: i32) -> (i32, i32) {
    %c0_i32 = arith.constant 0 : i32
    %c0_i32_0 = arith.constant 0 : i32
    %c0_i32_1 = arith.constant 0 : i32
    return %c0_i32, %c0_i32_0 : i32, i32
  }
  func.func @transform_6(%arg0: i32) -> (i32, i32) {
    %c0_i32 = arith.constant 0 : i32
    %c0_i32_0 = arith.constant 0 : i32
    %c0_i32_1 = arith.constant 0 : i32
    return %c0_i32, %c0_i32_0 : i32, i32
  }
  func.func @transform_7(%arg0: i32) -> (i32, i32) {
    %c0_i32 = arith.constant 0 : i32
    %c0_i32_0 = arith.constant 0 : i32
    return %c0_i32, %arg0 : i32, i32
  }
}

module attributes {stable_mosaic.version = 14 : i64} {
  func.func @_edge_body(%arg0: i32, %arg1: memref<1280x128xf32, #tpu.memory_space<vmem>>, %arg2: memref<1280x128xi32, #tpu.memory_space<vmem>>, %arg3: memref<1280x128xi32, #tpu.memory_space<vmem>>, %arg4: memref<128x256xbf16, #tpu.memory_space<vmem>>, %arg5: memref<1x256xf32, #tpu.memory_space<vmem>>, %arg6: memref<256x4xbf16, #tpu.memory_space<vmem>>, %arg7: memref<4x1xf32, #tpu.memory_space<vmem>>, %arg8: memref<4x1280xf32, #tpu.memory_space<vmem>>) attributes {dimension_semantics = [#tpu.dimension_semantics<arbitrary>], iteration_bounds = array<i64: 50>, scalar_prefetch = 0 : i64, scratch_operands = 0 : i64, tpu.core_type = #tpu.core_type<tc>, window_params = [{transform_indices = @transform_0, window_bounds = array<i64: 1280, 128>}, {transform_indices = @transform_1, window_bounds = array<i64: 1280, 128>}, {transform_indices = @transform_2, window_bounds = array<i64: 1280, 128>}, {pipeline_mode = #tpu.pipeline_mode<synchronous>, transform_indices = @transform_3, window_bounds = array<i64: 128, 256>}, {pipeline_mode = #tpu.pipeline_mode<synchronous>, transform_indices = @transform_4, window_bounds = array<i64: 1, 256>}, {pipeline_mode = #tpu.pipeline_mode<synchronous>, transform_indices = @transform_5, window_bounds = array<i64: 256, 4>}, {pipeline_mode = #tpu.pipeline_mode<synchronous>, transform_indices = @transform_6, window_bounds = array<i64: 4, 1>}, {transform_indices = @transform_7, window_bounds = array<i64: 4, 1280>}]} {
    %get3A = arith.constant 0 : index
    %get3A_0 = arith.constant 0 : index
    %get3A_1 = vector.load %arg1[%get3A, %get3A_0] : memref<1280x128xf32, #tpu.memory_space<vmem>>, vector<1280x128xf32>
    %convert_element_type3A = arith.truncf %get3A_1 : vector<1280x128xf32> to vector<1280x128xbf16>
    %get3A_2 = arith.constant 0 : index
    %get3A_3 = arith.constant 0 : index
    %get3A_4 = vector.load %arg4[%get3A_2, %get3A_3] : memref<128x256xbf16, #tpu.memory_space<vmem>>, vector<128x256xbf16>
    %dot_general3A = arith.constant dense<0.000000e+00> : vector<1280x256xf32>
    %dot_general3A_5 = tpu.matmul %convert_element_type3A, %get3A_4, %dot_general3A {dimension_numbers = #tpu.dot_dimension_numbers<[1], [0], [0], [1], [0, 0, 1, 1], [], []>, transpose_lhs_hint = false} : vector<1280x128xbf16>, vector<128x256xbf16>, vector<1280x256xf32> -> vector<1280x256xf32>
    %get3A_6 = arith.constant 0 : index
    %get3A_7 = arith.constant 0 : index
    %get3A_8 = vector.load %arg2[%get3A_6, %get3A_7] : memref<1280x128xi32, #tpu.memory_space<vmem>>, vector<1280x128xi32>
    %shift_left3A = arith.constant 16 : i32
    %shift_left3A_9 = vector.broadcast %shift_left3A : i32 to vector<1280x128xi32>
    %shift_left3A_10 = arith.shli %get3A_8, %shift_left3A_9 : vector<1280x128xi32>
    %bitcast_convert_type3A = tpu.bitcast %shift_left3A_10 : vector<1280x128xi32> -> vector<1280x128xf32>
    %and3A = arith.constant -65536 : i32
    %and3A_11 = vector.broadcast %and3A : i32 to vector<1280x128xi32>
    %and3A_12 = arith.andi %get3A_8, %and3A_11 : vector<1280x128xi32>
    %bitcast_convert_type3A_13 = tpu.bitcast %and3A_12 : vector<1280x128xi32> -> vector<1280x128xf32>
    %concatenate3A = tpu.concatenate %bitcast_convert_type3A, %bitcast_convert_type3A_13 in 1 : vector<1280x128xf32>, vector<1280x128xf32> -> vector<1280x256xf32>
    %add3A = arith.addf %dot_general3A_5, %concatenate3A : vector<1280x256xf32>
    %get3A_14 = arith.constant 0 : index
    %get3A_15 = arith.constant 0 : index
    %get3A_16 = vector.load %arg3[%get3A_14, %get3A_15] : memref<1280x128xi32, #tpu.memory_space<vmem>>, vector<1280x128xi32>
    %shift_left3A_17 = arith.constant 16 : i32
    %shift_left3A_18 = vector.broadcast %shift_left3A_17 : i32 to vector<1280x128xi32>
    %shift_left3A_19 = arith.shli %get3A_16, %shift_left3A_18 : vector<1280x128xi32>
    %bitcast_convert_type3A_20 = tpu.bitcast %shift_left3A_19 : vector<1280x128xi32> -> vector<1280x128xf32>
    %and3A_21 = arith.constant -65536 : i32
    %and3A_22 = vector.broadcast %and3A_21 : i32 to vector<1280x128xi32>
    %and3A_23 = arith.andi %get3A_16, %and3A_22 : vector<1280x128xi32>
    %bitcast_convert_type3A_24 = tpu.bitcast %and3A_23 : vector<1280x128xi32> -> vector<1280x128xf32>
    %concatenate3A_25 = tpu.concatenate %bitcast_convert_type3A_20, %bitcast_convert_type3A_24 in 1 : vector<1280x128xf32>, vector<1280x128xf32> -> vector<1280x256xf32>
    %add3A_26 = arith.addf %add3A, %concatenate3A_25 : vector<1280x256xf32>
    %get3A_27 = arith.constant 0 : index
    %get3A_28 = arith.constant 0 : index
    %get3A_29 = vector.load %arg5[%get3A_27, %get3A_28] : memref<1x256xf32, #tpu.memory_space<vmem>>, vector<1x256xf32>
    %add3A_30 = vector.broadcast %get3A_29 : vector<1x256xf32> to vector<1280x256xf32>
    %add3A_31 = arith.addf %add3A_26, %add3A_30 : vector<1280x256xf32>
    %logistic3A = arith.negf %add3A_31 : vector<1280x256xf32>
    %logistic3A_32 = math.exp %logistic3A : vector<1280x256xf32>
    %logistic3A_33 = arith.constant 1.000000e+00 : f32
    %logistic3A_34 = vector.broadcast %logistic3A_33 : f32 to vector<1280x256xf32>
    %logistic3A_35 = arith.addf %logistic3A_34, %logistic3A_32 : vector<1280x256xf32>
    %logistic3A_36 = arith.divf %logistic3A_34, %logistic3A_35 : vector<1280x256xf32>
    %mul3A = arith.mulf %add3A_31, %logistic3A_36 : vector<1280x256xf32>
    %get3A_37 = arith.constant 0 : index
    %get3A_38 = arith.constant 0 : index
    %get3A_39 = vector.load %arg6[%get3A_37, %get3A_38] : memref<256x4xbf16, #tpu.memory_space<vmem>>, vector<256x4xbf16>
    %convert_element_type3A_40 = arith.truncf %mul3A : vector<1280x256xf32> to vector<1280x256xbf16>
    %dot_general3A_41 = arith.constant dense<0.000000e+00> : vector<4x1280xf32>
    %dot_general3A_42 = tpu.matmul %get3A_39, %convert_element_type3A_40, %dot_general3A_41 {dimension_numbers = #tpu.dot_dimension_numbers<[0], [1], [1], [0], [0, 1, 1, 0], [], []>, transpose_lhs_hint = false} : vector<256x4xbf16>, vector<1280x256xbf16>, vector<4x1280xf32> -> vector<4x1280xf32>
    %get3A_43 = arith.constant 0 : index
    %get3A_44 = arith.constant 0 : index
    %get3A_45 = vector.load %arg7[%get3A_43, %get3A_44] : memref<4x1xf32, #tpu.memory_space<vmem>>, vector<4x1xf32>
    %add3A_46 = vector.broadcast %get3A_45 : vector<4x1xf32> to vector<4x1280xf32>
    %add3A_47 = arith.addf %dot_general3A_42, %add3A_46 : vector<4x1280xf32>
    %slice3A = vector.extract_strided_slice %add3A_47 {offsets = [0, 0], sizes = [1, 1280], strides = [1, 1]} : vector<4x1280xf32> to vector<1x1280xf32>
    %slice3A_48 = vector.extract_strided_slice %add3A_47 {offsets = [1, 0], sizes = [1, 1280], strides = [1, 1]} : vector<4x1280xf32> to vector<1x1280xf32>
    %slice3A_49 = vector.extract_strided_slice %add3A_47 {offsets = [2, 0], sizes = [1, 1280], strides = [1, 1]} : vector<4x1280xf32> to vector<1x1280xf32>
    %slice3A_50 = vector.extract_strided_slice %add3A_47 {offsets = [3, 0], sizes = [1, 1280], strides = [1, 1]} : vector<4x1280xf32> to vector<1x1280xf32>
    %mul3A_51 = arith.mulf %slice3A_48, %slice3A_48 : vector<1x1280xf32>
    %mul3A_52 = arith.mulf %slice3A_48, %slice3A_49 : vector<1x1280xf32>
    %mul3A_53 = arith.mulf %slice3A_49, %slice3A_49 : vector<1x1280xf32>
    %mul3A_54 = arith.mulf %slice3A_50, %slice3A_50 : vector<1x1280xf32>
    %add3A_55 = arith.addf %mul3A_53, %mul3A_54 : vector<1x1280xf32>
    %concatenate3A_56 = tpu.concatenate %slice3A, %mul3A_51, %mul3A_52, %add3A_55 in 0 : vector<1x1280xf32>, vector<1x1280xf32>, vector<1x1280xf32>, vector<1x1280xf32> -> vector<4x1280xf32>
    %swap3A = arith.constant 0 : index
    %swap3A_57 = arith.constant 0 : index
    %swap3A_58 = vector.load %arg8[%swap3A, %swap3A_57] : memref<4x1280xf32, #tpu.memory_space<vmem>>, vector<4x1280xf32>
    tpu.vector_store %arg8[%swap3A, %swap3A_57], %concatenate3A_56 {strides = array<i32>} : memref<4x1280xf32, #tpu.memory_space<vmem>>, vector<4x1280xf32>,
    return
  }
  func.func @transform_0(%arg0: i32) -> (i32, i32) {
    %add3A = arith.constant 0 : i32
    %add3A_0 = arith.addi %arg0, %add3A : i32
    %c0_i32 = arith.constant 0 : i32
    %c0_i32_1 = arith.constant 0 : i32
    return %add3A_0, %c0_i32 : i32, i32
  }
  func.func @transform_1(%arg0: i32) -> (i32, i32) {
    %c0_i32 = arith.constant 0 : i32
    %c0_i32_0 = arith.constant 0 : i32
    return %arg0, %c0_i32 : i32, i32
  }
  func.func @transform_2(%arg0: i32) -> (i32, i32) {
    %c0_i32 = arith.constant 0 : i32
    %c0_i32_0 = arith.constant 0 : i32
    return %arg0, %c0_i32 : i32, i32
  }
  func.func @transform_3(%arg0: i32) -> (i32, i32) {
    %c0_i32 = arith.constant 0 : i32
    %c0_i32_0 = arith.constant 0 : i32
    %c0_i32_1 = arith.constant 0 : i32
    return %c0_i32, %c0_i32_0 : i32, i32
  }
  func.func @transform_4(%arg0: i32) -> (i32, i32) {
    %c0_i32 = arith.constant 0 : i32
    %c0_i32_0 = arith.constant 0 : i32
    %c0_i32_1 = arith.constant 0 : i32
    return %c0_i32, %c0_i32_0 : i32, i32
  }
  func.func @transform_5(%arg0: i32) -> (i32, i32) {
    %c0_i32 = arith.constant 0 : i32
    %c0_i32_0 = arith.constant 0 : i32
    %c0_i32_1 = arith.constant 0 : i32
    return %c0_i32, %c0_i32_0 : i32, i32
  }
  func.func @transform_6(%arg0: i32) -> (i32, i32) {
    %c0_i32 = arith.constant 0 : i32
    %c0_i32_0 = arith.constant 0 : i32
    %c0_i32_1 = arith.constant 0 : i32
    return %c0_i32, %c0_i32_0 : i32, i32
  }
  func.func @transform_7(%arg0: i32) -> (i32, i32) {
    %c0_i32 = arith.constant 0 : i32
    %c0_i32_0 = arith.constant 0 : i32
    return %c0_i32, %arg0 : i32, i32
  }
}

module attributes {stable_mosaic.version = 14 : i64} {
  func.func @_edge_body(%arg0: i32, %arg1: memref<1280x128xf32, #tpu.memory_space<vmem>>, %arg2: memref<1280x128xi32, #tpu.memory_space<vmem>>, %arg3: memref<1280x128xi32, #tpu.memory_space<vmem>>, %arg4: memref<128x256xbf16, #tpu.memory_space<vmem>>, %arg5: memref<1x256xf32, #tpu.memory_space<vmem>>, %arg6: memref<256x4xbf16, #tpu.memory_space<vmem>>, %arg7: memref<4x1xf32, #tpu.memory_space<vmem>>, %arg8: memref<4x1280xf32, #tpu.memory_space<vmem>>) attributes {dimension_semantics = [#tpu.dimension_semantics<arbitrary>], iteration_bounds = array<i64: 50>, scalar_prefetch = 0 : i64, scratch_operands = 0 : i64, tpu.core_type = #tpu.core_type<tc>, window_params = [{transform_indices = @transform_0, window_bounds = array<i64: 1280, 128>}, {transform_indices = @transform_1, window_bounds = array<i64: 1280, 128>}, {transform_indices = @transform_2, window_bounds = array<i64: 1280, 128>}, {pipeline_mode = #tpu.pipeline_mode<synchronous>, transform_indices = @transform_3, window_bounds = array<i64: 128, 256>}, {pipeline_mode = #tpu.pipeline_mode<synchronous>, transform_indices = @transform_4, window_bounds = array<i64: 1, 256>}, {pipeline_mode = #tpu.pipeline_mode<synchronous>, transform_indices = @transform_5, window_bounds = array<i64: 256, 4>}, {pipeline_mode = #tpu.pipeline_mode<synchronous>, transform_indices = @transform_6, window_bounds = array<i64: 4, 1>}, {transform_indices = @transform_7, window_bounds = array<i64: 4, 1280>}]} {
    %get3A = arith.constant 0 : index
    %get3A_0 = arith.constant 0 : index
    %get3A_1 = vector.load %arg1[%get3A, %get3A_0] : memref<1280x128xf32, #tpu.memory_space<vmem>>, vector<1280x128xf32>
    %convert_element_type3A = arith.truncf %get3A_1 : vector<1280x128xf32> to vector<1280x128xbf16>
    %get3A_2 = arith.constant 0 : index
    %get3A_3 = arith.constant 0 : index
    %get3A_4 = vector.load %arg4[%get3A_2, %get3A_3] : memref<128x256xbf16, #tpu.memory_space<vmem>>, vector<128x256xbf16>
    %dot_general3A = arith.constant dense<0.000000e+00> : vector<1280x256xf32>
    %dot_general3A_5 = tpu.matmul %convert_element_type3A, %get3A_4, %dot_general3A {dimension_numbers = #tpu.dot_dimension_numbers<[1], [0], [0], [1], [0, 0, 1, 1], [], []>, transpose_lhs_hint = false} : vector<1280x128xbf16>, vector<128x256xbf16>, vector<1280x256xf32> -> vector<1280x256xf32>
    %get3A_6 = arith.constant 0 : index
    %get3A_7 = arith.constant 0 : index
    %get3A_8 = vector.load %arg2[%get3A_6, %get3A_7] : memref<1280x128xi32, #tpu.memory_space<vmem>>, vector<1280x128xi32>
    %shift_left3A = arith.constant 16 : i32
    %shift_left3A_9 = vector.broadcast %shift_left3A : i32 to vector<1280x128xi32>
    %shift_left3A_10 = arith.shli %get3A_8, %shift_left3A_9 : vector<1280x128xi32>
    %bitcast_convert_type3A = tpu.bitcast %shift_left3A_10 : vector<1280x128xi32> -> vector<1280x128xf32>
    %and3A = arith.constant -65536 : i32
    %and3A_11 = vector.broadcast %and3A : i32 to vector<1280x128xi32>
    %and3A_12 = arith.andi %get3A_8, %and3A_11 : vector<1280x128xi32>
    %bitcast_convert_type3A_13 = tpu.bitcast %and3A_12 : vector<1280x128xi32> -> vector<1280x128xf32>
    %concatenate3A = tpu.concatenate %bitcast_convert_type3A, %bitcast_convert_type3A_13 in 1 : vector<1280x128xf32>, vector<1280x128xf32> -> vector<1280x256xf32>
    %add3A = arith.addf %dot_general3A_5, %concatenate3A : vector<1280x256xf32>
    %get3A_14 = arith.constant 0 : index
    %get3A_15 = arith.constant 0 : index
    %get3A_16 = vector.load %arg3[%get3A_14, %get3A_15] : memref<1280x128xi32, #tpu.memory_space<vmem>>, vector<1280x128xi32>
    %shift_left3A_17 = arith.constant 16 : i32
    %shift_left3A_18 = vector.broadcast %shift_left3A_17 : i32 to vector<1280x128xi32>
    %shift_left3A_19 = arith.shli %get3A_16, %shift_left3A_18 : vector<1280x128xi32>
    %bitcast_convert_type3A_20 = tpu.bitcast %shift_left3A_19 : vector<1280x128xi32> -> vector<1280x128xf32>
    %and3A_21 = arith.constant -65536 : i32
    %and3A_22 = vector.broadcast %and3A_21 : i32 to vector<1280x128xi32>
    %and3A_23 = arith.andi %get3A_16, %and3A_22 : vector<1280x128xi32>
    %bitcast_convert_type3A_24 = tpu.bitcast %and3A_23 : vector<1280x128xi32> -> vector<1280x128xf32>
    %concatenate3A_25 = tpu.concatenate %bitcast_convert_type3A_20, %bitcast_convert_type3A_24 in 1 : vector<1280x128xf32>, vector<1280x128xf32> -> vector<1280x256xf32>
    %add3A_26 = arith.addf %add3A, %concatenate3A_25 : vector<1280x256xf32>
    %get3A_27 = arith.constant 0 : index
    %get3A_28 = arith.constant 0 : index
    %get3A_29 = vector.load %arg5[%get3A_27, %get3A_28] : memref<1x256xf32, #tpu.memory_space<vmem>>, vector<1x256xf32>
    %add3A_30 = vector.broadcast %get3A_29 : vector<1x256xf32> to vector<1280x256xf32>
    %add3A_31 = arith.addf %add3A_26, %add3A_30 : vector<1280x256xf32>
    %logistic3A = arith.negf %add3A_31 : vector<1280x256xf32>
    %logistic3A_32 = math.exp %logistic3A : vector<1280x256xf32>
    %logistic3A_33 = arith.constant 1.000000e+00 : f32
    %logistic3A_34 = vector.broadcast %logistic3A_33 : f32 to vector<1280x256xf32>
    %logistic3A_35 = arith.addf %logistic3A_34, %logistic3A_32 : vector<1280x256xf32>
    %logistic3A_36 = arith.divf %logistic3A_34, %logistic3A_35 : vector<1280x256xf32>
    %mul3A = arith.mulf %add3A_31, %logistic3A_36 : vector<1280x256xf32>
    %get3A_37 = arith.constant 0 : index
    %get3A_38 = arith.constant 0 : index
    %get3A_39 = vector.load %arg6[%get3A_37, %get3A_38] : memref<256x4xbf16, #tpu.memory_space<vmem>>, vector<256x4xbf16>
    %convert_element_type3A_40 = arith.truncf %mul3A : vector<1280x256xf32> to vector<1280x256xbf16>
    %dot_general3A_41 = arith.constant dense<0.000000e+00> : vector<4x1280xf32>
    %dot_general3A_42 = tpu.matmul %get3A_39, %convert_element_type3A_40, %dot_general3A_41 {dimension_numbers = #tpu.dot_dimension_numbers<[0], [1], [1], [0], [0, 1, 1, 0], [], []>, transpose_lhs_hint = false} : vector<256x4xbf16>, vector<1280x256xbf16>, vector<4x1280xf32> -> vector<4x1280xf32>
    %get3A_43 = arith.constant 0 : index
    %get3A_44 = arith.constant 0 : index
    %get3A_45 = vector.load %arg7[%get3A_43, %get3A_44] : memref<4x1xf32, #tpu.memory_space<vmem>>, vector<4x1xf32>
    %add3A_46 = vector.broadcast %get3A_45 : vector<4x1xf32> to vector<4x1280xf32>
    %add3A_47 = arith.addf %dot_general3A_42, %add3A_46 : vector<4x1280xf32>
    %slice3A = vector.extract_strided_slice %add3A_47 {offsets = [0, 0], sizes = [1, 1280], strides = [1, 1]} : vector<4x1280xf32> to vector<1x1280xf32>
    %slice3A_48 = vector.extract_strided_slice %add3A_47 {offsets = [1, 0], sizes = [1, 1280], strides = [1, 1]} : vector<4x1280xf32> to vector<1x1280xf32>
    %slice3A_49 = vector.extract_strided_slice %add3A_47 {offsets = [2, 0], sizes = [1, 1280], strides = [1, 1]} : vector<4x1280xf32> to vector<1x1280xf32>
    %slice3A_50 = vector.extract_strided_slice %add3A_47 {offsets = [3, 0], sizes = [1, 1280], strides = [1, 1]} : vector<4x1280xf32> to vector<1x1280xf32>
    %mul3A_51 = arith.mulf %slice3A_48, %slice3A_48 : vector<1x1280xf32>
    %mul3A_52 = arith.mulf %slice3A_48, %slice3A_49 : vector<1x1280xf32>
    %mul3A_53 = arith.mulf %slice3A_49, %slice3A_49 : vector<1x1280xf32>
    %mul3A_54 = arith.mulf %slice3A_50, %slice3A_50 : vector<1x1280xf32>
    %add3A_55 = arith.addf %mul3A_53, %mul3A_54 : vector<1x1280xf32>
    %concatenate3A_56 = tpu.concatenate %slice3A, %mul3A_51, %mul3A_52, %add3A_55 in 0 : vector<1x1280xf32>, vector<1x1280xf32>, vector<1x1280xf32>, vector<1x1280xf32> -> vector<4x1280xf32>
    %swap3A = arith.constant 0 : index
    %swap3A_57 = arith.constant 0 : index
    %swap3A_58 = vector.load %arg8[%swap3A, %swap3A_57] : memref<4x1280xf32, #tpu.memory_space<vmem>>, vector<4x1280xf32>
    tpu.vector_store %arg8[%swap3A, %swap3A_57], %concatenate3A_56 {strides = array<i32>} : memref<4x1280xf32, #tpu.memory_space<vmem>>, vector<4x1280xf32>,
    return
  }
  func.func @transform_0(%arg0: i32) -> (i32, i32) {
    %add3A = arith.constant 100 : i32
    %add3A_0 = arith.addi %arg0, %add3A : i32
    %c0_i32 = arith.constant 0 : i32
    %c0_i32_1 = arith.constant 0 : i32
    return %add3A_0, %c0_i32 : i32, i32
  }
  func.func @transform_1(%arg0: i32) -> (i32, i32) {
    %c0_i32 = arith.constant 0 : i32
    %c0_i32_0 = arith.constant 0 : i32
    return %arg0, %c0_i32 : i32, i32
  }
  func.func @transform_2(%arg0: i32) -> (i32, i32) {
    %c0_i32 = arith.constant 0 : i32
    %c0_i32_0 = arith.constant 0 : i32
    return %arg0, %c0_i32 : i32, i32
  }
  func.func @transform_3(%arg0: i32) -> (i32, i32) {
    %c0_i32 = arith.constant 0 : i32
    %c0_i32_0 = arith.constant 0 : i32
    %c0_i32_1 = arith.constant 0 : i32
    return %c0_i32, %c0_i32_0 : i32, i32
  }
  func.func @transform_4(%arg0: i32) -> (i32, i32) {
    %c0_i32 = arith.constant 0 : i32
    %c0_i32_0 = arith.constant 0 : i32
    %c0_i32_1 = arith.constant 0 : i32
    return %c0_i32, %c0_i32_0 : i32, i32
  }
  func.func @transform_5(%arg0: i32) -> (i32, i32) {
    %c0_i32 = arith.constant 0 : i32
    %c0_i32_0 = arith.constant 0 : i32
    %c0_i32_1 = arith.constant 0 : i32
    return %c0_i32, %c0_i32_0 : i32, i32
  }
  func.func @transform_6(%arg0: i32) -> (i32, i32) {
    %c0_i32 = arith.constant 0 : i32
    %c0_i32_0 = arith.constant 0 : i32
    %c0_i32_1 = arith.constant 0 : i32
    return %c0_i32, %c0_i32_0 : i32, i32
  }
  func.func @transform_7(%arg0: i32) -> (i32, i32) {
    %c0_i32 = arith.constant 0 : i32
    %c0_i32_0 = arith.constant 0 : i32
    return %c0_i32, %arg0 : i32, i32
  }
}

module attributes {stable_mosaic.version = 14 : i64} {
  func.func @_edge_body(%arg0: i32, %arg1: memref<1280x128xf32, #tpu.memory_space<vmem>>, %arg2: memref<1280x128xi32, #tpu.memory_space<vmem>>, %arg3: memref<1280x128xi32, #tpu.memory_space<vmem>>, %arg4: memref<128x256xbf16, #tpu.memory_space<vmem>>, %arg5: memref<1x256xf32, #tpu.memory_space<vmem>>, %arg6: memref<256x4xbf16, #tpu.memory_space<vmem>>, %arg7: memref<4x1xf32, #tpu.memory_space<vmem>>, %arg8: memref<4x1280xf32, #tpu.memory_space<vmem>>) attributes {dimension_semantics = [#tpu.dimension_semantics<arbitrary>], iteration_bounds = array<i64: 50>, scalar_prefetch = 0 : i64, scratch_operands = 0 : i64, tpu.core_type = #tpu.core_type<tc>, window_params = [{transform_indices = @transform_0, window_bounds = array<i64: 1280, 128>}, {transform_indices = @transform_1, window_bounds = array<i64: 1280, 128>}, {transform_indices = @transform_2, window_bounds = array<i64: 1280, 128>}, {pipeline_mode = #tpu.pipeline_mode<synchronous>, transform_indices = @transform_3, window_bounds = array<i64: 128, 256>}, {pipeline_mode = #tpu.pipeline_mode<synchronous>, transform_indices = @transform_4, window_bounds = array<i64: 1, 256>}, {pipeline_mode = #tpu.pipeline_mode<synchronous>, transform_indices = @transform_5, window_bounds = array<i64: 256, 4>}, {pipeline_mode = #tpu.pipeline_mode<synchronous>, transform_indices = @transform_6, window_bounds = array<i64: 4, 1>}, {transform_indices = @transform_7, window_bounds = array<i64: 4, 1280>}]} {
    %get3A = arith.constant 0 : index
    %get3A_0 = arith.constant 0 : index
    %get3A_1 = vector.load %arg1[%get3A, %get3A_0] : memref<1280x128xf32, #tpu.memory_space<vmem>>, vector<1280x128xf32>
    %convert_element_type3A = arith.truncf %get3A_1 : vector<1280x128xf32> to vector<1280x128xbf16>
    %get3A_2 = arith.constant 0 : index
    %get3A_3 = arith.constant 0 : index
    %get3A_4 = vector.load %arg4[%get3A_2, %get3A_3] : memref<128x256xbf16, #tpu.memory_space<vmem>>, vector<128x256xbf16>
    %dot_general3A = arith.constant dense<0.000000e+00> : vector<1280x256xf32>
    %dot_general3A_5 = tpu.matmul %convert_element_type3A, %get3A_4, %dot_general3A {dimension_numbers = #tpu.dot_dimension_numbers<[1], [0], [0], [1], [0, 0, 1, 1], [], []>, transpose_lhs_hint = false} : vector<1280x128xbf16>, vector<128x256xbf16>, vector<1280x256xf32> -> vector<1280x256xf32>
    %get3A_6 = arith.constant 0 : index
    %get3A_7 = arith.constant 0 : index
    %get3A_8 = vector.load %arg2[%get3A_6, %get3A_7] : memref<1280x128xi32, #tpu.memory_space<vmem>>, vector<1280x128xi32>
    %shift_left3A = arith.constant 16 : i32
    %shift_left3A_9 = vector.broadcast %shift_left3A : i32 to vector<1280x128xi32>
    %shift_left3A_10 = arith.shli %get3A_8, %shift_left3A_9 : vector<1280x128xi32>
    %bitcast_convert_type3A = tpu.bitcast %shift_left3A_10 : vector<1280x128xi32> -> vector<1280x128xf32>
    %and3A = arith.constant -65536 : i32
    %and3A_11 = vector.broadcast %and3A : i32 to vector<1280x128xi32>
    %and3A_12 = arith.andi %get3A_8, %and3A_11 : vector<1280x128xi32>
    %bitcast_convert_type3A_13 = tpu.bitcast %and3A_12 : vector<1280x128xi32> -> vector<1280x128xf32>
    %concatenate3A = tpu.concatenate %bitcast_convert_type3A, %bitcast_convert_type3A_13 in 1 : vector<1280x128xf32>, vector<1280x128xf32> -> vector<1280x256xf32>
    %add3A = arith.addf %dot_general3A_5, %concatenate3A : vector<1280x256xf32>
    %get3A_14 = arith.constant 0 : index
    %get3A_15 = arith.constant 0 : index
    %get3A_16 = vector.load %arg3[%get3A_14, %get3A_15] : memref<1280x128xi32, #tpu.memory_space<vmem>>, vector<1280x128xi32>
    %shift_left3A_17 = arith.constant 16 : i32
    %shift_left3A_18 = vector.broadcast %shift_left3A_17 : i32 to vector<1280x128xi32>
    %shift_left3A_19 = arith.shli %get3A_16, %shift_left3A_18 : vector<1280x128xi32>
    %bitcast_convert_type3A_20 = tpu.bitcast %shift_left3A_19 : vector<1280x128xi32> -> vector<1280x128xf32>
    %and3A_21 = arith.constant -65536 : i32
    %and3A_22 = vector.broadcast %and3A_21 : i32 to vector<1280x128xi32>
    %and3A_23 = arith.andi %get3A_16, %and3A_22 : vector<1280x128xi32>
    %bitcast_convert_type3A_24 = tpu.bitcast %and3A_23 : vector<1280x128xi32> -> vector<1280x128xf32>
    %concatenate3A_25 = tpu.concatenate %bitcast_convert_type3A_20, %bitcast_convert_type3A_24 in 1 : vector<1280x128xf32>, vector<1280x128xf32> -> vector<1280x256xf32>
    %add3A_26 = arith.addf %add3A, %concatenate3A_25 : vector<1280x256xf32>
    %get3A_27 = arith.constant 0 : index
    %get3A_28 = arith.constant 0 : index
    %get3A_29 = vector.load %arg5[%get3A_27, %get3A_28] : memref<1x256xf32, #tpu.memory_space<vmem>>, vector<1x256xf32>
    %add3A_30 = vector.broadcast %get3A_29 : vector<1x256xf32> to vector<1280x256xf32>
    %add3A_31 = arith.addf %add3A_26, %add3A_30 : vector<1280x256xf32>
    %logistic3A = arith.negf %add3A_31 : vector<1280x256xf32>
    %logistic3A_32 = math.exp %logistic3A : vector<1280x256xf32>
    %logistic3A_33 = arith.constant 1.000000e+00 : f32
    %logistic3A_34 = vector.broadcast %logistic3A_33 : f32 to vector<1280x256xf32>
    %logistic3A_35 = arith.addf %logistic3A_34, %logistic3A_32 : vector<1280x256xf32>
    %logistic3A_36 = arith.divf %logistic3A_34, %logistic3A_35 : vector<1280x256xf32>
    %mul3A = arith.mulf %add3A_31, %logistic3A_36 : vector<1280x256xf32>
    %get3A_37 = arith.constant 0 : index
    %get3A_38 = arith.constant 0 : index
    %get3A_39 = vector.load %arg6[%get3A_37, %get3A_38] : memref<256x4xbf16, #tpu.memory_space<vmem>>, vector<256x4xbf16>
    %convert_element_type3A_40 = arith.truncf %mul3A : vector<1280x256xf32> to vector<1280x256xbf16>
    %dot_general3A_41 = arith.constant dense<0.000000e+00> : vector<4x1280xf32>
    %dot_general3A_42 = tpu.matmul %get3A_39, %convert_element_type3A_40, %dot_general3A_41 {dimension_numbers = #tpu.dot_dimension_numbers<[0], [1], [1], [0], [0, 1, 1, 0], [], []>, transpose_lhs_hint = false} : vector<256x4xbf16>, vector<1280x256xbf16>, vector<4x1280xf32> -> vector<4x1280xf32>
    %get3A_43 = arith.constant 0 : index
    %get3A_44 = arith.constant 0 : index
    %get3A_45 = vector.load %arg7[%get3A_43, %get3A_44] : memref<4x1xf32, #tpu.memory_space<vmem>>, vector<4x1xf32>
    %add3A_46 = vector.broadcast %get3A_45 : vector<4x1xf32> to vector<4x1280xf32>
    %add3A_47 = arith.addf %dot_general3A_42, %add3A_46 : vector<4x1280xf32>
    %slice3A = vector.extract_strided_slice %add3A_47 {offsets = [0, 0], sizes = [1, 1280], strides = [1, 1]} : vector<4x1280xf32> to vector<1x1280xf32>
    %slice3A_48 = vector.extract_strided_slice %add3A_47 {offsets = [1, 0], sizes = [1, 1280], strides = [1, 1]} : vector<4x1280xf32> to vector<1x1280xf32>
    %slice3A_49 = vector.extract_strided_slice %add3A_47 {offsets = [2, 0], sizes = [1, 1280], strides = [1, 1]} : vector<4x1280xf32> to vector<1x1280xf32>
    %slice3A_50 = vector.extract_strided_slice %add3A_47 {offsets = [3, 0], sizes = [1, 1280], strides = [1, 1]} : vector<4x1280xf32> to vector<1x1280xf32>
    %mul3A_51 = arith.mulf %slice3A_48, %slice3A_48 : vector<1x1280xf32>
    %mul3A_52 = arith.mulf %slice3A_48, %slice3A_49 : vector<1x1280xf32>
    %mul3A_53 = arith.mulf %slice3A_49, %slice3A_49 : vector<1x1280xf32>
    %mul3A_54 = arith.mulf %slice3A_50, %slice3A_50 : vector<1x1280xf32>
    %add3A_55 = arith.addf %mul3A_53, %mul3A_54 : vector<1x1280xf32>
    %concatenate3A_56 = tpu.concatenate %slice3A, %mul3A_51, %mul3A_52, %add3A_55 in 0 : vector<1x1280xf32>, vector<1x1280xf32>, vector<1x1280xf32>, vector<1x1280xf32> -> vector<4x1280xf32>
    %swap3A = arith.constant 0 : index
    %swap3A_57 = arith.constant 0 : index
    %swap3A_58 = vector.load %arg8[%swap3A, %swap3A_57] : memref<4x1280xf32, #tpu.memory_space<vmem>>, vector<4x1280xf32>
    tpu.vector_store %arg8[%swap3A, %swap3A_57], %concatenate3A_56 {strides = array<i32>} : memref<4x1280xf32, #tpu.memory_space<vmem>>, vector<4x1280xf32>,
    return
  }
  func.func @transform_0(%arg0: i32) -> (i32, i32) {
    %add3A = arith.constant 150 : i32
    %add3A_0 = arith.addi %arg0, %add3A : i32
    %c0_i32 = arith.constant 0 : i32
    %c0_i32_1 = arith.constant 0 : i32
    return %add3A_0, %c0_i32 : i32, i32
  }
  func.func @transform_1(%arg0: i32) -> (i32, i32) {
    %c0_i32 = arith.constant 0 : i32
    %c0_i32_0 = arith.constant 0 : i32
    return %arg0, %c0_i32 : i32, i32
  }
  func.func @transform_2(%arg0: i32) -> (i32, i32) {
    %c0_i32 = arith.constant 0 : i32
    %c0_i32_0 = arith.constant 0 : i32
    return %arg0, %c0_i32 : i32, i32
  }
  func.func @transform_3(%arg0: i32) -> (i32, i32) {
    %c0_i32 = arith.constant 0 : i32
    %c0_i32_0 = arith.constant 0 : i32
    %c0_i32_1 = arith.constant 0 : i32
    return %c0_i32, %c0_i32_0 : i32, i32
  }
  func.func @transform_4(%arg0: i32) -> (i32, i32) {
    %c0_i32 = arith.constant 0 : i32
    %c0_i32_0 = arith.constant 0 : i32
    %c0_i32_1 = arith.constant 0 : i32
    return %c0_i32, %c0_i32_0 : i32, i32
  }
  func.func @transform_5(%arg0: i32) -> (i32, i32) {
    %c0_i32 = arith.constant 0 : i32
    %c0_i32_0 = arith.constant 0 : i32
    %c0_i32_1 = arith.constant 0 : i32
    return %c0_i32, %c0_i32_0 : i32, i32
  }
  func.func @transform_6(%arg0: i32) -> (i32, i32) {
    %c0_i32 = arith.constant 0 : i32
    %c0_i32_0 = arith.constant 0 : i32
    %c0_i32_1 = arith.constant 0 : i32
    return %c0_i32, %c0_i32_0 : i32, i32
  }
  func.func @transform_7(%arg0: i32) -> (i32, i32) {
    %c0_i32 = arith.constant 0 : i32
    %c0_i32_0 = arith.constant 0 : i32
    return %c0_i32, %arg0 : i32, i32
  }
}

module attributes {stable_mosaic.version = 14 : i64} {
  func.func @_edge_body(%arg0: i32, %arg1: memref<1280x128xf32, #tpu.memory_space<vmem>>, %arg2: memref<1280x128xi32, #tpu.memory_space<vmem>>, %arg3: memref<1280x128xi32, #tpu.memory_space<vmem>>, %arg4: memref<128x256xbf16, #tpu.memory_space<vmem>>, %arg5: memref<1x256xf32, #tpu.memory_space<vmem>>, %arg6: memref<256x4xbf16, #tpu.memory_space<vmem>>, %arg7: memref<4x1xf32, #tpu.memory_space<vmem>>, %arg8: memref<4x1280xf32, #tpu.memory_space<vmem>>) attributes {dimension_semantics = [#tpu.dimension_semantics<arbitrary>], iteration_bounds = array<i64: 50>, scalar_prefetch = 0 : i64, scratch_operands = 0 : i64, tpu.core_type = #tpu.core_type<tc>, window_params = [{transform_indices = @transform_0, window_bounds = array<i64: 1280, 128>}, {transform_indices = @transform_1, window_bounds = array<i64: 1280, 128>}, {transform_indices = @transform_2, window_bounds = array<i64: 1280, 128>}, {pipeline_mode = #tpu.pipeline_mode<synchronous>, transform_indices = @transform_3, window_bounds = array<i64: 128, 256>}, {pipeline_mode = #tpu.pipeline_mode<synchronous>, transform_indices = @transform_4, window_bounds = array<i64: 1, 256>}, {pipeline_mode = #tpu.pipeline_mode<synchronous>, transform_indices = @transform_5, window_bounds = array<i64: 256, 4>}, {pipeline_mode = #tpu.pipeline_mode<synchronous>, transform_indices = @transform_6, window_bounds = array<i64: 4, 1>}, {transform_indices = @transform_7, window_bounds = array<i64: 4, 1280>}]} {
    %get3A = arith.constant 0 : index
    %get3A_0 = arith.constant 0 : index
    %get3A_1 = vector.load %arg1[%get3A, %get3A_0] : memref<1280x128xf32, #tpu.memory_space<vmem>>, vector<1280x128xf32>
    %convert_element_type3A = arith.truncf %get3A_1 : vector<1280x128xf32> to vector<1280x128xbf16>
    %get3A_2 = arith.constant 0 : index
    %get3A_3 = arith.constant 0 : index
    %get3A_4 = vector.load %arg4[%get3A_2, %get3A_3] : memref<128x256xbf16, #tpu.memory_space<vmem>>, vector<128x256xbf16>
    %dot_general3A = arith.constant dense<0.000000e+00> : vector<1280x256xf32>
    %dot_general3A_5 = tpu.matmul %convert_element_type3A, %get3A_4, %dot_general3A {dimension_numbers = #tpu.dot_dimension_numbers<[1], [0], [0], [1], [0, 0, 1, 1], [], []>, transpose_lhs_hint = false} : vector<1280x128xbf16>, vector<128x256xbf16>, vector<1280x256xf32> -> vector<1280x256xf32>
    %get3A_6 = arith.constant 0 : index
    %get3A_7 = arith.constant 0 : index
    %get3A_8 = vector.load %arg2[%get3A_6, %get3A_7] : memref<1280x128xi32, #tpu.memory_space<vmem>>, vector<1280x128xi32>
    %shift_left3A = arith.constant 16 : i32
    %shift_left3A_9 = vector.broadcast %shift_left3A : i32 to vector<1280x128xi32>
    %shift_left3A_10 = arith.shli %get3A_8, %shift_left3A_9 : vector<1280x128xi32>
    %bitcast_convert_type3A = tpu.bitcast %shift_left3A_10 : vector<1280x128xi32> -> vector<1280x128xf32>
    %and3A = arith.constant -65536 : i32
    %and3A_11 = vector.broadcast %and3A : i32 to vector<1280x128xi32>
    %and3A_12 = arith.andi %get3A_8, %and3A_11 : vector<1280x128xi32>
    %bitcast_convert_type3A_13 = tpu.bitcast %and3A_12 : vector<1280x128xi32> -> vector<1280x128xf32>
    %concatenate3A = tpu.concatenate %bitcast_convert_type3A, %bitcast_convert_type3A_13 in 1 : vector<1280x128xf32>, vector<1280x128xf32> -> vector<1280x256xf32>
    %add3A = arith.addf %dot_general3A_5, %concatenate3A : vector<1280x256xf32>
    %get3A_14 = arith.constant 0 : index
    %get3A_15 = arith.constant 0 : index
    %get3A_16 = vector.load %arg3[%get3A_14, %get3A_15] : memref<1280x128xi32, #tpu.memory_space<vmem>>, vector<1280x128xi32>
    %shift_left3A_17 = arith.constant 16 : i32
    %shift_left3A_18 = vector.broadcast %shift_left3A_17 : i32 to vector<1280x128xi32>
    %shift_left3A_19 = arith.shli %get3A_16, %shift_left3A_18 : vector<1280x128xi32>
    %bitcast_convert_type3A_20 = tpu.bitcast %shift_left3A_19 : vector<1280x128xi32> -> vector<1280x128xf32>
    %and3A_21 = arith.constant -65536 : i32
    %and3A_22 = vector.broadcast %and3A_21 : i32 to vector<1280x128xi32>
    %and3A_23 = arith.andi %get3A_16, %and3A_22 : vector<1280x128xi32>
    %bitcast_convert_type3A_24 = tpu.bitcast %and3A_23 : vector<1280x128xi32> -> vector<1280x128xf32>
    %concatenate3A_25 = tpu.concatenate %bitcast_convert_type3A_20, %bitcast_convert_type3A_24 in 1 : vector<1280x128xf32>, vector<1280x128xf32> -> vector<1280x256xf32>
    %add3A_26 = arith.addf %add3A, %concatenate3A_25 : vector<1280x256xf32>
    %get3A_27 = arith.constant 0 : index
    %get3A_28 = arith.constant 0 : index
    %get3A_29 = vector.load %arg5[%get3A_27, %get3A_28] : memref<1x256xf32, #tpu.memory_space<vmem>>, vector<1x256xf32>
    %add3A_30 = vector.broadcast %get3A_29 : vector<1x256xf32> to vector<1280x256xf32>
    %add3A_31 = arith.addf %add3A_26, %add3A_30 : vector<1280x256xf32>
    %logistic3A = arith.negf %add3A_31 : vector<1280x256xf32>
    %logistic3A_32 = math.exp %logistic3A : vector<1280x256xf32>
    %logistic3A_33 = arith.constant 1.000000e+00 : f32
    %logistic3A_34 = vector.broadcast %logistic3A_33 : f32 to vector<1280x256xf32>
    %logistic3A_35 = arith.addf %logistic3A_34, %logistic3A_32 : vector<1280x256xf32>
    %logistic3A_36 = arith.divf %logistic3A_34, %logistic3A_35 : vector<1280x256xf32>
    %mul3A = arith.mulf %add3A_31, %logistic3A_36 : vector<1280x256xf32>
    %get3A_37 = arith.constant 0 : index
    %get3A_38 = arith.constant 0 : index
    %get3A_39 = vector.load %arg6[%get3A_37, %get3A_38] : memref<256x4xbf16, #tpu.memory_space<vmem>>, vector<256x4xbf16>
    %convert_element_type3A_40 = arith.truncf %mul3A : vector<1280x256xf32> to vector<1280x256xbf16>
    %dot_general3A_41 = arith.constant dense<0.000000e+00> : vector<4x1280xf32>
    %dot_general3A_42 = tpu.matmul %get3A_39, %convert_element_type3A_40, %dot_general3A_41 {dimension_numbers = #tpu.dot_dimension_numbers<[0], [1], [1], [0], [0, 1, 1, 0], [], []>, transpose_lhs_hint = false} : vector<256x4xbf16>, vector<1280x256xbf16>, vector<4x1280xf32> -> vector<4x1280xf32>
    %get3A_43 = arith.constant 0 : index
    %get3A_44 = arith.constant 0 : index
    %get3A_45 = vector.load %arg7[%get3A_43, %get3A_44] : memref<4x1xf32, #tpu.memory_space<vmem>>, vector<4x1xf32>
    %add3A_46 = vector.broadcast %get3A_45 : vector<4x1xf32> to vector<4x1280xf32>
    %add3A_47 = arith.addf %dot_general3A_42, %add3A_46 : vector<4x1280xf32>
    %slice3A = vector.extract_strided_slice %add3A_47 {offsets = [0, 0], sizes = [1, 1280], strides = [1, 1]} : vector<4x1280xf32> to vector<1x1280xf32>
    %slice3A_48 = vector.extract_strided_slice %add3A_47 {offsets = [1, 0], sizes = [1, 1280], strides = [1, 1]} : vector<4x1280xf32> to vector<1x1280xf32>
    %slice3A_49 = vector.extract_strided_slice %add3A_47 {offsets = [2, 0], sizes = [1, 1280], strides = [1, 1]} : vector<4x1280xf32> to vector<1x1280xf32>
    %slice3A_50 = vector.extract_strided_slice %add3A_47 {offsets = [3, 0], sizes = [1, 1280], strides = [1, 1]} : vector<4x1280xf32> to vector<1x1280xf32>
    %mul3A_51 = arith.mulf %slice3A_48, %slice3A_48 : vector<1x1280xf32>
    %mul3A_52 = arith.mulf %slice3A_48, %slice3A_49 : vector<1x1280xf32>
    %mul3A_53 = arith.mulf %slice3A_49, %slice3A_49 : vector<1x1280xf32>
    %mul3A_54 = arith.mulf %slice3A_50, %slice3A_50 : vector<1x1280xf32>
    %add3A_55 = arith.addf %mul3A_53, %mul3A_54 : vector<1x1280xf32>
    %concatenate3A_56 = tpu.concatenate %slice3A, %mul3A_51, %mul3A_52, %add3A_55 in 0 : vector<1x1280xf32>, vector<1x1280xf32>, vector<1x1280xf32>, vector<1x1280xf32> -> vector<4x1280xf32>
    %swap3A = arith.constant 0 : index
    %swap3A_57 = arith.constant 0 : index
    %swap3A_58 = vector.load %arg8[%swap3A, %swap3A_57] : memref<4x1280xf32, #tpu.memory_space<vmem>>, vector<4x1280xf32>
    tpu.vector_store %arg8[%swap3A, %swap3A_57], %concatenate3A_56 {strides = array<i32>} : memref<4x1280xf32, #tpu.memory_space<vmem>>, vector<4x1280xf32>,
    return
  }
  func.func @transform_0(%arg0: i32) -> (i32, i32) {
    %add3A = arith.constant 200 : i32
    %add3A_0 = arith.addi %arg0, %add3A : i32
    %c0_i32 = arith.constant 0 : i32
    %c0_i32_1 = arith.constant 0 : i32
    return %add3A_0, %c0_i32 : i32, i32
  }
  func.func @transform_1(%arg0: i32) -> (i32, i32) {
    %c0_i32 = arith.constant 0 : i32
    %c0_i32_0 = arith.constant 0 : i32
    return %arg0, %c0_i32 : i32, i32
  }
  func.func @transform_2(%arg0: i32) -> (i32, i32) {
    %c0_i32 = arith.constant 0 : i32
    %c0_i32_0 = arith.constant 0 : i32
    return %arg0, %c0_i32 : i32, i32
  }
  func.func @transform_3(%arg0: i32) -> (i32, i32) {
    %c0_i32 = arith.constant 0 : i32
    %c0_i32_0 = arith.constant 0 : i32
    %c0_i32_1 = arith.constant 0 : i32
    return %c0_i32, %c0_i32_0 : i32, i32
  }
  func.func @transform_4(%arg0: i32) -> (i32, i32) {
    %c0_i32 = arith.constant 0 : i32
    %c0_i32_0 = arith.constant 0 : i32
    %c0_i32_1 = arith.constant 0 : i32
    return %c0_i32, %c0_i32_0 : i32, i32
  }
  func.func @transform_5(%arg0: i32) -> (i32, i32) {
    %c0_i32 = arith.constant 0 : i32
    %c0_i32_0 = arith.constant 0 : i32
    %c0_i32_1 = arith.constant 0 : i32
    return %c0_i32, %c0_i32_0 : i32, i32
  }
  func.func @transform_6(%arg0: i32) -> (i32, i32) {
    %c0_i32 = arith.constant 0 : i32
    %c0_i32_0 = arith.constant 0 : i32
    %c0_i32_1 = arith.constant 0 : i32
    return %c0_i32, %c0_i32_0 : i32, i32
  }
  func.func @transform_7(%arg0: i32) -> (i32, i32) {
    %c0_i32 = arith.constant 0 : i32
    %c0_i32_0 = arith.constant 0 : i32
    return %c0_i32, %arg0 : i32, i32
  }
}

module attributes {stable_mosaic.version = 14 : i64} {
  func.func @_combine_body(%arg0: i32, %arg1: memref<512x16xf32, #tpu.memory_space<vmem>>, %arg2: memref<32x512xf32, #tpu.memory_space<vmem>>, %arg3: memref<32x512xf32, #tpu.memory_space<vmem>>, %arg4: memref<512x16xf32, #tpu.memory_space<vmem>>) attributes {dimension_semantics = [#tpu.dimension_semantics<arbitrary>], iteration_bounds = array<i64: 20>, scalar_prefetch = 0 : i64, scratch_operands = 0 : i64, tpu.core_type = #tpu.core_type<tc>, window_params = [{transform_indices = @transform_0, window_bounds = array<i64: 512, 16>}, {transform_indices = @transform_1, window_bounds = array<i64: 32, 512>}, {transform_indices = @transform_2, window_bounds = array<i64: 32, 512>}, {transform_indices = @transform_3, window_bounds = array<i64: 512, 16>}]} {
    %get3A = arith.constant 0 : index
    %get3A_0 = arith.constant 0 : index
    %get3A_1 = vector.load %arg2[%get3A, %get3A_0] : memref<32x512xf32, #tpu.memory_space<vmem>>, vector<32x512xf32>
    %reduce_sum3A = arith.constant dense<0.000000e+00> : vector<512xf32>
    %reduce_sum3A_2 = vector.multi_reduction <add>, %get3A_1, %reduce_sum3A [0] : vector<32x512xf32> to vector<512xf32>
    %get3A_3 = arith.constant 0 : index
    %get3A_4 = arith.constant 0 : index
    %get3A_5 = vector.load %arg3[%get3A_3, %get3A_4] : memref<32x512xf32, #tpu.memory_space<vmem>>, vector<32x512xf32>
    %reduce_sum3A_6 = arith.constant dense<0.000000e+00> : vector<512xf32>
    %reduce_sum3A_7 = vector.multi_reduction <add>, %get3A_5, %reduce_sum3A_6 [0] : vector<32x512xf32> to vector<512xf32>
    %get3A_8 = arith.constant 0 : index
    %get3A_9 = arith.constant 0 : index
    %get3A_10 = vector.load %arg1[%get3A_8, %get3A_9] : memref<512x16xf32, #tpu.memory_space<vmem>>, vector<512x16xf32>
    %slice3A = vector.extract_strided_slice %get3A_10 {offsets = [0, 0], sizes = [512, 1], strides = [1, 1]} : vector<512x16xf32> to vector<512x1xf32>
    %squeeze3A = vector.shape_cast %slice3A : vector<512x1xf32> to vector<512xf32>
    %sub3A = arith.subf %squeeze3A, %reduce_sum3A_2 : vector<512xf32>
    %slice3A_11 = vector.extract_strided_slice %get3A_10 {offsets = [0, 1], sizes = [512, 1], strides = [1, 1]} : vector<512x16xf32> to vector<512x1xf32>
    %squeeze3A_12 = vector.shape_cast %slice3A_11 : vector<512x1xf32> to vector<512xf32>
    %sub3A_13 = arith.subf %squeeze3A_12, %reduce_sum3A_7 : vector<512xf32>
    %broadcast_in_dim3A = arith.constant 0.000000e+00 : f32
    %broadcast_in_dim3A_14 = vector.broadcast %broadcast_in_dim3A : f32 to vector<512x10xf32>
    %broadcast_in_dim3A_15 = vector.shape_cast %sub3A : vector<512xf32> to vector<512x1xf32>
    %broadcast_in_dim3A_16 = vector.shape_cast %sub3A_13 : vector<512xf32> to vector<512x1xf32>
    %slice3A_17 = vector.extract_strided_slice %get3A_10 {offsets = [0, 2], sizes = [512, 4], strides = [1, 1]} : vector<512x16xf32> to vector<512x4xf32>
    %concatenate3A = tpu.concatenate %broadcast_in_dim3A_15, %broadcast_in_dim3A_16, %slice3A_17, %broadcast_in_dim3A_14 in 1 : vector<512x1xf32>, vector<512x1xf32>, vector<512x4xf32>, vector<512x10xf32> -> vector<512x16xf32>
    %swap3A = arith.constant 0 : index
    %swap3A_18 = arith.constant 0 : index
    %swap3A_19 = vector.load %arg4[%swap3A, %swap3A_18] : memref<512x16xf32, #tpu.memory_space<vmem>>, vector<512x16xf32>
    tpu.vector_store %arg4[%swap3A, %swap3A_18], %concatenate3A {strides = array<i32>} : memref<512x16xf32, #tpu.memory_space<vmem>>, vector<512x16xf32>,
    return
  }
  func.func @transform_0(%arg0: i32) -> (i32, i32) {
    %c0_i32 = arith.constant 0 : i32
    %c0_i32_0 = arith.constant 0 : i32
    return %arg0, %c0_i32 : i32, i32
  }
  func.func @transform_1(%arg0: i32) -> (i32, i32) {
    %c0_i32 = arith.constant 0 : i32
    %c0_i32_0 = arith.constant 0 : i32
    return %c0_i32, %arg0 : i32, i32
  }
  func.func @transform_2(%arg0: i32) -> (i32, i32) {
    %add3A = arith.constant 20 : i32
    %add3A_0 = arith.addi %arg0, %add3A : i32
    %c0_i32 = arith.constant 0 : i32
    %c0_i32_1 = arith.constant 0 : i32
    return %c0_i32, %add3A_0 : i32, i32
  }
  func.func @transform_3(%arg0: i32) -> (i32, i32) {
    %c0_i32 = arith.constant 0 : i32
    %c0_i32_0 = arith.constant 0 : i32
    return %arg0, %c0_i32 : i32, i32
  }
}

</mosaic_0001>

<sc_bundles>
// kernel: kernel.15.cloned.1.call-start
scs
__scs_entry_jumppad:
0x0: {  	(pc) =	sbr.rel $0x88, $3  }
0x1: {  	(tag) =	ssettag $0x0;
	lr =	simm.s32 $0x1  }
0x2: {  	[smem:$0x3F86] =	sst lr;
	_ =	strace $0xD0000000  }
0x3: {  	_ = 	snop  }
0x4: {  	_ = 	snop  }
0x5: {  	_ = 	snop  }
0x6: {  	_ = 	snop  }
0x7: {  	_ = 	snop  }
__scs_overlays_trampoline_lowered:
0x8: {  	[smem:$0x3F95] =	sst s0  }
0x9: {  	[smem:$0x3F96] =	sst s1  }
0xa: {  	[smem:$0x3F97] =	sst s2  }
0xb: {  	[smem:$0x3F98] =	sst s3  }
0xc: {  	[smem:$0x3F99] =	sst s4  }
0xd: {  	[smem:$0x3F9A] =	sst s5  }
0xe: {  	[smem:$0x3F9B] =	sst s6  }
0xf: {  	[smem:$0x3F9C] =	sst s7  }
0x10: {  	[smem:$0x3F9D] =	sst s8  }
0x11: {  	[smem:$0x3F9E] =	sst s9;
	s0 =	simm.s32 @!p0 $0x0  }
0x12: {  	s1 =	sld [smem:$0x3F84];
	s0 =	simm.s32 @p0 $0x1  }
0x13: {  	[smem:$0x3F9F] =	sst s0;
	s0 =	simm.s32 @!p1 $0x0  }
0x14: {  	s2 =	sld [smem:$0x3F83];
	s0 =	simm.s32 @p1 $0x1  }
0x15: {  	[smem:$0x3FA0] =	sst s0;
	s0 =	simm.s32 @!p2 $0x0  }
0x16: {  	s3 =	sld [smem:$0x3FDB];
	s0 =	simm.s32 @p2 $0x1  }
0x17: {  	s4 =	simm.s32 $0x1BF5;
	[smem:$0x3FA2] =	sst s0  }
0x18: {  	s0 =	sld [smem:$0x3F85];
	_ =	swait.ge [sflag:s4], $0x0  }
0x19: {  	s7 =	sld [smem:$0x3F86]  }
0x1a: {  	s8 =	sadd.s32 $0xFFFFE003, lr  }
0x1b: {  	s9 =	sadd.s32 $0xFFFFFEF7, lr;
	s5 =	simm.s32 $0xFFFFFFFF;
	p2 =	slt.u32 s8, $0xFFFFF086  }
0x1c: {  	p1 =	slt.u32 s9, $0xF7A;
	s5 =	simm.s32 @!p2 $0x0  }
0x1d: {  	s5 =	simm.s32 @p1 $0x1;
	p0 =	seq.s32 s7, s2  }
0x1e: {  	s7 =	smul.u32 @!p0 $0xF7A, s2;
	p2 =	seq.s32 @!p0 s5, $0x0  }
0x1f: {  	s9 =	smul.u32 $0xF7A, s1;
	s8 =	simm.s32 @!p0 $0x1BF5;
	p2 =	por !p2, p0  }
0x20: {  	[sflag:s8] =	ssyncset.s32 @!p0 $0xFFFFF086;
	s6 =	sadd.s32 @!p0 s3, s7;
	s7 =	simm.s32 @!p0 $0x108  }
0x21: {  	s3 =	sadd.s32 s3, s9;
	s6 =	sadd.s32 @!p0 $0x88, s6;
	s7 =	simm.s32 @p2 $0x1082  }
0x22: {  	[simem:s7], [sflag:s8] =	dma.local @!p0 [hbm:s6], $0xF7A  }
0x23: {  	s9 =	sor.u32 $0xD0000000, s2;
	s6 =	simm.s32 $0x108;
	_ =	swait.ge @!p0 [sflag:s8], $0x0  }
0x24: {  	s3 =	sadd.s32 $0x88, s3;
	s6 =	simm.s32 @!p1 $0x1082;
	[sflag:s4] =	ssyncset.s32 $0xFFFFF086  }
0x25: {  	[simem:s6], [sflag:s4] =	dma.local [hbm:s3], $0xF7A  }
0x26: {  	[smem:$0x3F86] =	sst s1;
	(tag) =	ssettag s2;
	_ =	strace s9  }
0x27: {  	s1 =	sld [smem:$0x3F96]  }
0x28: {  	s2 =	sld [smem:$0x3F97]  }
0x29: {  	s4 =	sld [smem:$0x3F99]  }
0x2a: {  	p0 =	seq.s32 s5, $0x0;
	s5 =	sld [smem:$0x3F9A]  }
0x2b: {  	s6 =	sld [smem:$0x3F9B]  }
0x2c: {  	s7 =	sld [smem:$0x3F9C]  }
0x2d: {  	s3 =	simm.s32 $0x108;
	s8 =	sld [smem:$0x3F9D]  }
0x2e: {  	s3 =	simm.s32 @!p0 $0x1082;
	s9 =	sld [smem:$0x3F9E]  }
0x2f: {  	lr =	sadd.s32 s0, s3;
	s0 =	sld [smem:$0x3F95]  }
0x30: {  	s3 =	sld [smem:$0x3F98]  }
0x31: {  	[smem:$0x3FA1] =	sst s10  }
0x32: {  	s10 =	sld [smem:$0x3F9F];
	_ =	sdelay $0x3  }
0x33: {  	p0 =	seq.s32 s10, $0x1;
	s10 =	sld [smem:$0x3FA1];
	_ =	sdelay $0x3  }
0x34: {  	[smem:$0x3FA1] =	sst s10  }
0x35: {  	s10 =	sld [smem:$0x3FA0];
	_ =	sdelay $0x3  }
0x36: {  	p1 =	seq.s32 s10, $0x1;
	s10 =	sld [smem:$0x3FA1];
	_ =	sdelay $0x3  }
0x37: {  	[smem:$0x3FA1] =	sst s10  }
0x38: {  	s10 =	sld [smem:$0x3FA2]  }
0x39: {  	_ = 	snop;
	(pc) =	sbr.ind lr, $3  }
0x3a: {  	_ = 	snop  }
0x3b: {  	_ = 	snop  }
0x3c: {  	p2 =	seq.s32 s10, $0x1;
	s10 =	sld [smem:$0x3FA1]  }
0x3d: {  	_ =	shalt  }
0x3e: {  	_ =	shalt  }
0x3f: {  	_ =	shalt  }
0x40: {  	_ =	shalt  }
0x41: {  	_ =	shalt  }
0x42: {  	_ =	shalt  }
0x43: {  	_ =	shalt  }
0x44: {  	_ =	shalt  }
0x45: {  	_ =	shalt  }
0x46: {  	_ =	shalt  }
0x47: {  	_ =	shalt  }
0x48: {  	_ =	shalt  }
0x49: {  	_ =	shalt  }
0x4a: {  	_ =	shalt  }
0x4b: {  	_ =	shalt  }
0x4c: {  	_ =	shalt  }
0x4d: {  	_ =	shalt  }
0x4e: {  	_ =	shalt  }
0x4f: {  	_ =	shalt  }
0x50: {  	_ =	shalt  }
0x51: {  	_ =	shalt  }
0x52: {  	_ =	shalt  }
0x53: {  	_ =	shalt  }
0x54: {  	_ =	shalt  }
0x55: {  	_ =	shalt  }
0x56: {  	_ =	shalt  }
0x57: {  	_ =	shalt  }
0x58: {  	_ =	shalt  }
0x59: {  	_ =	shalt  }
0x5a: {  	_ =	shalt  }
0x5b: {  	_ =	shalt  }
0x5c: {  	_ =	shalt  }
0x5d: {  	_ =	shalt  }
0x5e: {  	_ =	shalt  }
0x5f: {  	_ =	shalt  }
0x60: {  	_ =	shalt  }
0x61: {  	_ =	shalt  }
0x62: {  	_ =	shalt  }
0x63: {  	_ =	shalt  }
0x64: {  	_ =	shalt  }
0x65: {  	_ =	shalt  }
0x66: {  	_ =	shalt  }
0x67: {  	_ =	shalt  }
0x68: {  	_ =	shalt  }
0x69: {  	_ =	shalt  }
0x6a: {  	_ =	shalt  }
0x6b: {  	_ =	shalt  }
0x6c: {  	_ =	shalt  }
0x6d: {  	_ =	shalt  }
0x6e: {  	_ =	shalt  }
0x6f: {  	_ =	shalt  }
0x70: {  	_ =	shalt  }
0x71: {  	_ =	shalt  }
0x72: {  	_ =	shalt  }
0x73: {  	_ =	shalt  }
0x74: {  	_ =	shalt  }
0x75: {  	_ =	shalt  }
0x76: {  	_ =	shalt  }
0x77: {  	_ =	shalt  }
0x78: {  	_ =	shalt  }
0x79: {  	_ =	shalt  }
0x7a: {  	_ =	shalt  }
0x7b: {  	_ =	shalt  }
0x7c: {  	_ =	shalt  }
0x7d: {  	_ =	shalt  }
0x7e: {  	_ =	shalt  }
0x7f: {  	_ =	shalt  }
0x80: {  	_ =	shalt  }
0x81: {  	_ =	shalt  }
0x82: {  	_ =	shalt  }
0x83: {  	_ =	shalt  }
0x84: {  	_ =	shalt  }
0x85: {  	_ =	shalt  }
0x86: {  	_ =	shalt  }
0x87: {  	_ =	shalt  }
.Lfunc_end0:
.L_simem_size_0:
called_computation_lowered:
.L_overlay_start_0:
0x88: {  	s2 =	sld [smem:$0x3FD9]  }
0x89: {  	s3 =	sld [smem:$0x3FFE];
	_ =	sdelay $0x1  }
0x8a: {  	s1 =	srdreg.scid  }
0x8b: {  	s0 =	sand.u32 $0x1, s1  }
0x8c: {  	s17 =	sshll.u32 s0, $0xA;
	s2 =	sadd.s32 s3, s2  }
0x8d: {  	s2 =	sadd.s32 s2, s17  }
0x8e: {  	[smem:$0x3FAD] =	sst s2  }
0x8f: {  	_ = 	snop  }
0x90: {  	(tm) =	ssettm $0x1  }
0x91: {  	s18 =	sld [smem:$0x3FFB];
	_ =	sdelay $0x3  }
0x92: {  	_ =	strace s18  }
0x93: {  	s2 =	sld [smem:$0x3FFC];
	_ =	sdelay $0x3  }
0x94: {  	_ =	strace s2  }
0x95: {  	s2 =	sld [smem:$0x3FFD];
	_ =	sdelay $0x3  }
0x96: {  	_ =	strace s2  }
0x97: {  	_ =	strace $0x8FFFFFFF  }
0x98: {  	s19 =	sld [smem:$0x3FDB];
	_ =	sdelay $0x1  }
0x99: {  	s20 =	simm.s32 $_scs_section_size  }
0x9a: {  	s4 =	simm.s32 $_size__tile_overlayer_lowered;
	s5 =	simm.s32 $_tile_overlayer_lowered  }
0x9b: {  	s6 =	simm.s32 $0x1BFF;
	s21 =	sshll.u32 s5, $0x1;
	s3 =	sadd.s32 s20, s19  }
0x9c: {  	s22 =	simm.s32 $0x0;
	s4 =	sshll.u32 s4, $0x1;
	s5 =	sadd.s32 s21, s3  }
0x9d: {  	[timem:s22], [sflag:s6] =	dma.local [hbm:s5], s4  }
0x9e: {  	_ =	swait.ge [sflag:s6], s4  }
0x9f: {  	s4 =	ssub.s32 $0x0, s4;
	[sflag:s6] =	ssyncset.done $0x0  }
0xa0: {  	[sflag:s6] =	ssyncadd.s32 s4;
	_ =	sdelay $0x1  }
0xa1: {  	s23 =	simm.s32 $0x1B8B  }
0xa2: {  	_ =	swait.ge [sflag:s23], $0x1  }
0xa3: {  	[sflag:s23] =	ssyncset.done $0x0  }
0xa4: {  	[sflag:s23] =	ssyncadd.s32 $0xFFFFFFFF  }
0xa5: {  	s4 =	sld [smem:$0x0]  }
0xa6: {  	s5 =	sand.u32 $0xFFFFFFFE, s1  }
0xa7: {  	p0 =	sne.s32 s1, s5  }
0xa8: {  	s5 =	sshll.u32 @p0 s5, $0xE  }
0xa9: {  	s5 =	sadd.s32 @p0 $0x11B8D, s5;
	s6 =	sshll.u32 @p0 s4, $0x11  }
0xaa: {  	s5 =	sor.u32 @p0 s6, s5  }
0xab: {  	[sflag:s5] =	ssyncadd.remote.s32 @p0 $0x1;
	_ =	sdelay $0x1  }
0xac: {  	s5 =	simm.s32 @p0 $0x1B8D  }
0xad: {  	_ =	swait.eq @p0 [sflag:s5], $0x1  }
0xae: {  	[sflag:s5] =	ssyncadd.s32 @p0 $0xFFFFFFFF  }
0xaf: {  	s6 =	sshll.u32 @!p0 s1, $0xE  }
0xb0: {  	s6 =	sor.u32 @!p0 $0x4000, s6;
	s5 =	simm.s32 @!p0 $0x1B8D  }
0xb1: {  	s4 =	sshll.u32 @!p0 s4, $0x11;
	s6 =	sadd.s32 @!p0 $0x11B8D, s6;
	_ =	swait.eq @!p0 [sflag:s5], $0x1  }
0xb2: {  	s4 =	sor.u32 @!p0 s4, s6;
	[sflag:s5] =	ssyncadd.s32 @!p0 $0xFFFFFFFF  }
0xb3: {  	s25 =	simm.s32 $0x1B8E;
	s24 =	sld [smem:$0x3FFE];
	[sflag:s4] =	ssyncadd.remote.s32 @!p0 $0x1  }
0xb4: {  	s26 =	simm.s32 $execute0_lowered;
	[smem:$0x3FD2] =	sst s25  }
0xb5: {  	s5 =	sshll.u32 s26, $0x1;
	_ =	strace $0x80000049;
	[dreg:$0x1] =	wrdreg $0xFFFFFFFF  }
0xb6: {  	s28 =	simm.s32 $_size_execute0_lowered;
	s3 =	sadd.s32 s3, s5;
	[dreg:$0x0] =	wrdreg $0x0  }
0xb7: {  	s5 =	sshll.u32 s28, $0x1;
	[dreg:$0x2] =	wrdreg s3  }
0xb8: {  	[dreg:$0x3] =	wrdreg s5  }
0xb9: {  	[dreg:$0x4] =	wrdreg $0xC0  }
0xba: {  	_ =	task [dreg:s22], $0x5FFFF  }
0xbb: {  	[dreg:$0x1] =	wrdreg $0xFFFFFFFF  }
0xbc: {  	[dreg:$0x0] =	wrdreg $0x60  }
0xbd: {  	[dreg:$0x2] =	wrdreg s24  }
0xbe: {  	[dreg:$0x3] =	wrdreg $0x9  }
0xbf: {  	_ =	task.clear_ibuf [dreg:s22], $0x4FFFF;
	_ =	strace $0x90000049  }
0xc0: {  	s29 =	simm.s32 $0x9;
	_ =	strace $0x8000004B  }
0xc1: {  	_ =	swait.ge [sflag:s29], $0x1  }
0xc2: {  	[sflag:s29] =	ssyncadd.s32 $0xFFFFFFFF  }
0xc3: {  	_ =	strace $0x9000004B  }
0xc4: {  	_ =	sfence  }
0xc5: {  	s30 =	sld [smem:$0x0];
	_ =	sdelay $0x2  }
0xc6: {  	s31 =	sshll.u32 s1, $0xD;
	s1 =	sshrl.u32 s1, $0x2  }
0xc7: {  	s4 =	sand.u32 $0x4000, s31;
	s1 =	sadd.s32 s1, s30  }
0xc8: {  	s0 =	sor.u32 s4, s0;
	s1 =	sshll.u32 s1, $0x11  }
0xc9: {  	s0 =	sor.u32 s1, s0  }
0xca: {  	s0 =	sadd.s32 $0x8F2B, s0  }
0xcb: {  	[sflag:s0] =	ssyncadd.remote.s32 $0x1  }
0xcc: {  	_ =	sfence.sel $0xFFFF  }
0xcd: {  	[dreg:$0x0] =	wrdreg $0xFFFFFFFF;
	(pc) =	sbr.abs _section_cstart, $3  }
0xce: {  	[dreg:$0x1] =	wrdreg $0xFFFFFFFF  }
0xcf: {  	_ =	task.clear_ibuf [dreg:s22], $0x2FFFF;
	_ =	strace $0x9FFFFFFF  }
0xd0: {  	(tm) =	ssettm $0x7FFFFFFF  }
0xd1: {  	_ =	shalt  }
tec
execute0_lowered:
.L_overlay_start_1:
0x0: {  	(tag) =	ssettag $0x1  }
0x1: {  	s5 =	rddreg [dreg:$0x0]  }
0x2: {  	s0 =	rddreg [dreg:$0x1];
	s1 =	simm.s32 $0x0  }
0x3: {  	s4 =	srdreg.scid;
	s2 =	stileid.u32;
	s12 =	simm.s32 $0x50  }
0x4: {  	s13 =	simm.s32 $0x2000;
	s14 =	simm.s32 $0x1;
	s15 =	simm.s32 $0x4800  }
0x5: {  	s16 =	simm.s32 $0x0;
	[smem:$0x7FF] =	sst s1;
	s3 =	sadd.s32 $0x20C00, s5  }
0x6: {  	s6 =	sand.u32 $0x1, s4;
	s4 =	sadd.s32 $0x48C00, s5;
	s7 =	sshll.u32 s2, $0xA  }
0x7: {  	s30 =	smul.u32 $0xFA00, s2;
	_ =	strace $0x8000004A;
	s8 =	sshll.u32 s6, $0x9  }
0x8: {  	s9 =	ssub.s32 $0x2, s6;
	s11 =	smul.u32 $0x7D00, s6;
	s7 =	sor.u32 s8, s7  }
0x9: {  	s10 =	sshrl.u32 s9, $0x1;
	s8 =	sadd.s32 s30, s5;
	s7 =	sadd.s32 s7, s5  }
0xa: {  	s9 =	ssub.s32 s9, s10;
	s31 =	sadd.s32 s11, s8;
	s11 =	simm.s32 $0x1000  }
0xb: {  	s10 =	simm.s32 $0x2;
	s5 =	sadd.s32 $0x28D200, s7;
	s6 =	sadd.s32 $0x291200, s7  }
0xc: {  	s7 =	smax.u32 s9, $0x1;
	s8 =	sadd.s32 $0x295200, s31;
	s9 =	sadd.s32 $0x38F200, s31  }
.LBB2_1:
0xd: {  	[tilespmem:s1], [sflag:$0x2] =	stream.linear.gather [hbm4b:s5+s1], $0xC80, $0x38;
	[tilespmem:$0x7000] =	vst v63  }
0xe: {  	_ =	swait.ge [sflag:s10], $0xC80  }
0xf: {  	[sflag:s10] =	ssyncset.done $0x0  }
0x10: {  	[sflag:s10] =	ssyncadd.s32 $0xFFFFF380  }
0x11: {  	[tilespmem:s11], [sflag:$0x2] =	stream.linear.gather [hbm4b:s6+s1], $0xC80, $0x38;
	[tilespmem:$0x7000] =	vst v63  }
0x12: {  	_ =	swait.ge [sflag:s10], $0xC80  }
0x13: {  	[sflag:s10] =	ssyncset.done $0x0  }
0x14: {  	s17 =	simm.s32 $0x0;
	[sflag:s10] =	ssyncadd.s32 $0xFFFFF380  }
0x15: {  	[tilespmem:s13], [sflag:$0x1] =	stream.indirect.gather [hbm4b:s3+s12], $0x80, s17, s12, $0xb8;
	[tilespmem:$0x7000] =	vst v63  }
0x16: {  	_ =	swait.ge [sflag:s14], $0x2800  }
0x17: {  	[sflag:s14] =	ssyncset.done $0x0  }
0x18: {  	s31 =	simm.s32 $0x1000;
	[sflag:s14] =	ssyncadd.s32 $0xFFFFD800  }
0x19: {  	[tilespmem:s15], [sflag:$0x1] =	stream.indirect.gather [hbm4b:s4+s12], $0x80, s31, s12, $0xb8;
	[tilespmem:$0x7000] =	vst v63  }
0x1a: {  	_ =	swait.ge [sflag:s14], $0x2800  }
0x1b: {  	[sflag:s14] =	ssyncset.done $0x0  }
0x1c: {  	[sflag:s14] =	ssyncadd.s32 $0xFFFFD800  }
0x1d: {  	[hbm4b:s8+s1] =	stream.linear.scatter [tilespmem:s13], [sflag:$0x2], $0x2800, $0x38;
	[tilespmem:$0x7000] =	vst v63  }
0x1e: {  	_ =	swait.ge [sflag:s10], $0x2800  }
0x1f: {  	[sflag:s10] =	ssyncset.done $0x0  }
0x20: {  	[sflag:s10] =	ssyncadd.s32 $0xFFFFD800  }
0x21: {  	[hbm4b:s9+s1] =	stream.linear.scatter [tilespmem:s15], [sflag:$0x2], $0x2800, $0x38;
	[tilespmem:$0x7000] =	vst v63  }
0x22: {  	s19 =	simm.s32 $0x200;
	s20 =	simm.s32 $0x400;
	_ =	swait.ge [sflag:s10], $0x2800  }
0x23: {  	s18 =	sadd.s32 $0x500, s8;
	s17 =	sadd.s32 $0x500, s9;
	[sflag:s10] =	ssyncset.done $0x0  }
.LBB2_2:
0x24: {  	s21 =	sshra.s32 s19, $0x2  }
0x25: {  	[sflag:s10] =	ssyncadd.s32 $0xFFFFD800;
	s19 =	smov.u32 s20;
	s22 =	sadd.s32 $0x200, s20  }
0x26: {  	[tilespmem:s13], [sflag:$0x1] =	stream.indirect.gather [hbm4b:s3+s12], $0x80, s21, s12, $0xb8;
	[tilespmem:$0x7000] =	vst v63  }
0x27: {  	p0 =	sne.s32 s20, $0x3000;
	_ =	swait.ge [sflag:s14], $0x2800  }
0x28: {  	[sflag:s14] =	ssyncset.done $0x0  }
0x29: {  	s20 =	sadd.s32 $0x1000, s21;
	[sflag:s14] =	ssyncadd.s32 $0xFFFFD800  }
0x2a: {  	[tilespmem:s15], [sflag:$0x1] =	stream.indirect.gather [hbm4b:s4+s12], $0x80, s20, s12, $0xb8;
	[tilespmem:$0x7000] =	vst v63  }
0x2b: {  	_ =	swait.ge [sflag:s14], $0x2800  }
0x2c: {  	[sflag:s14] =	ssyncset.done $0x0  }
0x2d: {  	[sflag:s14] =	ssyncadd.s32 $0xFFFFD800  }
0x2e: {  	[hbm4b:s18+s1] =	stream.linear.scatter [tilespmem:s13], [sflag:$0x2], $0x2800, $0x38;
	[tilespmem:$0x7000] =	vst v63  }
0x2f: {  	_ =	swait.ge [sflag:s10], $0x2800  }
.Ltmp0:
0x30: {  	[sflag:s10] =	ssyncset.done $0x0;
	(pc) =	sbr.rel @p0 .LBB2_2-.Ltmp0, $4  }
0x31: {  	[sflag:s10] =	ssyncadd.s32 $0xFFFFD800  }
0x32: {  	[hbm4b:s17+s1] =	stream.linear.scatter [tilespmem:s15], [sflag:$0x2], $0x2800, $0x38;
	[tilespmem:$0x7000] =	vst v63  }
0x33: {  	s20 =	smov.u32 s22;
	_ =	swait.ge [sflag:s10], $0x2800  }
0x34: {  	s18 =	sadd.s32 $0x500, s18;
	s17 =	sadd.s32 $0x500, s17;
	[sflag:s10] =	ssyncset.done $0x0  }
0x35: {  	s19 =	sshra.s32 s19, $0x2;
	[sflag:s10] =	ssyncadd.s32 $0xFFFFD800  }
0x36: {  	[tilespmem:s13], [sflag:$0x1] =	stream.indirect.gather [hbm4b:s3+s12], $0x80, s19, s12, $0xb8;
	[tilespmem:$0x7000] =	vst v63  }
0x37: {  	_ =	swait.ge [sflag:s14], $0x2800  }
0x38: {  	[sflag:s14] =	ssyncset.done $0x0  }
0x39: {  	s19 =	sadd.s32 $0x1000, s19;
	[sflag:s14] =	ssyncadd.s32 $0xFFFFD800  }
0x3a: {  	[tilespmem:s15], [sflag:$0x1] =	stream.indirect.gather [hbm4b:s4+s12], $0x80, s19, s12, $0xb8;
	[tilespmem:$0x7000] =	vst v63  }
0x3b: {  	_ =	swait.ge [sflag:s14], $0x2800  }
0x3c: {  	[sflag:s14] =	ssyncset.done $0x0  }
0x3d: {  	[sflag:s14] =	ssyncadd.s32 $0xFFFFD800  }
0x3e: {  	[hbm4b:s18+s1] =	stream.linear.scatter [tilespmem:s13], [sflag:$0x2], $0x2800, $0x38;
	[tilespmem:$0x7000] =	vst v63  }
0x3f: {  	s16 =	sadd.s32 $0x1, s16;
	_ =	swait.ge [sflag:s10], $0x2800  }
0x40: {  	p0 =	sne.s32 s16, s7;
	[sflag:s10] =	ssyncset.done $0x0  }
.Ltmp1:
0x41: {  	[sflag:s10] =	ssyncadd.s32 $0xFFFFD800;
	(pc) =	sbr.rel @p0 .LBB2_1-.Ltmp1, $4  }
0x42: {  	[hbm4b:s17+s1] =	stream.linear.scatter [tilespmem:s15], [sflag:$0x2], $0x2800, $0x38;
	[tilespmem:$0x7000] =	vst v63  }
0x43: {  	_ =	swait.ge [sflag:s10], $0x2800  }
0x44: {  	[sflag:s10] =	ssyncset.done $0x0  }
0x45: {  	[sflag:s10] =	ssyncadd.s32 $0xFFFFD800  }
0x46: {  	_ =	sfence.sel $0x180000  }
0x47: {  	[bflag:$0x0] =	sbarrier.arrive $0xFFFF  }
0x48: {  	p0 =	sne.s32 s2, $0x0;
	_ =	strace $0x9000004A  }
0x49: {  	s0 =	sadd.s32 @!p0 $0x100000, s0;
	[bflag:$0x2] =	sbarrier.arrive $0xFFFF  }
0x4a: {  	[sflag:s0] =	ssyncadd.tile.s32 @!p0 $0x1;
	_ =	shalt  }
.Lfunc_end2:
_tile_overlayer_lowered:
.L_overlay_start_2:
0x4b: {  	(tag) =	ssettag $0x2  }
0x4c: {  	s0 =	rddreg [dreg:$0x0];
	s2 =	stileid.u32  }
0x4d: {  	s1 =	rddreg [dreg:$0x1];
	p0 =	sne.s32 s2, $0x0  }
0x4e: {  	s3 =	rddreg [dreg:$0x2];
	[bflag:$0x3] =	sbarrier.arrive $0xFFFF;
	s2 =	simm.s32 @!p0 $0x1C02  }
0x4f: {  	[timem:s3], [sflag:s2] =	dma.local @!p0 [hbm:s0], s1  }
0x50: {  	s0 =	simm.s32 @!p0 $0x2  }
0x51: {  	_ =	swait.ge @!p0 [sflag:s0], s1  }
0x52: {  	s1 =	ssub.s32 @!p0 $0x0, s1;
	[sflag:s0] =	ssyncset.done @!p0 $0x0  }
0x53: {  	[sflag:s0] =	ssyncadd.s32 @!p0 s1  }
0x54: {  	[bflag:$0x3] =	sbarrier.arrive $0xFFFF  }
0x55: {  	_ =	shalt  }

// kernel: kernel.18.cloned.1.call-start
scs
__scs_entry_jumppad:
0x0: {  	(pc) =	sbr.rel $0x88, $3  }
0x1: {  	(tag) =	ssettag $0x0;
	lr =	simm.s32 $0x1  }
0x2: {  	[smem:$0x3F86] =	sst lr;
	_ =	strace $0xD0000000  }
0x3: {  	_ = 	snop  }
0x4: {  	_ = 	snop  }
0x5: {  	_ = 	snop  }
0x6: {  	_ = 	snop  }
0x7: {  	_ = 	snop  }
__scs_overlays_trampoline_lowered:
0x8: {  	[smem:$0x3F95] =	sst s0  }
0x9: {  	[smem:$0x3F96] =	sst s1  }
0xa: {  	[smem:$0x3F97] =	sst s2  }
0xb: {  	[smem:$0x3F98] =	sst s3  }
0xc: {  	[smem:$0x3F99] =	sst s4  }
0xd: {  	[smem:$0x3F9A] =	sst s5  }
0xe: {  	[smem:$0x3F9B] =	sst s6  }
0xf: {  	[smem:$0x3F9C] =	sst s7  }
0x10: {  	[smem:$0x3F9D] =	sst s8  }
0x11: {  	[smem:$0x3F9E] =	sst s9;
	s0 =	simm.s32 @!p0 $0x0  }
0x12: {  	s1 =	sld [smem:$0x3F84];
	s0 =	simm.s32 @p0 $0x1  }
0x13: {  	[smem:$0x3F9F] =	sst s0;
	s0 =	simm.s32 @!p1 $0x0  }
0x14: {  	s2 =	sld [smem:$0x3F83];
	s0 =	simm.s32 @p1 $0x1  }
0x15: {  	[smem:$0x3FA0] =	sst s0;
	s0 =	simm.s32 @!p2 $0x0  }
0x16: {  	s3 =	sld [smem:$0x3FDB];
	s0 =	simm.s32 @p2 $0x1  }
0x17: {  	s4 =	simm.s32 $0x1BF5;
	[smem:$0x3FA2] =	sst s0  }
0x18: {  	s0 =	sld [smem:$0x3F85];
	_ =	swait.ge [sflag:s4], $0x0  }
0x19: {  	s7 =	sld [smem:$0x3F86]  }
0x1a: {  	s8 =	sadd.s32 $0xFFFFE003, lr  }
0x1b: {  	s9 =	sadd.s32 $0xFFFFFEF7, lr;
	s5 =	simm.s32 $0xFFFFFFFF;
	p2 =	slt.u32 s8, $0xFFFFF086  }
0x1c: {  	p1 =	slt.u32 s9, $0xF7A;
	s5 =	simm.s32 @!p2 $0x0  }
0x1d: {  	s5 =	simm.s32 @p1 $0x1;
	p0 =	seq.s32 s7, s2  }
0x1e: {  	s7 =	smul.u32 @!p0 $0xF7A, s2;
	p2 =	seq.s32 @!p0 s5, $0x0  }
0x1f: {  	s9 =	smul.u32 $0xF7A, s1;
	s8 =	simm.s32 @!p0 $0x1BF5;
	p2 =	por !p2, p0  }
0x20: {  	[sflag:s8] =	ssyncset.s32 @!p0 $0xFFFFF086;
	s6 =	sadd.s32 @!p0 s3, s7;
	s7 =	simm.s32 @!p0 $0x108  }
0x21: {  	s3 =	sadd.s32 s3, s9;
	s6 =	sadd.s32 @!p0 $0x88, s6;
	s7 =	simm.s32 @p2 $0x1082  }
0x22: {  	[simem:s7], [sflag:s8] =	dma.local @!p0 [hbm:s6], $0xF7A  }
0x23: {  	s9 =	sor.u32 $0xD0000000, s2;
	s6 =	simm.s32 $0x108;
	_ =	swait.ge @!p0 [sflag:s8], $0x0  }
0x24: {  	s3 =	sadd.s32 $0x88, s3;
	s6 =	simm.s32 @!p1 $0x1082;
	[sflag:s4] =	ssyncset.s32 $0xFFFFF086  }
0x25: {  	[simem:s6], [sflag:s4] =	dma.local [hbm:s3], $0xF7A  }
0x26: {  	[smem:$0x3F86] =	sst s1;
	(tag) =	ssettag s2;
	_ =	strace s9  }
0x27: {  	s1 =	sld [smem:$0x3F96]  }
0x28: {  	s2 =	sld [smem:$0x3F97]  }
0x29: {  	s4 =	sld [smem:$0x3F99]  }
0x2a: {  	p0 =	seq.s32 s5, $0x0;
	s5 =	sld [smem:$0x3F9A]  }
0x2b: {  	s6 =	sld [smem:$0x3F9B]  }
0x2c: {  	s7 =	sld [smem:$0x3F9C]  }
0x2d: {  	s3 =	simm.s32 $0x108;
	s8 =	sld [smem:$0x3F9D]  }
0x2e: {  	s3 =	simm.s32 @!p0 $0x1082;
	s9 =	sld [smem:$0x3F9E]  }
0x2f: {  	lr =	sadd.s32 s0, s3;
	s0 =	sld [smem:$0x3F95]  }
0x30: {  	s3 =	sld [smem:$0x3F98]  }
0x31: {  	[smem:$0x3FA1] =	sst s10  }
0x32: {  	s10 =	sld [smem:$0x3F9F];
	_ =	sdelay $0x3  }
0x33: {  	p0 =	seq.s32 s10, $0x1;
	s10 =	sld [smem:$0x3FA1];
	_ =	sdelay $0x3  }
0x34: {  	[smem:$0x3FA1] =	sst s10  }
0x35: {  	s10 =	sld [smem:$0x3FA0];
	_ =	sdelay $0x3  }
0x36: {  	p1 =	seq.s32 s10, $0x1;
	s10 =	sld [smem:$0x3FA1];
	_ =	sdelay $0x3  }
0x37: {  	[smem:$0x3FA1] =	sst s10  }
0x38: {  	s10 =	sld [smem:$0x3FA2]  }
0x39: {  	_ = 	snop;
	(pc) =	sbr.ind lr, $3  }
0x3a: {  	_ = 	snop  }
0x3b: {  	_ = 	snop  }
0x3c: {  	p2 =	seq.s32 s10, $0x1;
	s10 =	sld [smem:$0x3FA1]  }
0x3d: {  	_ =	shalt  }
0x3e: {  	_ =	shalt  }
0x3f: {  	_ =	shalt  }
0x40: {  	_ =	shalt  }
0x41: {  	_ =	shalt  }
0x42: {  	_ =	shalt  }
0x43: {  	_ =	shalt  }
0x44: {  	_ =	shalt  }
0x45: {  	_ =	shalt  }
0x46: {  	_ =	shalt  }
0x47: {  	_ =	shalt  }
0x48: {  	_ =	shalt  }
0x49: {  	_ =	shalt  }
0x4a: {  	_ =	shalt  }
0x4b: {  	_ =	shalt  }
0x4c: {  	_ =	shalt  }
0x4d: {  	_ =	shalt  }
0x4e: {  	_ =	shalt  }
0x4f: {  	_ =	shalt  }
0x50: {  	_ =	shalt  }
0x51: {  	_ =	shalt  }
0x52: {  	_ =	shalt  }
0x53: {  	_ =	shalt  }
0x54: {  	_ =	shalt  }
0x55: {  	_ =	shalt  }
0x56: {  	_ =	shalt  }
0x57: {  	_ =	shalt  }
0x58: {  	_ =	shalt  }
0x59: {  	_ =	shalt  }
0x5a: {  	_ =	shalt  }
0x5b: {  	_ =	shalt  }
0x5c: {  	_ =	shalt  }
0x5d: {  	_ =	shalt  }
0x5e: {  	_ =	shalt  }
0x5f: {  	_ =	shalt  }
0x60: {  	_ =	shalt  }
0x61: {  	_ =	shalt  }
0x62: {  	_ =	shalt  }
0x63: {  	_ =	shalt  }
0x64: {  	_ =	shalt  }
0x65: {  	_ =	shalt  }
0x66: {  	_ =	shalt  }
0x67: {  	_ =	shalt  }
0x68: {  	_ =	shalt  }
0x69: {  	_ =	shalt  }
0x6a: {  	_ =	shalt  }
0x6b: {  	_ =	shalt  }
0x6c: {  	_ =	shalt  }
0x6d: {  	_ =	shalt  }
0x6e: {  	_ =	shalt  }
0x6f: {  	_ =	shalt  }
0x70: {  	_ =	shalt  }
0x71: {  	_ =	shalt  }
0x72: {  	_ =	shalt  }
0x73: {  	_ =	shalt  }
0x74: {  	_ =	shalt  }
0x75: {  	_ =	shalt  }
0x76: {  	_ =	shalt  }
0x77: {  	_ =	shalt  }
0x78: {  	_ =	shalt  }
0x79: {  	_ =	shalt  }
0x7a: {  	_ =	shalt  }
0x7b: {  	_ =	shalt  }
0x7c: {  	_ =	shalt  }
0x7d: {  	_ =	shalt  }
0x7e: {  	_ =	shalt  }
0x7f: {  	_ =	shalt  }
0x80: {  	_ =	shalt  }
0x81: {  	_ =	shalt  }
0x82: {  	_ =	shalt  }
0x83: {  	_ =	shalt  }
0x84: {  	_ =	shalt  }
0x85: {  	_ =	shalt  }
0x86: {  	_ =	shalt  }
0x87: {  	_ =	shalt  }
.Lfunc_end0:
.L_simem_size_0:
called_computation.1_lowered:
.L_overlay_start_0:
0x88: {  	s2 =	sld [smem:$0x3FD9]  }
0x89: {  	s3 =	sld [smem:$0x3FFE];
	_ =	sdelay $0x1  }
0x8a: {  	s1 =	srdreg.scid  }
0x8b: {  	s0 =	sand.u32 $0x1, s1  }
0x8c: {  	s16 =	sshll.u32 s0, $0xA;
	s2 =	sadd.s32 s3, s2  }
0x8d: {  	s2 =	sadd.s32 s2, s16  }
0x8e: {  	[smem:$0x3FAD] =	sst s2  }
0x8f: {  	_ = 	snop  }
0x90: {  	(tm) =	ssettm $0x1  }
0x91: {  	s17 =	sld [smem:$0x3FFB];
	_ =	sdelay $0x3  }
0x92: {  	_ =	strace s17  }
0x93: {  	s2 =	sld [smem:$0x3FFC];
	_ =	sdelay $0x3  }
0x94: {  	_ =	strace s2  }
0x95: {  	s2 =	sld [smem:$0x3FFD];
	_ =	sdelay $0x3  }
0x96: {  	_ =	strace s2  }
0x97: {  	_ =	strace $0x8FFFFFFF  }
0x98: {  	s18 =	sld [smem:$0x3FDB];
	_ =	sdelay $0x1  }
0x99: {  	s19 =	simm.s32 $_scs_section_size  }
0x9a: {  	s4 =	simm.s32 $_size__tile_overlayer_lowered;
	s5 =	simm.s32 $_tile_overlayer_lowered  }
0x9b: {  	s22 =	simm.s32 $0x1BFF;
	s21 =	sshll.u32 s5, $0x1;
	s2 =	sadd.s32 s19, s18  }
0x9c: {  	s6 =	simm.s32 $0x0;
	s20 =	sshll.u32 s4, $0x1;
	s4 =	sadd.s32 s21, s2  }
0x9d: {  	[timem:s6], [sflag:s22] =	dma.local [hbm:s4], s20  }
0x9e: {  	_ =	swait.ge [sflag:s22], s20  }
0x9f: {  	s3 =	ssub.s32 $0x0, s20;
	[sflag:s22] =	ssyncset.done $0x0  }
0xa0: {  	[sflag:s22] =	ssyncadd.s32 s3;
	_ =	sdelay $0x1  }
0xa1: {  	s23 =	simm.s32 $0x1B8B  }
0xa2: {  	_ =	swait.ge [sflag:s23], $0x1  }
0xa3: {  	[sflag:s23] =	ssyncset.done $0x0  }
0xa4: {  	s25 =	simm.s32 $0x1B8E;
	s24 =	sld [smem:$0x3FFE];
	[sflag:s23] =	ssyncadd.s32 $0xFFFFFFFF  }
0xa5: {  	s26 =	simm.s32 $execute0_lowered;
	[smem:$0x3FD2] =	sst s25  }
0xa6: {  	s4 =	sshll.u32 s26, $0x1;
	_ =	strace $0x80000046;
	[dreg:$0x1] =	wrdreg $0xFFFFFFFF  }
0xa7: {  	s28 =	simm.s32 $_size_execute0_lowered;
	s2 =	sadd.s32 s2, s4;
	[dreg:$0x0] =	wrdreg $0x0  }
0xa8: {  	s4 =	sshll.u32 s28, $0x1;
	[dreg:$0x2] =	wrdreg s2  }
0xa9: {  	[dreg:$0x3] =	wrdreg s4  }
0xaa: {  	[dreg:$0x4] =	wrdreg $0xC0  }
0xab: {  	_ =	task [dreg:s6], $0x5FFFF  }
0xac: {  	[dreg:$0x1] =	wrdreg $0xFFFFFFFF  }
0xad: {  	[dreg:$0x0] =	wrdreg $0x60  }
0xae: {  	[dreg:$0x2] =	wrdreg s24  }
0xaf: {  	[dreg:$0x3] =	wrdreg $0xA  }
0xb0: {  	_ =	task.clear_ibuf [dreg:s6], $0x4FFFF;
	_ =	strace $0x90000046  }
0xb1: {  	s29 =	simm.s32 $0xA;
	_ =	strace $0x80000048  }
0xb2: {  	_ =	swait.ge [sflag:s29], $0x1  }
0xb3: {  	[sflag:s29] =	ssyncadd.s32 $0xFFFFFFFF  }
0xb4: {  	_ =	strace $0x90000048  }
0xb5: {  	_ =	sfence  }
0xb6: {  	s30 =	sld [smem:$0x0];
	_ =	sdelay $0x2  }
0xb7: {  	s31 =	sshll.u32 s1, $0xD;
	s1 =	sshrl.u32 s1, $0x2  }
0xb8: {  	s3 =	sand.u32 $0x4000, s31;
	s1 =	sadd.s32 s1, s30  }
0xb9: {  	s0 =	sor.u32 s3, s0;
	s1 =	sshll.u32 s1, $0x11  }
0xba: {  	s0 =	sor.u32 s1, s0  }
0xbb: {  	s0 =	sadd.s32 $0x8F2B, s0  }
0xbc: {  	[sflag:s0] =	ssyncadd.remote.s32 $0x1  }
0xbd: {  	_ =	sfence.sel $0xFFFF  }
0xbe: {  	[dreg:$0x0] =	wrdreg $0xFFFFFFFF;
	(pc) =	sbr.abs _section_cstart, $3  }
0xbf: {  	[dreg:$0x1] =	wrdreg $0xFFFFFFFF  }
0xc0: {  	_ =	task.clear_ibuf [dreg:s6], $0x2FFFF;
	_ =	strace $0x9FFFFFFF  }
0xc1: {  	(tm) =	ssettm $0x7FFFFFFF  }
tec
execute0_lowered:
.L_overlay_start_1:
0x0: {  	(tag) =	ssettag $0x1  }
0x1: {  	s5 =	rddreg [dreg:$0x0]  }
0x2: {  	s0 =	rddreg [dreg:$0x1];
	s1 =	simm.s32 $0x0  }
0x3: {  	s4 =	srdreg.scid;
	s2 =	stileid.u32;
	s12 =	simm.s32 $0x50  }
0x4: {  	s13 =	simm.s32 $0x2000;
	s14 =	simm.s32 $0x1;
	s15 =	simm.s32 $0x4800  }
0x5: {  	s16 =	simm.s32 $0x0;
	[smem:$0x7FF] =	sst s1;
	s3 =	sadd.s32 $0x20C00, s5  }
0x6: {  	s6 =	sand.u32 $0x1, s4;
	s4 =	sadd.s32 $0x48C00, s5;
	s7 =	sshll.u32 s2, $0xA  }
0x7: {  	s30 =	smul.u32 $0xFA00, s2;
	_ =	strace $0x80000047;
	s8 =	sshll.u32 s6, $0x9  }
0x8: {  	s9 =	ssub.s32 $0x2, s6;
	s11 =	smul.u32 $0x7D00, s6;
	s7 =	sor.u32 s8, s7  }
0x9: {  	s10 =	sshrl.u32 s9, $0x1;
	s8 =	sadd.s32 s30, s5;
	s7 =	sadd.s32 s7, s5  }
0xa: {  	s9 =	ssub.s32 s9, s10;
	s31 =	sadd.s32 s11, s8;
	s10 =	simm.s32 $0x2  }
0xb: {  	s11 =	simm.s32 $0x1000;
	s5 =	sadd.s32 $0x4C00, s7;
	s6 =	sadd.s32 $0xC00, s7  }
0xc: {  	s7 =	smax.u32 s9, $0x1;
	s8 =	sadd.s32 $0x99200, s31;
	s9 =	sadd.s32 $0x193200, s31  }
.LBB2_1:
0xd: {  	[tilespmem:s1], [sflag:$0x2] =	stream.linear.gather [hbm4b:s5+s1], $0xC80, $0x38;
	[tilespmem:$0x7000] =	vst v63  }
0xe: {  	_ =	swait.ge [sflag:s10], $0xC80  }
0xf: {  	[sflag:s10] =	ssyncset.done $0x0  }
0x10: {  	[sflag:s10] =	ssyncadd.s32 $0xFFFFF380  }
0x11: {  	[tilespmem:s11], [sflag:$0x2] =	stream.linear.gather [hbm4b:s6+s1], $0xC80, $0x38;
	[tilespmem:$0x7000] =	vst v63  }
0x12: {  	_ =	swait.ge [sflag:s10], $0xC80  }
0x13: {  	[sflag:s10] =	ssyncset.done $0x0  }
0x14: {  	s17 =	simm.s32 $0x0;
	[sflag:s10] =	ssyncadd.s32 $0xFFFFF380  }
0x15: {  	[tilespmem:s13], [sflag:$0x1] =	stream.indirect.gather [hbm4b:s3+s12], $0x80, s17, s12, $0xb8;
	[tilespmem:$0x7000] =	vst v63  }
0x16: {  	_ =	swait.ge [sflag:s14], $0x2800  }
0x17: {  	[sflag:s14] =	ssyncset.done $0x0  }
0x18: {  	s31 =	simm.s32 $0x1000;
	[sflag:s14] =	ssyncadd.s32 $0xFFFFD800  }
0x19: {  	[tilespmem:s15], [sflag:$0x1] =	stream.indirect.gather [hbm4b:s4+s12], $0x80, s31, s12, $0xb8;
	[tilespmem:$0x7000] =	vst v63  }
0x1a: {  	_ =	swait.ge [sflag:s14], $0x2800  }
0x1b: {  	[sflag:s14] =	ssyncset.done $0x0  }
0x1c: {  	[sflag:s14] =	ssyncadd.s32 $0xFFFFD800  }
0x1d: {  	[hbm4b:s8+s1] =	stream.linear.scatter [tilespmem:s13], [sflag:$0x2], $0x2800, $0x38;
	[tilespmem:$0x7000] =	vst v63  }
0x1e: {  	_ =	swait.ge [sflag:s10], $0x2800  }
0x1f: {  	[sflag:s10] =	ssyncset.done $0x0  }
0x20: {  	[sflag:s10] =	ssyncadd.s32 $0xFFFFD800  }
0x21: {  	[hbm4b:s9+s1] =	stream.linear.scatter [tilespmem:s15], [sflag:$0x2], $0x2800, $0x38;
	[tilespmem:$0x7000] =	vst v63  }
0x22: {  	s19 =	simm.s32 $0x200;
	s20 =	simm.s32 $0x400;
	_ =	swait.ge [sflag:s10], $0x2800  }
0x23: {  	s18 =	sadd.s32 $0x500, s8;
	s17 =	sadd.s32 $0x500, s9;
	[sflag:s10] =	ssyncset.done $0x0  }
.LBB2_2:
0x24: {  	s21 =	sshra.s32 s19, $0x2  }
0x25: {  	[sflag:s10] =	ssyncadd.s32 $0xFFFFD800;
	s19 =	smov.u32 s20;
	s22 =	sadd.s32 $0x200, s20  }
0x26: {  	[tilespmem:s13], [sflag:$0x1] =	stream.indirect.gather [hbm4b:s3+s12], $0x80, s21, s12, $0xb8;
	[tilespmem:$0x7000] =	vst v63  }
0x27: {  	p0 =	sne.s32 s20, $0x3000;
	_ =	swait.ge [sflag:s14], $0x2800  }
0x28: {  	[sflag:s14] =	ssyncset.done $0x0  }
0x29: {  	s20 =	sadd.s32 $0x1000, s21;
	[sflag:s14] =	ssyncadd.s32 $0xFFFFD800  }
0x2a: {  	[tilespmem:s15], [sflag:$0x1] =	stream.indirect.gather [hbm4b:s4+s12], $0x80, s20, s12, $0xb8;
	[tilespmem:$0x7000] =	vst v63  }
0x2b: {  	_ =	swait.ge [sflag:s14], $0x2800  }
0x2c: {  	[sflag:s14] =	ssyncset.done $0x0  }
0x2d: {  	[sflag:s14] =	ssyncadd.s32 $0xFFFFD800  }
0x2e: {  	[hbm4b:s18+s1] =	stream.linear.scatter [tilespmem:s13], [sflag:$0x2], $0x2800, $0x38;
	[tilespmem:$0x7000] =	vst v63  }
0x2f: {  	_ =	swait.ge [sflag:s10], $0x2800  }
.Ltmp0:
0x30: {  	[sflag:s10] =	ssyncset.done $0x0;
	(pc) =	sbr.rel @p0 .LBB2_2-.Ltmp0, $4  }
0x31: {  	[sflag:s10] =	ssyncadd.s32 $0xFFFFD800  }
0x32: {  	[hbm4b:s17+s1] =	stream.linear.scatter [tilespmem:s15], [sflag:$0x2], $0x2800, $0x38;
	[tilespmem:$0x7000] =	vst v63  }
0x33: {  	s20 =	smov.u32 s22;
	_ =	swait.ge [sflag:s10], $0x2800  }
0x34: {  	s18 =	sadd.s32 $0x500, s18;
	s17 =	sadd.s32 $0x500, s17;
	[sflag:s10] =	ssyncset.done $0x0  }
0x35: {  	s19 =	sshra.s32 s19, $0x2;
	[sflag:s10] =	ssyncadd.s32 $0xFFFFD800  }
0x36: {  	[tilespmem:s13], [sflag:$0x1] =	stream.indirect.gather [hbm4b:s3+s12], $0x80, s19, s12, $0xb8;
	[tilespmem:$0x7000] =	vst v63  }
0x37: {  	_ =	swait.ge [sflag:s14], $0x2800  }
0x38: {  	[sflag:s14] =	ssyncset.done $0x0  }
0x39: {  	s19 =	sadd.s32 $0x1000, s19;
	[sflag:s14] =	ssyncadd.s32 $0xFFFFD800  }
0x3a: {  	[tilespmem:s15], [sflag:$0x1] =	stream.indirect.gather [hbm4b:s4+s12], $0x80, s19, s12, $0xb8;
	[tilespmem:$0x7000] =	vst v63  }
0x3b: {  	_ =	swait.ge [sflag:s14], $0x2800  }
0x3c: {  	[sflag:s14] =	ssyncset.done $0x0  }
0x3d: {  	[sflag:s14] =	ssyncadd.s32 $0xFFFFD800  }
0x3e: {  	[hbm4b:s18+s1] =	stream.linear.scatter [tilespmem:s13], [sflag:$0x2], $0x2800, $0x38;
	[tilespmem:$0x7000] =	vst v63  }
0x3f: {  	s16 =	sadd.s32 $0x1, s16;
	_ =	swait.ge [sflag:s10], $0x2800  }
0x40: {  	p0 =	sne.s32 s16, s7;
	[sflag:s10] =	ssyncset.done $0x0  }
.Ltmp1:
0x41: {  	[sflag:s10] =	ssyncadd.s32 $0xFFFFD800;
	(pc) =	sbr.rel @p0 .LBB2_1-.Ltmp1, $4  }
0x42: {  	[hbm4b:s17+s1] =	stream.linear.scatter [tilespmem:s15], [sflag:$0x2], $0x2800, $0x38;
	[tilespmem:$0x7000] =	vst v63  }
0x43: {  	_ =	swait.ge [sflag:s10], $0x2800  }
0x44: {  	[sflag:s10] =	ssyncset.done $0x0  }
0x45: {  	[sflag:s10] =	ssyncadd.s32 $0xFFFFD800  }
0x46: {  	_ =	sfence.sel $0x180000  }
0x47: {  	[bflag:$0x0] =	sbarrier.arrive $0xFFFF  }
0x48: {  	p0 =	sne.s32 s2, $0x0;
	_ =	strace $0x90000047  }
0x49: {  	s0 =	sadd.s32 @!p0 $0x100000, s0;
	[bflag:$0x2] =	sbarrier.arrive $0xFFFF  }
0x4a: {  	[sflag:s0] =	ssyncadd.tile.s32 @!p0 $0x1;
	_ =	shalt  }
.Lfunc_end2:
_tile_overlayer_lowered:
.L_overlay_start_2:
0x4b: {  	(tag) =	ssettag $0x2  }
0x4c: {  	s0 =	rddreg [dreg:$0x0];
	s2 =	stileid.u32  }
0x4d: {  	s1 =	rddreg [dreg:$0x1];
	p0 =	sne.s32 s2, $0x0  }
0x4e: {  	s3 =	rddreg [dreg:$0x2];
	[bflag:$0x3] =	sbarrier.arrive $0xFFFF;
	s2 =	simm.s32 @!p0 $0x1C02  }
0x4f: {  	[timem:s3], [sflag:s2] =	dma.local @!p0 [hbm:s0], s1  }
0x50: {  	s0 =	simm.s32 @!p0 $0x2  }
0x51: {  	_ =	swait.ge @!p0 [sflag:s0], s1  }
0x52: {  	s1 =	ssub.s32 @!p0 $0x0, s1;
	[sflag:s0] =	ssyncset.done @!p0 $0x0  }
0x53: {  	[sflag:s0] =	ssyncadd.s32 @!p0 s1  }
0x54: {  	[bflag:$0x3] =	sbarrier.arrive $0xFFFF  }
0x55: {  	_ =	shalt  }

// kernel: kernel.21.cloned.1.call-start
scs
__scs_entry_jumppad:
0x0: {  	(pc) =	sbr.rel $0x88, $3  }
0x1: {  	(tag) =	ssettag $0x0;
	lr =	simm.s32 $0x1  }
0x2: {  	[smem:$0x3F86] =	sst lr;
	_ =	strace $0xD0000000  }
0x3: {  	_ = 	snop  }
0x4: {  	_ = 	snop  }
0x5: {  	_ = 	snop  }
0x6: {  	_ = 	snop  }
0x7: {  	_ = 	snop  }
__scs_overlays_trampoline_lowered:
0x8: {  	[smem:$0x3F95] =	sst s0  }
0x9: {  	[smem:$0x3F96] =	sst s1  }
0xa: {  	[smem:$0x3F97] =	sst s2  }
0xb: {  	[smem:$0x3F98] =	sst s3  }
0xc: {  	[smem:$0x3F99] =	sst s4  }
0xd: {  	[smem:$0x3F9A] =	sst s5  }
0xe: {  	[smem:$0x3F9B] =	sst s6  }
0xf: {  	[smem:$0x3F9C] =	sst s7  }
0x10: {  	[smem:$0x3F9D] =	sst s8  }
0x11: {  	[smem:$0x3F9E] =	sst s9;
	s0 =	simm.s32 @!p0 $0x0  }
0x12: {  	s1 =	sld [smem:$0x3F84];
	s0 =	simm.s32 @p0 $0x1  }
0x13: {  	[smem:$0x3F9F] =	sst s0;
	s0 =	simm.s32 @!p1 $0x0  }
0x14: {  	s2 =	sld [smem:$0x3F83];
	s0 =	simm.s32 @p1 $0x1  }
0x15: {  	[smem:$0x3FA0] =	sst s0;
	s0 =	simm.s32 @!p2 $0x0  }
0x16: {  	s3 =	sld [smem:$0x3FDB];
	s0 =	simm.s32 @p2 $0x1  }
0x17: {  	s4 =	simm.s32 $0x1BF5;
	[smem:$0x3FA2] =	sst s0  }
0x18: {  	s0 =	sld [smem:$0x3F85];
	_ =	swait.ge [sflag:s4], $0x0  }
0x19: {  	s7 =	sld [smem:$0x3F86]  }
0x1a: {  	s8 =	sadd.s32 $0xFFFFE003, lr  }
0x1b: {  	s9 =	sadd.s32 $0xFFFFFEF7, lr;
	s5 =	simm.s32 $0xFFFFFFFF;
	p2 =	slt.u32 s8, $0xFFFFF086  }
0x1c: {  	p1 =	slt.u32 s9, $0xF7A;
	s5 =	simm.s32 @!p2 $0x0  }
0x1d: {  	s5 =	simm.s32 @p1 $0x1;
	p0 =	seq.s32 s7, s2  }
0x1e: {  	s7 =	smul.u32 @!p0 $0xF7A, s2;
	p2 =	seq.s32 @!p0 s5, $0x0  }
0x1f: {  	s9 =	smul.u32 $0xF7A, s1;
	s8 =	simm.s32 @!p0 $0x1BF5;
	p2 =	por !p2, p0  }
0x20: {  	[sflag:s8] =	ssyncset.s32 @!p0 $0xFFFFF086;
	s6 =	sadd.s32 @!p0 s3, s7;
	s7 =	simm.s32 @!p0 $0x108  }
0x21: {  	s3 =	sadd.s32 s3, s9;
	s6 =	sadd.s32 @!p0 $0x88, s6;
	s7 =	simm.s32 @p2 $0x1082  }
0x22: {  	[simem:s7], [sflag:s8] =	dma.local @!p0 [hbm:s6], $0xF7A  }
0x23: {  	s9 =	sor.u32 $0xD0000000, s2;
	s6 =	simm.s32 $0x108;
	_ =	swait.ge @!p0 [sflag:s8], $0x0  }
0x24: {  	s3 =	sadd.s32 $0x88, s3;
	s6 =	simm.s32 @!p1 $0x1082;
	[sflag:s4] =	ssyncset.s32 $0xFFFFF086  }
0x25: {  	[simem:s6], [sflag:s4] =	dma.local [hbm:s3], $0xF7A  }
0x26: {  	[smem:$0x3F86] =	sst s1;
	(tag) =	ssettag s2;
	_ =	strace s9  }
0x27: {  	s1 =	sld [smem:$0x3F96]  }
0x28: {  	s2 =	sld [smem:$0x3F97]  }
0x29: {  	s4 =	sld [smem:$0x3F99]  }
0x2a: {  	p0 =	seq.s32 s5, $0x0;
	s5 =	sld [smem:$0x3F9A]  }
0x2b: {  	s6 =	sld [smem:$0x3F9B]  }
0x2c: {  	s7 =	sld [smem:$0x3F9C]  }
0x2d: {  	s3 =	simm.s32 $0x108;
	s8 =	sld [smem:$0x3F9D]  }
0x2e: {  	s3 =	simm.s32 @!p0 $0x1082;
	s9 =	sld [smem:$0x3F9E]  }
0x2f: {  	lr =	sadd.s32 s0, s3;
	s0 =	sld [smem:$0x3F95]  }
0x30: {  	s3 =	sld [smem:$0x3F98]  }
0x31: {  	[smem:$0x3FA1] =	sst s10  }
0x32: {  	s10 =	sld [smem:$0x3F9F];
	_ =	sdelay $0x3  }
0x33: {  	p0 =	seq.s32 s10, $0x1;
	s10 =	sld [smem:$0x3FA1];
	_ =	sdelay $0x3  }
0x34: {  	[smem:$0x3FA1] =	sst s10  }
0x35: {  	s10 =	sld [smem:$0x3FA0];
	_ =	sdelay $0x3  }
0x36: {  	p1 =	seq.s32 s10, $0x1;
	s10 =	sld [smem:$0x3FA1];
	_ =	sdelay $0x3  }
0x37: {  	[smem:$0x3FA1] =	sst s10  }
0x38: {  	s10 =	sld [smem:$0x3FA2]  }
0x39: {  	_ = 	snop;
	(pc) =	sbr.ind lr, $3  }
0x3a: {  	_ = 	snop  }
0x3b: {  	_ = 	snop  }
0x3c: {  	p2 =	seq.s32 s10, $0x1;
	s10 =	sld [smem:$0x3FA1]  }
0x3d: {  	_ =	shalt  }
0x3e: {  	_ =	shalt  }
0x3f: {  	_ =	shalt  }
0x40: {  	_ =	shalt  }
0x41: {  	_ =	shalt  }
0x42: {  	_ =	shalt  }
0x43: {  	_ =	shalt  }
0x44: {  	_ =	shalt  }
0x45: {  	_ =	shalt  }
0x46: {  	_ =	shalt  }
0x47: {  	_ =	shalt  }
0x48: {  	_ =	shalt  }
0x49: {  	_ =	shalt  }
0x4a: {  	_ =	shalt  }
0x4b: {  	_ =	shalt  }
0x4c: {  	_ =	shalt  }
0x4d: {  	_ =	shalt  }
0x4e: {  	_ =	shalt  }
0x4f: {  	_ =	shalt  }
0x50: {  	_ =	shalt  }
0x51: {  	_ =	shalt  }
0x52: {  	_ =	shalt  }
0x53: {  	_ =	shalt  }
0x54: {  	_ =	shalt  }
0x55: {  	_ =	shalt  }
0x56: {  	_ =	shalt  }
0x57: {  	_ =	shalt  }
0x58: {  	_ =	shalt  }
0x59: {  	_ =	shalt  }
0x5a: {  	_ =	shalt  }
0x5b: {  	_ =	shalt  }
0x5c: {  	_ =	shalt  }
0x5d: {  	_ =	shalt  }
0x5e: {  	_ =	shalt  }
0x5f: {  	_ =	shalt  }
0x60: {  	_ =	shalt  }
0x61: {  	_ =	shalt  }
0x62: {  	_ =	shalt  }
0x63: {  	_ =	shalt  }
0x64: {  	_ =	shalt  }
0x65: {  	_ =	shalt  }
0x66: {  	_ =	shalt  }
0x67: {  	_ =	shalt  }
0x68: {  	_ =	shalt  }
0x69: {  	_ =	shalt  }
0x6a: {  	_ =	shalt  }
0x6b: {  	_ =	shalt  }
0x6c: {  	_ =	shalt  }
0x6d: {  	_ =	shalt  }
0x6e: {  	_ =	shalt  }
0x6f: {  	_ =	shalt  }
0x70: {  	_ =	shalt  }
0x71: {  	_ =	shalt  }
0x72: {  	_ =	shalt  }
0x73: {  	_ =	shalt  }
0x74: {  	_ =	shalt  }
0x75: {  	_ =	shalt  }
0x76: {  	_ =	shalt  }
0x77: {  	_ =	shalt  }
0x78: {  	_ =	shalt  }
0x79: {  	_ =	shalt  }
0x7a: {  	_ =	shalt  }
0x7b: {  	_ =	shalt  }
0x7c: {  	_ =	shalt  }
0x7d: {  	_ =	shalt  }
0x7e: {  	_ =	shalt  }
0x7f: {  	_ =	shalt  }
0x80: {  	_ =	shalt  }
0x81: {  	_ =	shalt  }
0x82: {  	_ =	shalt  }
0x83: {  	_ =	shalt  }
0x84: {  	_ =	shalt  }
0x85: {  	_ =	shalt  }
0x86: {  	_ =	shalt  }
0x87: {  	_ =	shalt  }
.Lfunc_end0:
.L_simem_size_0:
called_computation.2_lowered:
.L_overlay_start_0:
0x88: {  	s2 =	sld [smem:$0x3FD9]  }
0x89: {  	s3 =	sld [smem:$0x3FFE];
	_ =	sdelay $0x1  }
0x8a: {  	s1 =	srdreg.scid  }
0x8b: {  	s0 =	sand.u32 $0x1, s1  }
0x8c: {  	s17 =	sshll.u32 s0, $0xA;
	s2 =	sadd.s32 s3, s2  }
0x8d: {  	s2 =	sadd.s32 s2, s17  }
0x8e: {  	[smem:$0x3FAD] =	sst s2  }
0x8f: {  	_ = 	snop  }
0x90: {  	(tm) =	ssettm $0x1  }
0x91: {  	s18 =	sld [smem:$0x3FFB];
	_ =	sdelay $0x3  }
0x92: {  	_ =	strace s18  }
0x93: {  	s2 =	sld [smem:$0x3FFC];
	_ =	sdelay $0x3  }
0x94: {  	_ =	strace s2  }
0x95: {  	s2 =	sld [smem:$0x3FFD];
	_ =	sdelay $0x3  }
0x96: {  	_ =	strace s2  }
0x97: {  	_ =	strace $0x8FFFFFFF  }
0x98: {  	s19 =	sld [smem:$0x3FDB];
	_ =	sdelay $0x1  }
0x99: {  	s20 =	simm.s32 $_scs_section_size  }
0x9a: {  	s4 =	simm.s32 $_size__tile_overlayer_lowered;
	s5 =	simm.s32 $_tile_overlayer_lowered  }
0x9b: {  	s6 =	simm.s32 $0x1BFF;
	s21 =	sshll.u32 s5, $0x1;
	s3 =	sadd.s32 s20, s19  }
0x9c: {  	s22 =	simm.s32 $0x0;
	s4 =	sshll.u32 s4, $0x1;
	s5 =	sadd.s32 s21, s3  }
0x9d: {  	[timem:s22], [sflag:s6] =	dma.local [hbm:s5], s4  }
0x9e: {  	_ =	swait.ge [sflag:s6], s4  }
0x9f: {  	s4 =	ssub.s32 $0x0, s4;
	[sflag:s6] =	ssyncset.done $0x0  }
0xa0: {  	[sflag:s6] =	ssyncadd.s32 s4;
	_ =	sdelay $0x1  }
0xa1: {  	s23 =	simm.s32 $0x1B8B  }
0xa2: {  	_ =	swait.ge [sflag:s23], $0x1  }
0xa3: {  	[sflag:s23] =	ssyncset.done $0x0  }
0xa4: {  	[sflag:s23] =	ssyncadd.s32 $0xFFFFFFFF  }
0xa5: {  	s4 =	sld [smem:$0x0]  }
0xa6: {  	s5 =	sand.u32 $0xFFFFFFFE, s1  }
0xa7: {  	p0 =	sne.s32 s1, s5  }
0xa8: {  	s5 =	sshll.u32 @p0 s5, $0xE  }
0xa9: {  	s5 =	sadd.s32 @p0 $0x11B8D, s5;
	s6 =	sshll.u32 @p0 s4, $0x11  }
0xaa: {  	s5 =	sor.u32 @p0 s6, s5  }
0xab: {  	[sflag:s5] =	ssyncadd.remote.s32 @p0 $0x1;
	_ =	sdelay $0x1  }
0xac: {  	s5 =	simm.s32 @p0 $0x1B8D  }
0xad: {  	_ =	swait.eq @p0 [sflag:s5], $0x1  }
0xae: {  	[sflag:s5] =	ssyncadd.s32 @p0 $0xFFFFFFFF  }
0xaf: {  	s6 =	sshll.u32 @!p0 s1, $0xE  }
0xb0: {  	s6 =	sor.u32 @!p0 $0x4000, s6;
	s5 =	simm.s32 @!p0 $0x1B8D  }
0xb1: {  	s4 =	sshll.u32 @!p0 s4, $0x11;
	s6 =	sadd.s32 @!p0 $0x11B8D, s6;
	_ =	swait.eq @!p0 [sflag:s5], $0x1  }
0xb2: {  	s4 =	sor.u32 @!p0 s4, s6;
	[sflag:s5] =	ssyncadd.s32 @!p0 $0xFFFFFFFF  }
0xb3: {  	s25 =	simm.s32 $0x1B8E;
	s24 =	sld [smem:$0x3FFE];
	[sflag:s4] =	ssyncadd.remote.s32 @!p0 $0x1  }
0xb4: {  	s26 =	simm.s32 $execute0_lowered;
	[smem:$0x3FD2] =	sst s25  }
0xb5: {  	s5 =	sshll.u32 s26, $0x1;
	_ =	strace $0x8000004C;
	[dreg:$0x1] =	wrdreg $0xFFFFFFFF  }
0xb6: {  	s28 =	simm.s32 $_size_execute0_lowered;
	s3 =	sadd.s32 s3, s5;
	[dreg:$0x0] =	wrdreg $0x0  }
0xb7: {  	s5 =	sshll.u32 s28, $0x1;
	[dreg:$0x2] =	wrdreg s3  }
0xb8: {  	[dreg:$0x3] =	wrdreg s5  }
0xb9: {  	[dreg:$0x4] =	wrdreg $0xC0  }
0xba: {  	_ =	task [dreg:s22], $0x5FFFF  }
0xbb: {  	[dreg:$0x1] =	wrdreg $0xFFFFFFFF  }
0xbc: {  	[dreg:$0x0] =	wrdreg $0x60  }
0xbd: {  	[dreg:$0x2] =	wrdreg s24  }
0xbe: {  	[dreg:$0x3] =	wrdreg $0xB  }
0xbf: {  	_ =	task.clear_ibuf [dreg:s22], $0x4FFFF;
	_ =	strace $0x9000004C  }
0xc0: {  	s29 =	simm.s32 $0xB;
	_ =	strace $0x8000004E  }
0xc1: {  	_ =	swait.ge [sflag:s29], $0x1  }
0xc2: {  	[sflag:s29] =	ssyncadd.s32 $0xFFFFFFFF  }
0xc3: {  	_ =	strace $0x9000004E  }
0xc4: {  	_ =	sfence  }
0xc5: {  	s30 =	sld [smem:$0x0];
	_ =	sdelay $0x2  }
0xc6: {  	s31 =	sshll.u32 s1, $0xD;
	s1 =	sshrl.u32 s1, $0x2  }
0xc7: {  	s4 =	sand.u32 $0x4000, s31;
	s1 =	sadd.s32 s1, s30  }
0xc8: {  	s0 =	sor.u32 s4, s0;
	s1 =	sshll.u32 s1, $0x11  }
0xc9: {  	s0 =	sor.u32 s1, s0  }
0xca: {  	s0 =	sadd.s32 $0x8F2B, s0  }
0xcb: {  	[sflag:s0] =	ssyncadd.remote.s32 $0x1  }
0xcc: {  	_ =	sfence.sel $0xFFFF  }
0xcd: {  	[dreg:$0x0] =	wrdreg $0xFFFFFFFF;
	(pc) =	sbr.abs _section_cstart, $3  }
0xce: {  	[dreg:$0x1] =	wrdreg $0xFFFFFFFF  }
0xcf: {  	_ =	task.clear_ibuf [dreg:s22], $0x2FFFF;
	_ =	strace $0x9FFFFFFF  }
0xd0: {  	(tm) =	ssettm $0x7FFFFFFF  }
0xd1: {  	_ =	shalt  }
tec
execute0_lowered:
.L_overlay_start_1:
0x0: {  	(tag) =	ssettag $0x1  }
0x1: {  	s5 =	rddreg [dreg:$0x0]  }
0x2: {  	s0 =	rddreg [dreg:$0x1];
	s1 =	simm.s32 $0x0  }
0x3: {  	s4 =	srdreg.scid;
	s2 =	stileid.u32;
	s12 =	simm.s32 $0x50  }
0x4: {  	s13 =	simm.s32 $0x2000;
	s14 =	simm.s32 $0x1;
	s15 =	simm.s32 $0x4800  }
0x5: {  	s16 =	simm.s32 $0x0;
	[smem:$0x7FF] =	sst s1;
	s3 =	sadd.s32 $0x20C00, s5  }
0x6: {  	s6 =	sand.u32 $0x1, s4;
	s4 =	sadd.s32 $0x48C00, s5;
	s7 =	sshll.u32 s2, $0xA  }
0x7: {  	s30 =	smul.u32 $0xFA00, s2;
	_ =	strace $0x8000004D;
	s8 =	sshll.u32 s6, $0x9  }
0x8: {  	s9 =	ssub.s32 $0x2, s6;
	s11 =	smul.u32 $0x7D00, s6;
	s7 =	sor.u32 s8, s7  }
0x9: {  	s10 =	sshrl.u32 s9, $0x1;
	s8 =	sadd.s32 s30, s5;
	s7 =	sadd.s32 s7, s5  }
0xa: {  	s9 =	ssub.s32 s9, s10;
	s31 =	sadd.s32 s11, s8;
	s10 =	simm.s32 $0x2  }
0xb: {  	s11 =	simm.s32 $0x1000;
	s5 =	sadd.s32 $0xCC00, s7;
	s6 =	sadd.s32 $0x8C00, s7  }
0xc: {  	s7 =	smax.u32 s9, $0x1;
	s8 =	sadd.s32 $0x489200, s31;
	s9 =	sadd.s32 $0x583200, s31  }
.LBB2_1:
0xd: {  	[tilespmem:s1], [sflag:$0x2] =	stream.linear.gather [hbm4b:s5+s1], $0xC80, $0x38;
	[tilespmem:$0x7000] =	vst v63  }
0xe: {  	_ =	swait.ge [sflag:s10], $0xC80  }
0xf: {  	[sflag:s10] =	ssyncset.done $0x0  }
0x10: {  	[sflag:s10] =	ssyncadd.s32 $0xFFFFF380  }
0x11: {  	[tilespmem:s11], [sflag:$0x2] =	stream.linear.gather [hbm4b:s6+s1], $0xC80, $0x38;
	[tilespmem:$0x7000] =	vst v63  }
0x12: {  	_ =	swait.ge [sflag:s10], $0xC80  }
0x13: {  	[sflag:s10] =	ssyncset.done $0x0  }
0x14: {  	s17 =	simm.s32 $0x0;
	[sflag:s10] =	ssyncadd.s32 $0xFFFFF380  }
0x15: {  	[tilespmem:s13], [sflag:$0x1] =	stream.indirect.gather [hbm4b:s3+s12], $0x80, s17, s12, $0xb8;
	[tilespmem:$0x7000] =	vst v63  }
0x16: {  	_ =	swait.ge [sflag:s14], $0x2800  }
0x17: {  	[sflag:s14] =	ssyncset.done $0x0  }
0x18: {  	s31 =	simm.s32 $0x1000;
	[sflag:s14] =	ssyncadd.s32 $0xFFFFD800  }
0x19: {  	[tilespmem:s15], [sflag:$0x1] =	stream.indirect.gather [hbm4b:s4+s12], $0x80, s31, s12, $0xb8;
	[tilespmem:$0x7000] =	vst v63  }
0x1a: {  	_ =	swait.ge [sflag:s14], $0x2800  }
0x1b: {  	[sflag:s14] =	ssyncset.done $0x0  }
0x1c: {  	[sflag:s14] =	ssyncadd.s32 $0xFFFFD800  }
0x1d: {  	[hbm4b:s8+s1] =	stream.linear.scatter [tilespmem:s13], [sflag:$0x2], $0x2800, $0x38;
	[tilespmem:$0x7000] =	vst v63  }
0x1e: {  	_ =	swait.ge [sflag:s10], $0x2800  }
0x1f: {  	[sflag:s10] =	ssyncset.done $0x0  }
0x20: {  	[sflag:s10] =	ssyncadd.s32 $0xFFFFD800  }
0x21: {  	[hbm4b:s9+s1] =	stream.linear.scatter [tilespmem:s15], [sflag:$0x2], $0x2800, $0x38;
	[tilespmem:$0x7000] =	vst v63  }
0x22: {  	s19 =	simm.s32 $0x200;
	s20 =	simm.s32 $0x400;
	_ =	swait.ge [sflag:s10], $0x2800  }
0x23: {  	s18 =	sadd.s32 $0x500, s8;
	s17 =	sadd.s32 $0x500, s9;
	[sflag:s10] =	ssyncset.done $0x0  }
.LBB2_2:
0x24: {  	s21 =	sshra.s32 s19, $0x2  }
0x25: {  	[sflag:s10] =	ssyncadd.s32 $0xFFFFD800;
	s19 =	smov.u32 s20;
	s22 =	sadd.s32 $0x200, s20  }
0x26: {  	[tilespmem:s13], [sflag:$0x1] =	stream.indirect.gather [hbm4b:s3+s12], $0x80, s21, s12, $0xb8;
	[tilespmem:$0x7000] =	vst v63  }
0x27: {  	p0 =	sne.s32 s20, $0x3000;
	_ =	swait.ge [sflag:s14], $0x2800  }
0x28: {  	[sflag:s14] =	ssyncset.done $0x0  }
0x29: {  	s20 =	sadd.s32 $0x1000, s21;
	[sflag:s14] =	ssyncadd.s32 $0xFFFFD800  }
0x2a: {  	[tilespmem:s15], [sflag:$0x1] =	stream.indirect.gather [hbm4b:s4+s12], $0x80, s20, s12, $0xb8;
	[tilespmem:$0x7000] =	vst v63  }
0x2b: {  	_ =	swait.ge [sflag:s14], $0x2800  }
0x2c: {  	[sflag:s14] =	ssyncset.done $0x0  }
0x2d: {  	[sflag:s14] =	ssyncadd.s32 $0xFFFFD800  }
0x2e: {  	[hbm4b:s18+s1] =	stream.linear.scatter [tilespmem:s13], [sflag:$0x2], $0x2800, $0x38;
	[tilespmem:$0x7000] =	vst v63  }
0x2f: {  	_ =	swait.ge [sflag:s10], $0x2800  }
.Ltmp0:
0x30: {  	[sflag:s10] =	ssyncset.done $0x0;
	(pc) =	sbr.rel @p0 .LBB2_2-.Ltmp0, $4  }
0x31: {  	[sflag:s10] =	ssyncadd.s32 $0xFFFFD800  }
0x32: {  	[hbm4b:s17+s1] =	stream.linear.scatter [tilespmem:s15], [sflag:$0x2], $0x2800, $0x38;
	[tilespmem:$0x7000] =	vst v63  }
0x33: {  	s20 =	smov.u32 s22;
	_ =	swait.ge [sflag:s10], $0x2800  }
0x34: {  	s18 =	sadd.s32 $0x500, s18;
	s17 =	sadd.s32 $0x500, s17;
	[sflag:s10] =	ssyncset.done $0x0  }
0x35: {  	s19 =	sshra.s32 s19, $0x2;
	[sflag:s10] =	ssyncadd.s32 $0xFFFFD800  }
0x36: {  	[tilespmem:s13], [sflag:$0x1] =	stream.indirect.gather [hbm4b:s3+s12], $0x80, s19, s12, $0xb8;
	[tilespmem:$0x7000] =	vst v63  }
0x37: {  	_ =	swait.ge [sflag:s14], $0x2800  }
0x38: {  	[sflag:s14] =	ssyncset.done $0x0  }
0x39: {  	s19 =	sadd.s32 $0x1000, s19;
	[sflag:s14] =	ssyncadd.s32 $0xFFFFD800  }
0x3a: {  	[tilespmem:s15], [sflag:$0x1] =	stream.indirect.gather [hbm4b:s4+s12], $0x80, s19, s12, $0xb8;
	[tilespmem:$0x7000] =	vst v63  }
0x3b: {  	_ =	swait.ge [sflag:s14], $0x2800  }
0x3c: {  	[sflag:s14] =	ssyncset.done $0x0  }
0x3d: {  	[sflag:s14] =	ssyncadd.s32 $0xFFFFD800  }
0x3e: {  	[hbm4b:s18+s1] =	stream.linear.scatter [tilespmem:s13], [sflag:$0x2], $0x2800, $0x38;
	[tilespmem:$0x7000] =	vst v63  }
0x3f: {  	s16 =	sadd.s32 $0x1, s16;
	_ =	swait.ge [sflag:s10], $0x2800  }
0x40: {  	p0 =	sne.s32 s16, s7;
	[sflag:s10] =	ssyncset.done $0x0  }
.Ltmp1:
0x41: {  	[sflag:s10] =	ssyncadd.s32 $0xFFFFD800;
	(pc) =	sbr.rel @p0 .LBB2_1-.Ltmp1, $4  }
0x42: {  	[hbm4b:s17+s1] =	stream.linear.scatter [tilespmem:s15], [sflag:$0x2], $0x2800, $0x38;
	[tilespmem:$0x7000] =	vst v63  }
0x43: {  	_ =	swait.ge [sflag:s10], $0x2800  }
0x44: {  	[sflag:s10] =	ssyncset.done $0x0  }
0x45: {  	[sflag:s10] =	ssyncadd.s32 $0xFFFFD800  }
0x46: {  	_ =	sfence.sel $0x180000  }
0x47: {  	[bflag:$0x0] =	sbarrier.arrive $0xFFFF  }
0x48: {  	p0 =	sne.s32 s2, $0x0;
	_ =	strace $0x9000004D  }
0x49: {  	s0 =	sadd.s32 @!p0 $0x100000, s0;
	[bflag:$0x2] =	sbarrier.arrive $0xFFFF  }
0x4a: {  	[sflag:s0] =	ssyncadd.tile.s32 @!p0 $0x1;
	_ =	shalt  }
.Lfunc_end2:
_tile_overlayer_lowered:
.L_overlay_start_2:
0x4b: {  	(tag) =	ssettag $0x2  }
0x4c: {  	s0 =	rddreg [dreg:$0x0];
	s2 =	stileid.u32  }
0x4d: {  	s1 =	rddreg [dreg:$0x1];
	p0 =	sne.s32 s2, $0x0  }
0x4e: {  	s3 =	rddreg [dreg:$0x2];
	[bflag:$0x3] =	sbarrier.arrive $0xFFFF;
	s2 =	simm.s32 @!p0 $0x1C02  }
0x4f: {  	[timem:s3], [sflag:s2] =	dma.local @!p0 [hbm:s0], s1  }
0x50: {  	s0 =	simm.s32 @!p0 $0x2  }
0x51: {  	_ =	swait.ge @!p0 [sflag:s0], s1  }
0x52: {  	s1 =	ssub.s32 @!p0 $0x0, s1;
	[sflag:s0] =	ssyncset.done @!p0 $0x0  }
0x53: {  	[sflag:s0] =	ssyncadd.s32 @!p0 s1  }
0x54: {  	[bflag:$0x3] =	sbarrier.arrive $0xFFFF  }
0x55: {  	_ =	shalt  }

// kernel: kernel.24.cloned.1.call-start
scs
__scs_entry_jumppad:
0x0: {  	(pc) =	sbr.rel $0x88, $3  }
0x1: {  	(tag) =	ssettag $0x0;
	lr =	simm.s32 $0x1  }
0x2: {  	[smem:$0x3F86] =	sst lr;
	_ =	strace $0xD0000000  }
0x3: {  	_ = 	snop  }
0x4: {  	_ = 	snop  }
0x5: {  	_ = 	snop  }
0x6: {  	_ = 	snop  }
0x7: {  	_ = 	snop  }
__scs_overlays_trampoline_lowered:
0x8: {  	[smem:$0x3F95] =	sst s0  }
0x9: {  	[smem:$0x3F96] =	sst s1  }
0xa: {  	[smem:$0x3F97] =	sst s2  }
0xb: {  	[smem:$0x3F98] =	sst s3  }
0xc: {  	[smem:$0x3F99] =	sst s4  }
0xd: {  	[smem:$0x3F9A] =	sst s5  }
0xe: {  	[smem:$0x3F9B] =	sst s6  }
0xf: {  	[smem:$0x3F9C] =	sst s7  }
0x10: {  	[smem:$0x3F9D] =	sst s8  }
0x11: {  	[smem:$0x3F9E] =	sst s9;
	s0 =	simm.s32 @!p0 $0x0  }
0x12: {  	s1 =	sld [smem:$0x3F84];
	s0 =	simm.s32 @p0 $0x1  }
0x13: {  	[smem:$0x3F9F] =	sst s0;
	s0 =	simm.s32 @!p1 $0x0  }
0x14: {  	s2 =	sld [smem:$0x3F83];
	s0 =	simm.s32 @p1 $0x1  }
0x15: {  	[smem:$0x3FA0] =	sst s0;
	s0 =	simm.s32 @!p2 $0x0  }
0x16: {  	s3 =	sld [smem:$0x3FDB];
	s0 =	simm.s32 @p2 $0x1  }
0x17: {  	s4 =	simm.s32 $0x1BF5;
	[smem:$0x3FA2] =	sst s0  }
0x18: {  	s0 =	sld [smem:$0x3F85];
	_ =	swait.ge [sflag:s4], $0x0  }
0x19: {  	s7 =	sld [smem:$0x3F86]  }
0x1a: {  	s8 =	sadd.s32 $0xFFFFE003, lr  }
0x1b: {  	s9 =	sadd.s32 $0xFFFFFEF7, lr;
	s5 =	simm.s32 $0xFFFFFFFF;
	p2 =	slt.u32 s8, $0xFFFFF086  }
0x1c: {  	p1 =	slt.u32 s9, $0xF7A;
	s5 =	simm.s32 @!p2 $0x0  }
0x1d: {  	s5 =	simm.s32 @p1 $0x1;
	p0 =	seq.s32 s7, s2  }
0x1e: {  	s7 =	smul.u32 @!p0 $0xF7A, s2;
	p2 =	seq.s32 @!p0 s5, $0x0  }
0x1f: {  	s9 =	smul.u32 $0xF7A, s1;
	s8 =	simm.s32 @!p0 $0x1BF5;
	p2 =	por !p2, p0  }
0x20: {  	[sflag:s8] =	ssyncset.s32 @!p0 $0xFFFFF086;
	s6 =	sadd.s32 @!p0 s3, s7;
	s7 =	simm.s32 @!p0 $0x108  }
0x21: {  	s3 =	sadd.s32 s3, s9;
	s6 =	sadd.s32 @!p0 $0x88, s6;
	s7 =	simm.s32 @p2 $0x1082  }
0x22: {  	[simem:s7], [sflag:s8] =	dma.local @!p0 [hbm:s6], $0xF7A  }
0x23: {  	s9 =	sor.u32 $0xD0000000, s2;
	s6 =	simm.s32 $0x108;
	_ =	swait.ge @!p0 [sflag:s8], $0x0  }
0x24: {  	s3 =	sadd.s32 $0x88, s3;
	s6 =	simm.s32 @!p1 $0x1082;
	[sflag:s4] =	ssyncset.s32 $0xFFFFF086  }
0x25: {  	[simem:s6], [sflag:s4] =	dma.local [hbm:s3], $0xF7A  }
0x26: {  	[smem:$0x3F86] =	sst s1;
	(tag) =	ssettag s2;
	_ =	strace s9  }
0x27: {  	s1 =	sld [smem:$0x3F96]  }
0x28: {  	s2 =	sld [smem:$0x3F97]  }
0x29: {  	s4 =	sld [smem:$0x3F99]  }
0x2a: {  	p0 =	seq.s32 s5, $0x0;
	s5 =	sld [smem:$0x3F9A]  }
0x2b: {  	s6 =	sld [smem:$0x3F9B]  }
0x2c: {  	s7 =	sld [smem:$0x3F9C]  }
0x2d: {  	s3 =	simm.s32 $0x108;
	s8 =	sld [smem:$0x3F9D]  }
0x2e: {  	s3 =	simm.s32 @!p0 $0x1082;
	s9 =	sld [smem:$0x3F9E]  }
0x2f: {  	lr =	sadd.s32 s0, s3;
	s0 =	sld [smem:$0x3F95]  }
0x30: {  	s3 =	sld [smem:$0x3F98]  }
0x31: {  	[smem:$0x3FA1] =	sst s10  }
0x32: {  	s10 =	sld [smem:$0x3F9F];
	_ =	sdelay $0x3  }
0x33: {  	p0 =	seq.s32 s10, $0x1;
	s10 =	sld [smem:$0x3FA1];
	_ =	sdelay $0x3  }
0x34: {  	[smem:$0x3FA1] =	sst s10  }
0x35: {  	s10 =	sld [smem:$0x3FA0];
	_ =	sdelay $0x3  }
0x36: {  	p1 =	seq.s32 s10, $0x1;
	s10 =	sld [smem:$0x3FA1];
	_ =	sdelay $0x3  }
0x37: {  	[smem:$0x3FA1] =	sst s10  }
0x38: {  	s10 =	sld [smem:$0x3FA2]  }
0x39: {  	_ = 	snop;
	(pc) =	sbr.ind lr, $3  }
0x3a: {  	_ = 	snop  }
0x3b: {  	_ = 	snop  }
0x3c: {  	p2 =	seq.s32 s10, $0x1;
	s10 =	sld [smem:$0x3FA1]  }
0x3d: {  	_ =	shalt  }
0x3e: {  	_ =	shalt  }
0x3f: {  	_ =	shalt  }
0x40: {  	_ =	shalt  }
0x41: {  	_ =	shalt  }
0x42: {  	_ =	shalt  }
0x43: {  	_ =	shalt  }
0x44: {  	_ =	shalt  }
0x45: {  	_ =	shalt  }
0x46: {  	_ =	shalt  }
0x47: {  	_ =	shalt  }
0x48: {  	_ =	shalt  }
0x49: {  	_ =	shalt  }
0x4a: {  	_ =	shalt  }
0x4b: {  	_ =	shalt  }
0x4c: {  	_ =	shalt  }
0x4d: {  	_ =	shalt  }
0x4e: {  	_ =	shalt  }
0x4f: {  	_ =	shalt  }
0x50: {  	_ =	shalt  }
0x51: {  	_ =	shalt  }
0x52: {  	_ =	shalt  }
0x53: {  	_ =	shalt  }
0x54: {  	_ =	shalt  }
0x55: {  	_ =	shalt  }
0x56: {  	_ =	shalt  }
0x57: {  	_ =	shalt  }
0x58: {  	_ =	shalt  }
0x59: {  	_ =	shalt  }
0x5a: {  	_ =	shalt  }
0x5b: {  	_ =	shalt  }
0x5c: {  	_ =	shalt  }
0x5d: {  	_ =	shalt  }
0x5e: {  	_ =	shalt  }
0x5f: {  	_ =	shalt  }
0x60: {  	_ =	shalt  }
0x61: {  	_ =	shalt  }
0x62: {  	_ =	shalt  }
0x63: {  	_ =	shalt  }
0x64: {  	_ =	shalt  }
0x65: {  	_ =	shalt  }
0x66: {  	_ =	shalt  }
0x67: {  	_ =	shalt  }
0x68: {  	_ =	shalt  }
0x69: {  	_ =	shalt  }
0x6a: {  	_ =	shalt  }
0x6b: {  	_ =	shalt  }
0x6c: {  	_ =	shalt  }
0x6d: {  	_ =	shalt  }
0x6e: {  	_ =	shalt  }
0x6f: {  	_ =	shalt  }
0x70: {  	_ =	shalt  }
0x71: {  	_ =	shalt  }
0x72: {  	_ =	shalt  }
0x73: {  	_ =	shalt  }
0x74: {  	_ =	shalt  }
0x75: {  	_ =	shalt  }
0x76: {  	_ =	shalt  }
0x77: {  	_ =	shalt  }
0x78: {  	_ =	shalt  }
0x79: {  	_ =	shalt  }
0x7a: {  	_ =	shalt  }
0x7b: {  	_ =	shalt  }
0x7c: {  	_ =	shalt  }
0x7d: {  	_ =	shalt  }
0x7e: {  	_ =	shalt  }
0x7f: {  	_ =	shalt  }
0x80: {  	_ =	shalt  }
0x81: {  	_ =	shalt  }
0x82: {  	_ =	shalt  }
0x83: {  	_ =	shalt  }
0x84: {  	_ =	shalt  }
0x85: {  	_ =	shalt  }
0x86: {  	_ =	shalt  }
0x87: {  	_ =	shalt  }
.Lfunc_end0:
.L_simem_size_0:
called_computation.3_lowered:
.L_overlay_start_0:
0x88: {  	s2 =	sld [smem:$0x3FD9]  }
0x89: {  	s3 =	sld [smem:$0x3FFE];
	_ =	sdelay $0x1  }
0x8a: {  	s1 =	srdreg.scid  }
0x8b: {  	s0 =	sand.u32 $0x1, s1  }
0x8c: {  	s17 =	sshll.u32 s0, $0xA;
	s2 =	sadd.s32 s3, s2  }
0x8d: {  	s2 =	sadd.s32 s2, s17  }
0x8e: {  	[smem:$0x3FAD] =	sst s2  }
0x8f: {  	_ = 	snop  }
0x90: {  	(tm) =	ssettm $0x1  }
0x91: {  	s18 =	sld [smem:$0x3FFB];
	_ =	sdelay $0x3  }
0x92: {  	_ =	strace s18  }
0x93: {  	s2 =	sld [smem:$0x3FFC];
	_ =	sdelay $0x3  }
0x94: {  	_ =	strace s2  }
0x95: {  	s2 =	sld [smem:$0x3FFD];
	_ =	sdelay $0x3  }
0x96: {  	_ =	strace s2  }
0x97: {  	_ =	strace $0x8FFFFFFF  }
0x98: {  	s19 =	sld [smem:$0x3FDB];
	_ =	sdelay $0x1  }
0x99: {  	s20 =	simm.s32 $_scs_section_size  }
0x9a: {  	s4 =	simm.s32 $_size__tile_overlayer_lowered;
	s5 =	simm.s32 $_tile_overlayer_lowered  }
0x9b: {  	s6 =	simm.s32 $0x1BFF;
	s21 =	sshll.u32 s5, $0x1;
	s3 =	sadd.s32 s20, s19  }
0x9c: {  	s22 =	simm.s32 $0x0;
	s4 =	sshll.u32 s4, $0x1;
	s5 =	sadd.s32 s21, s3  }
0x9d: {  	[timem:s22], [sflag:s6] =	dma.local [hbm:s5], s4  }
0x9e: {  	_ =	swait.ge [sflag:s6], s4  }
0x9f: {  	s4 =	ssub.s32 $0x0, s4;
	[sflag:s6] =	ssyncset.done $0x0  }
0xa0: {  	[sflag:s6] =	ssyncadd.s32 s4;
	_ =	sdelay $0x1  }
0xa1: {  	s23 =	simm.s32 $0x1B8B  }
0xa2: {  	_ =	swait.ge [sflag:s23], $0x1  }
0xa3: {  	[sflag:s23] =	ssyncset.done $0x0  }
0xa4: {  	[sflag:s23] =	ssyncadd.s32 $0xFFFFFFFF  }
0xa5: {  	s4 =	sld [smem:$0x0]  }
0xa6: {  	s5 =	sand.u32 $0xFFFFFFFE, s1  }
0xa7: {  	p0 =	sne.s32 s1, s5  }
0xa8: {  	s5 =	sshll.u32 @p0 s5, $0xE  }
0xa9: {  	s5 =	sadd.s32 @p0 $0x11B8D, s5;
	s6 =	sshll.u32 @p0 s4, $0x11  }
0xaa: {  	s5 =	sor.u32 @p0 s6, s5  }
0xab: {  	[sflag:s5] =	ssyncadd.remote.s32 @p0 $0x1;
	_ =	sdelay $0x1  }
0xac: {  	s5 =	simm.s32 @p0 $0x1B8D  }
0xad: {  	_ =	swait.eq @p0 [sflag:s5], $0x1  }
0xae: {  	[sflag:s5] =	ssyncadd.s32 @p0 $0xFFFFFFFF  }
0xaf: {  	s6 =	sshll.u32 @!p0 s1, $0xE  }
0xb0: {  	s6 =	sor.u32 @!p0 $0x4000, s6;
	s5 =	simm.s32 @!p0 $0x1B8D  }
0xb1: {  	s4 =	sshll.u32 @!p0 s4, $0x11;
	s6 =	sadd.s32 @!p0 $0x11B8D, s6;
	_ =	swait.eq @!p0 [sflag:s5], $0x1  }
0xb2: {  	s4 =	sor.u32 @!p0 s4, s6;
	[sflag:s5] =	ssyncadd.s32 @!p0 $0xFFFFFFFF  }
0xb3: {  	s25 =	simm.s32 $0x1B8E;
	s24 =	sld [smem:$0x3FFE];
	[sflag:s4] =	ssyncadd.remote.s32 @!p0 $0x1  }
0xb4: {  	s26 =	simm.s32 $execute0_lowered;
	[smem:$0x3FD2] =	sst s25  }
0xb5: {  	s5 =	sshll.u32 s26, $0x1;
	_ =	strace $0x8000004F;
	[dreg:$0x1] =	wrdreg $0xFFFFFFFF  }
0xb6: {  	s28 =	simm.s32 $_size_execute0_lowered;
	s3 =	sadd.s32 s3, s5;
	[dreg:$0x0] =	wrdreg $0x0  }
0xb7: {  	s5 =	sshll.u32 s28, $0x1;
	[dreg:$0x2] =	wrdreg s3  }
0xb8: {  	[dreg:$0x3] =	wrdreg s5  }
0xb9: {  	[dreg:$0x4] =	wrdreg $0xC0  }
0xba: {  	_ =	task [dreg:s22], $0x5FFFF  }
0xbb: {  	[dreg:$0x1] =	wrdreg $0xFFFFFFFF  }
0xbc: {  	[dreg:$0x0] =	wrdreg $0x60  }
0xbd: {  	[dreg:$0x2] =	wrdreg s24  }
0xbe: {  	[dreg:$0x3] =	wrdreg $0xC  }
0xbf: {  	_ =	task.clear_ibuf [dreg:s22], $0x4FFFF;
	_ =	strace $0x9000004F  }
0xc0: {  	s29 =	simm.s32 $0xC;
	_ =	strace $0x80000051  }
0xc1: {  	_ =	swait.ge [sflag:s29], $0x1  }
0xc2: {  	[sflag:s29] =	ssyncadd.s32 $0xFFFFFFFF  }
0xc3: {  	_ =	strace $0x90000051  }
0xc4: {  	_ =	sfence  }
0xc5: {  	s30 =	sld [smem:$0x0];
	_ =	sdelay $0x2  }
0xc6: {  	s31 =	sshll.u32 s1, $0xD;
	s1 =	sshrl.u32 s1, $0x2  }
0xc7: {  	s4 =	sand.u32 $0x4000, s31;
	s1 =	sadd.s32 s1, s30  }
0xc8: {  	s0 =	sor.u32 s4, s0;
	s1 =	sshll.u32 s1, $0x11  }
0xc9: {  	s0 =	sor.u32 s1, s0  }
0xca: {  	s0 =	sadd.s32 $0x8F2B, s0  }
0xcb: {  	[sflag:s0] =	ssyncadd.remote.s32 $0x1  }
0xcc: {  	_ =	sfence.sel $0xFFFF  }
0xcd: {  	[dreg:$0x0] =	wrdreg $0xFFFFFFFF;
	(pc) =	sbr.abs _section_cstart, $3  }
0xce: {  	[dreg:$0x1] =	wrdreg $0xFFFFFFFF  }
0xcf: {  	_ =	task.clear_ibuf [dreg:s22], $0x2FFFF;
	_ =	strace $0x9FFFFFFF  }
0xd0: {  	(tm) =	ssettm $0x7FFFFFFF  }
0xd1: {  	_ =	shalt  }
tec
execute0_lowered:
.L_overlay_start_1:
0x0: {  	(tag) =	ssettag $0x1  }
0x1: {  	s5 =	rddreg [dreg:$0x0]  }
0x2: {  	s0 =	rddreg [dreg:$0x1];
	s1 =	simm.s32 $0x0  }
0x3: {  	s4 =	srdreg.scid;
	s2 =	stileid.u32;
	s12 =	simm.s32 $0x50  }
0x4: {  	s13 =	simm.s32 $0x2000;
	s14 =	simm.s32 $0x1;
	s15 =	simm.s32 $0x4800  }
0x5: {  	s16 =	simm.s32 $0x0;
	[smem:$0x7FF] =	sst s1;
	s3 =	sadd.s32 $0x20C00, s5  }
0x6: {  	s6 =	sand.u32 $0x1, s4;
	s4 =	sadd.s32 $0x48C00, s5;
	s7 =	sshll.u32 s2, $0xA  }
0x7: {  	s30 =	smul.u32 $0xFA00, s2;
	_ =	strace $0x80000050;
	s8 =	sshll.u32 s6, $0x9  }
0x8: {  	s9 =	ssub.s32 $0x2, s6;
	s11 =	smul.u32 $0x7D00, s6;
	s7 =	sor.u32 s8, s7  }
0x9: {  	s10 =	sshrl.u32 s9, $0x1;
	s8 =	sadd.s32 s30, s5;
	s7 =	sadd.s32 s7, s5  }
0xa: {  	s9 =	ssub.s32 s9, s10;
	s31 =	sadd.s32 s11, s8;
	s10 =	simm.s32 $0x2  }
0xb: {  	s11 =	simm.s32 $0x1000;
	s5 =	sadd.s32 $0x14C00, s7;
	s6 =	sadd.s32 $0x10C00, s7  }
0xc: {  	s7 =	smax.u32 s9, $0x1;
	s8 =	sadd.s32 $0x67D200, s31;
	s9 =	sadd.s32 $0x777200, s31  }
.LBB2_1:
0xd: {  	[tilespmem:s1], [sflag:$0x2] =	stream.linear.gather [hbm4b:s5+s1], $0xC80, $0x38;
	[tilespmem:$0x7000] =	vst v63  }
0xe: {  	_ =	swait.ge [sflag:s10], $0xC80  }
0xf: {  	[sflag:s10] =	ssyncset.done $0x0  }
0x10: {  	[sflag:s10] =	ssyncadd.s32 $0xFFFFF380  }
0x11: {  	[tilespmem:s11], [sflag:$0x2] =	stream.linear.gather [hbm4b:s6+s1], $0xC80, $0x38;
	[tilespmem:$0x7000] =	vst v63  }
0x12: {  	_ =	swait.ge [sflag:s10], $0xC80  }
0x13: {  	[sflag:s10] =	ssyncset.done $0x0  }
0x14: {  	s17 =	simm.s32 $0x0;
	[sflag:s10] =	ssyncadd.s32 $0xFFFFF380  }
0x15: {  	[tilespmem:s13], [sflag:$0x1] =	stream.indirect.gather [hbm4b:s3+s12], $0x80, s17, s12, $0xb8;
	[tilespmem:$0x7000] =	vst v63  }
0x16: {  	_ =	swait.ge [sflag:s14], $0x2800  }
0x17: {  	[sflag:s14] =	ssyncset.done $0x0  }
0x18: {  	s31 =	simm.s32 $0x1000;
	[sflag:s14] =	ssyncadd.s32 $0xFFFFD800  }
0x19: {  	[tilespmem:s15], [sflag:$0x1] =	stream.indirect.gather [hbm4b:s4+s12], $0x80, s31, s12, $0xb8;
	[tilespmem:$0x7000] =	vst v63  }
0x1a: {  	_ =	swait.ge [sflag:s14], $0x2800  }
0x1b: {  	[sflag:s14] =	ssyncset.done $0x0  }
0x1c: {  	[sflag:s14] =	ssyncadd.s32 $0xFFFFD800  }
0x1d: {  	[hbm4b:s8+s1] =	stream.linear.scatter [tilespmem:s13], [sflag:$0x2], $0x2800, $0x38;
	[tilespmem:$0x7000] =	vst v63  }
0x1e: {  	_ =	swait.ge [sflag:s10], $0x2800  }
0x1f: {  	[sflag:s10] =	ssyncset.done $0x0  }
0x20: {  	[sflag:s10] =	ssyncadd.s32 $0xFFFFD800  }
0x21: {  	[hbm4b:s9+s1] =	stream.linear.scatter [tilespmem:s15], [sflag:$0x2], $0x2800, $0x38;
	[tilespmem:$0x7000] =	vst v63  }
0x22: {  	s19 =	simm.s32 $0x200;
	s20 =	simm.s32 $0x400;
	_ =	swait.ge [sflag:s10], $0x2800  }
0x23: {  	s18 =	sadd.s32 $0x500, s8;
	s17 =	sadd.s32 $0x500, s9;
	[sflag:s10] =	ssyncset.done $0x0  }
.LBB2_2:
0x24: {  	s21 =	sshra.s32 s19, $0x2  }
0x25: {  	[sflag:s10] =	ssyncadd.s32 $0xFFFFD800;
	s19 =	smov.u32 s20;
	s22 =	sadd.s32 $0x200, s20  }
0x26: {  	[tilespmem:s13], [sflag:$0x1] =	stream.indirect.gather [hbm4b:s3+s12], $0x80, s21, s12, $0xb8;
	[tilespmem:$0x7000] =	vst v63  }
0x27: {  	p0 =	sne.s32 s20, $0x3000;
	_ =	swait.ge [sflag:s14], $0x2800  }
0x28: {  	[sflag:s14] =	ssyncset.done $0x0  }
0x29: {  	s20 =	sadd.s32 $0x1000, s21;
	[sflag:s14] =	ssyncadd.s32 $0xFFFFD800  }
0x2a: {  	[tilespmem:s15], [sflag:$0x1] =	stream.indirect.gather [hbm4b:s4+s12], $0x80, s20, s12, $0xb8;
	[tilespmem:$0x7000] =	vst v63  }
0x2b: {  	_ =	swait.ge [sflag:s14], $0x2800  }
0x2c: {  	[sflag:s14] =	ssyncset.done $0x0  }
0x2d: {  	[sflag:s14] =	ssyncadd.s32 $0xFFFFD800  }
0x2e: {  	[hbm4b:s18+s1] =	stream.linear.scatter [tilespmem:s13], [sflag:$0x2], $0x2800, $0x38;
	[tilespmem:$0x7000] =	vst v63  }
0x2f: {  	_ =	swait.ge [sflag:s10], $0x2800  }
.Ltmp0:
0x30: {  	[sflag:s10] =	ssyncset.done $0x0;
	(pc) =	sbr.rel @p0 .LBB2_2-.Ltmp0, $4  }
0x31: {  	[sflag:s10] =	ssyncadd.s32 $0xFFFFD800  }
0x32: {  	[hbm4b:s17+s1] =	stream.linear.scatter [tilespmem:s15], [sflag:$0x2], $0x2800, $0x38;
	[tilespmem:$0x7000] =	vst v63  }
0x33: {  	s20 =	smov.u32 s22;
	_ =	swait.ge [sflag:s10], $0x2800  }
0x34: {  	s18 =	sadd.s32 $0x500, s18;
	s17 =	sadd.s32 $0x500, s17;
	[sflag:s10] =	ssyncset.done $0x0  }
0x35: {  	s19 =	sshra.s32 s19, $0x2;
	[sflag:s10] =	ssyncadd.s32 $0xFFFFD800  }
0x36: {  	[tilespmem:s13], [sflag:$0x1] =	stream.indirect.gather [hbm4b:s3+s12], $0x80, s19, s12, $0xb8;
	[tilespmem:$0x7000] =	vst v63  }
0x37: {  	_ =	swait.ge [sflag:s14], $0x2800  }
0x38: {  	[sflag:s14] =	ssyncset.done $0x0  }
0x39: {  	s19 =	sadd.s32 $0x1000, s19;
	[sflag:s14] =	ssyncadd.s32 $0xFFFFD800  }
0x3a: {  	[tilespmem:s15], [sflag:$0x1] =	stream.indirect.gather [hbm4b:s4+s12], $0x80, s19, s12, $0xb8;
	[tilespmem:$0x7000] =	vst v63  }
0x3b: {  	_ =	swait.ge [sflag:s14], $0x2800  }
0x3c: {  	[sflag:s14] =	ssyncset.done $0x0  }
0x3d: {  	[sflag:s14] =	ssyncadd.s32 $0xFFFFD800  }
0x3e: {  	[hbm4b:s18+s1] =	stream.linear.scatter [tilespmem:s13], [sflag:$0x2], $0x2800, $0x38;
	[tilespmem:$0x7000] =	vst v63  }
0x3f: {  	s16 =	sadd.s32 $0x1, s16;
	_ =	swait.ge [sflag:s10], $0x2800  }
0x40: {  	p0 =	sne.s32 s16, s7;
	[sflag:s10] =	ssyncset.done $0x0  }
.Ltmp1:
0x41: {  	[sflag:s10] =	ssyncadd.s32 $0xFFFFD800;
	(pc) =	sbr.rel @p0 .LBB2_1-.Ltmp1, $4  }
0x42: {  	[hbm4b:s17+s1] =	stream.linear.scatter [tilespmem:s15], [sflag:$0x2], $0x2800, $0x38;
	[tilespmem:$0x7000] =	vst v63  }
0x43: {  	_ =	swait.ge [sflag:s10], $0x2800  }
0x44: {  	[sflag:s10] =	ssyncset.done $0x0  }
0x45: {  	[sflag:s10] =	ssyncadd.s32 $0xFFFFD800  }
0x46: {  	_ =	sfence.sel $0x180000  }
0x47: {  	[bflag:$0x0] =	sbarrier.arrive $0xFFFF  }
0x48: {  	p0 =	sne.s32 s2, $0x0;
	_ =	strace $0x90000050  }
0x49: {  	s0 =	sadd.s32 @!p0 $0x100000, s0;
	[bflag:$0x2] =	sbarrier.arrive $0xFFFF  }
0x4a: {  	[sflag:s0] =	ssyncadd.tile.s32 @!p0 $0x1;
	_ =	shalt  }
.Lfunc_end2:
_tile_overlayer_lowered:
.L_overlay_start_2:
0x4b: {  	(tag) =	ssettag $0x2  }
0x4c: {  	s0 =	rddreg [dreg:$0x0];
	s2 =	stileid.u32  }
0x4d: {  	s1 =	rddreg [dreg:$0x1];
	p0 =	sne.s32 s2, $0x0  }
0x4e: {  	s3 =	rddreg [dreg:$0x2];
	[bflag:$0x3] =	sbarrier.arrive $0xFFFF;
	s2 =	simm.s32 @!p0 $0x1C02  }
0x4f: {  	[timem:s3], [sflag:s2] =	dma.local @!p0 [hbm:s0], s1  }
0x50: {  	s0 =	simm.s32 @!p0 $0x2  }
0x51: {  	_ =	swait.ge @!p0 [sflag:s0], s1  }
0x52: {  	s1 =	ssub.s32 @!p0 $0x0, s1;
	[sflag:s0] =	ssyncset.done @!p0 $0x0  }
0x53: {  	[sflag:s0] =	ssyncadd.s32 @!p0 s1  }
0x54: {  	[bflag:$0x3] =	sbarrier.arrive $0xFFFF  }
0x55: {  	_ =	shalt  }

// kernel: kernel.27.cloned.1.call-start
scs
__scs_entry_jumppad:
0x0: {  	(pc) =	sbr.rel $0x88, $3  }
0x1: {  	(tag) =	ssettag $0x0;
	lr =	simm.s32 $0x1  }
0x2: {  	[smem:$0x3F86] =	sst lr;
	_ =	strace $0xD0000000  }
0x3: {  	_ = 	snop  }
0x4: {  	_ = 	snop  }
0x5: {  	_ = 	snop  }
0x6: {  	_ = 	snop  }
0x7: {  	_ = 	snop  }
__scs_overlays_trampoline_lowered:
0x8: {  	[smem:$0x3F95] =	sst s0  }
0x9: {  	[smem:$0x3F96] =	sst s1  }
0xa: {  	[smem:$0x3F97] =	sst s2  }
0xb: {  	[smem:$0x3F98] =	sst s3  }
0xc: {  	[smem:$0x3F99] =	sst s4  }
0xd: {  	[smem:$0x3F9A] =	sst s5  }
0xe: {  	[smem:$0x3F9B] =	sst s6  }
0xf: {  	[smem:$0x3F9C] =	sst s7  }
0x10: {  	[smem:$0x3F9D] =	sst s8  }
0x11: {  	[smem:$0x3F9E] =	sst s9;
	s0 =	simm.s32 @!p0 $0x0  }
0x12: {  	s1 =	sld [smem:$0x3F84];
	s0 =	simm.s32 @p0 $0x1  }
0x13: {  	[smem:$0x3F9F] =	sst s0;
	s0 =	simm.s32 @!p1 $0x0  }
0x14: {  	s2 =	sld [smem:$0x3F83];
	s0 =	simm.s32 @p1 $0x1  }
0x15: {  	[smem:$0x3FA0] =	sst s0;
	s0 =	simm.s32 @!p2 $0x0  }
0x16: {  	s3 =	sld [smem:$0x3FDB];
	s0 =	simm.s32 @p2 $0x1  }
0x17: {  	s4 =	simm.s32 $0x1BF5;
	[smem:$0x3FA2] =	sst s0  }
0x18: {  	s0 =	sld [smem:$0x3F85];
	_ =	swait.ge [sflag:s4], $0x0  }
0x19: {  	s7 =	sld [smem:$0x3F86]  }
0x1a: {  	s8 =	sadd.s32 $0xFFFFE003, lr  }
0x1b: {  	s9 =	sadd.s32 $0xFFFFFEF7, lr;
	s5 =	simm.s32 $0xFFFFFFFF;
	p2 =	slt.u32 s8, $0xFFFFF086  }
0x1c: {  	p1 =	slt.u32 s9, $0xF7A;
	s5 =	simm.s32 @!p2 $0x0  }
0x1d: {  	s5 =	simm.s32 @p1 $0x1;
	p0 =	seq.s32 s7, s2  }
0x1e: {  	s7 =	smul.u32 @!p0 $0xF7A, s2;
	p2 =	seq.s32 @!p0 s5, $0x0  }
0x1f: {  	s9 =	smul.u32 $0xF7A, s1;
	s8 =	simm.s32 @!p0 $0x1BF5;
	p2 =	por !p2, p0  }
0x20: {  	[sflag:s8] =	ssyncset.s32 @!p0 $0xFFFFF086;
	s6 =	sadd.s32 @!p0 s3, s7;
	s7 =	simm.s32 @!p0 $0x108  }
0x21: {  	s3 =	sadd.s32 s3, s9;
	s6 =	sadd.s32 @!p0 $0x88, s6;
	s7 =	simm.s32 @p2 $0x1082  }
0x22: {  	[simem:s7], [sflag:s8] =	dma.local @!p0 [hbm:s6], $0xF7A  }
0x23: {  	s9 =	sor.u32 $0xD0000000, s2;
	s6 =	simm.s32 $0x108;
	_ =	swait.ge @!p0 [sflag:s8], $0x0  }
0x24: {  	s3 =	sadd.s32 $0x88, s3;
	s6 =	simm.s32 @!p1 $0x1082;
	[sflag:s4] =	ssyncset.s32 $0xFFFFF086  }
0x25: {  	[simem:s6], [sflag:s4] =	dma.local [hbm:s3], $0xF7A  }
0x26: {  	[smem:$0x3F86] =	sst s1;
	(tag) =	ssettag s2;
	_ =	strace s9  }
0x27: {  	s1 =	sld [smem:$0x3F96]  }
0x28: {  	s2 =	sld [smem:$0x3F97]  }
0x29: {  	s4 =	sld [smem:$0x3F99]  }
0x2a: {  	p0 =	seq.s32 s5, $0x0;
	s5 =	sld [smem:$0x3F9A]  }
0x2b: {  	s6 =	sld [smem:$0x3F9B]  }
0x2c: {  	s7 =	sld [smem:$0x3F9C]  }
0x2d: {  	s3 =	simm.s32 $0x108;
	s8 =	sld [smem:$0x3F9D]  }
0x2e: {  	s3 =	simm.s32 @!p0 $0x1082;
	s9 =	sld [smem:$0x3F9E]  }
0x2f: {  	lr =	sadd.s32 s0, s3;
	s0 =	sld [smem:$0x3F95]  }
0x30: {  	s3 =	sld [smem:$0x3F98]  }
0x31: {  	[smem:$0x3FA1] =	sst s10  }
0x32: {  	s10 =	sld [smem:$0x3F9F];
	_ =	sdelay $0x3  }
0x33: {  	p0 =	seq.s32 s10, $0x1;
	s10 =	sld [smem:$0x3FA1];
	_ =	sdelay $0x3  }
0x34: {  	[smem:$0x3FA1] =	sst s10  }
0x35: {  	s10 =	sld [smem:$0x3FA0];
	_ =	sdelay $0x3  }
0x36: {  	p1 =	seq.s32 s10, $0x1;
	s10 =	sld [smem:$0x3FA1];
	_ =	sdelay $0x3  }
0x37: {  	[smem:$0x3FA1] =	sst s10  }
0x38: {  	s10 =	sld [smem:$0x3FA2]  }
0x39: {  	_ = 	snop;
	(pc) =	sbr.ind lr, $3  }
0x3a: {  	_ = 	snop  }
0x3b: {  	_ = 	snop  }
0x3c: {  	p2 =	seq.s32 s10, $0x1;
	s10 =	sld [smem:$0x3FA1]  }
0x3d: {  	_ =	shalt  }
0x3e: {  	_ =	shalt  }
0x3f: {  	_ =	shalt  }
0x40: {  	_ =	shalt  }
0x41: {  	_ =	shalt  }
0x42: {  	_ =	shalt  }
0x43: {  	_ =	shalt  }
0x44: {  	_ =	shalt  }
0x45: {  	_ =	shalt  }
0x46: {  	_ =	shalt  }
0x47: {  	_ =	shalt  }
0x48: {  	_ =	shalt  }
0x49: {  	_ =	shalt  }
0x4a: {  	_ =	shalt  }
0x4b: {  	_ =	shalt  }
0x4c: {  	_ =	shalt  }
0x4d: {  	_ =	shalt  }
0x4e: {  	_ =	shalt  }
0x4f: {  	_ =	shalt  }
0x50: {  	_ =	shalt  }
0x51: {  	_ =	shalt  }
0x52: {  	_ =	shalt  }
0x53: {  	_ =	shalt  }
0x54: {  	_ =	shalt  }
0x55: {  	_ =	shalt  }
0x56: {  	_ =	shalt  }
0x57: {  	_ =	shalt  }
0x58: {  	_ =	shalt  }
0x59: {  	_ =	shalt  }
0x5a: {  	_ =	shalt  }
0x5b: {  	_ =	shalt  }
0x5c: {  	_ =	shalt  }
0x5d: {  	_ =	shalt  }
0x5e: {  	_ =	shalt  }
0x5f: {  	_ =	shalt  }
0x60: {  	_ =	shalt  }
0x61: {  	_ =	shalt  }
0x62: {  	_ =	shalt  }
0x63: {  	_ =	shalt  }
0x64: {  	_ =	shalt  }
0x65: {  	_ =	shalt  }
0x66: {  	_ =	shalt  }
0x67: {  	_ =	shalt  }
0x68: {  	_ =	shalt  }
0x69: {  	_ =	shalt  }
0x6a: {  	_ =	shalt  }
0x6b: {  	_ =	shalt  }
0x6c: {  	_ =	shalt  }
0x6d: {  	_ =	shalt  }
0x6e: {  	_ =	shalt  }
0x6f: {  	_ =	shalt  }
0x70: {  	_ =	shalt  }
0x71: {  	_ =	shalt  }
0x72: {  	_ =	shalt  }
0x73: {  	_ =	shalt  }
0x74: {  	_ =	shalt  }
0x75: {  	_ =	shalt  }
0x76: {  	_ =	shalt  }
0x77: {  	_ =	shalt  }
0x78: {  	_ =	shalt  }
0x79: {  	_ =	shalt  }
0x7a: {  	_ =	shalt  }
0x7b: {  	_ =	shalt  }
0x7c: {  	_ =	shalt  }
0x7d: {  	_ =	shalt  }
0x7e: {  	_ =	shalt  }
0x7f: {  	_ =	shalt  }
0x80: {  	_ =	shalt  }
0x81: {  	_ =	shalt  }
0x82: {  	_ =	shalt  }
0x83: {  	_ =	shalt  }
0x84: {  	_ =	shalt  }
0x85: {  	_ =	shalt  }
0x86: {  	_ =	shalt  }
0x87: {  	_ =	shalt  }
.Lfunc_end0:
.L_simem_size_0:
called_computation.4_lowered:
.L_overlay_start_0:
0x88: {  	s2 =	sld [smem:$0x3FD9]  }
0x89: {  	s3 =	sld [smem:$0x3FFE];
	_ =	sdelay $0x1  }
0x8a: {  	s1 =	srdreg.scid  }
0x8b: {  	s0 =	sand.u32 $0x1, s1  }
0x8c: {  	s17 =	sshll.u32 s0, $0xA;
	s2 =	sadd.s32 s3, s2  }
0x8d: {  	s2 =	sadd.s32 s2, s17  }
0x8e: {  	[smem:$0x3FAD] =	sst s2  }
0x8f: {  	_ = 	snop  }
0x90: {  	(tm) =	ssettm $0x1  }
0x91: {  	s18 =	sld [smem:$0x3FFB];
	_ =	sdelay $0x3  }
0x92: {  	_ =	strace s18  }
0x93: {  	s2 =	sld [smem:$0x3FFC];
	_ =	sdelay $0x3  }
0x94: {  	_ =	strace s2  }
0x95: {  	s2 =	sld [smem:$0x3FFD];
	_ =	sdelay $0x3  }
0x96: {  	_ =	strace s2  }
0x97: {  	_ =	strace $0x8FFFFFFF  }
0x98: {  	s19 =	sld [smem:$0x3FDB];
	_ =	sdelay $0x1  }
0x99: {  	s20 =	simm.s32 $_scs_section_size  }
0x9a: {  	s4 =	simm.s32 $_size__tile_overlayer_lowered;
	s5 =	simm.s32 $_tile_overlayer_lowered  }
0x9b: {  	s6 =	simm.s32 $0x1BFF;
	s21 =	sshll.u32 s5, $0x1;
	s3 =	sadd.s32 s20, s19  }
0x9c: {  	s22 =	simm.s32 $0x0;
	s4 =	sshll.u32 s4, $0x1;
	s5 =	sadd.s32 s21, s3  }
0x9d: {  	[timem:s22], [sflag:s6] =	dma.local [hbm:s5], s4  }
0x9e: {  	_ =	swait.ge [sflag:s6], s4  }
0x9f: {  	s4 =	ssub.s32 $0x0, s4;
	[sflag:s6] =	ssyncset.done $0x0  }
0xa0: {  	[sflag:s6] =	ssyncadd.s32 s4;
	_ =	sdelay $0x1  }
0xa1: {  	s23 =	simm.s32 $0x1B8B  }
0xa2: {  	_ =	swait.ge [sflag:s23], $0x1  }
0xa3: {  	[sflag:s23] =	ssyncset.done $0x0  }
0xa4: {  	[sflag:s23] =	ssyncadd.s32 $0xFFFFFFFF  }
0xa5: {  	s4 =	sld [smem:$0x0]  }
0xa6: {  	s5 =	sand.u32 $0xFFFFFFFE, s1  }
0xa7: {  	p0 =	sne.s32 s1, s5  }
0xa8: {  	s5 =	sshll.u32 @p0 s5, $0xE  }
0xa9: {  	s5 =	sadd.s32 @p0 $0x11B8D, s5;
	s6 =	sshll.u32 @p0 s4, $0x11  }
0xaa: {  	s5 =	sor.u32 @p0 s6, s5  }
0xab: {  	[sflag:s5] =	ssyncadd.remote.s32 @p0 $0x1;
	_ =	sdelay $0x1  }
0xac: {  	s5 =	simm.s32 @p0 $0x1B8D  }
0xad: {  	_ =	swait.eq @p0 [sflag:s5], $0x1  }
0xae: {  	[sflag:s5] =	ssyncadd.s32 @p0 $0xFFFFFFFF  }
0xaf: {  	s6 =	sshll.u32 @!p0 s1, $0xE  }
0xb0: {  	s6 =	sor.u32 @!p0 $0x4000, s6;
	s5 =	simm.s32 @!p0 $0x1B8D  }
0xb1: {  	s4 =	sshll.u32 @!p0 s4, $0x11;
	s6 =	sadd.s32 @!p0 $0x11B8D, s6;
	_ =	swait.eq @!p0 [sflag:s5], $0x1  }
0xb2: {  	s4 =	sor.u32 @!p0 s4, s6;
	[sflag:s5] =	ssyncadd.s32 @!p0 $0xFFFFFFFF  }
0xb3: {  	s25 =	simm.s32 $0x1B8E;
	s24 =	sld [smem:$0x3FFE];
	[sflag:s4] =	ssyncadd.remote.s32 @!p0 $0x1  }
0xb4: {  	s26 =	simm.s32 $execute0_lowered;
	[smem:$0x3FD2] =	sst s25  }
0xb5: {  	s5 =	sshll.u32 s26, $0x1;
	_ =	strace $0x80000052;
	[dreg:$0x1] =	wrdreg $0xFFFFFFFF  }
0xb6: {  	s28 =	simm.s32 $_size_execute0_lowered;
	s3 =	sadd.s32 s3, s5;
	[dreg:$0x0] =	wrdreg $0x0  }
0xb7: {  	s5 =	sshll.u32 s28, $0x1;
	[dreg:$0x2] =	wrdreg s3  }
0xb8: {  	[dreg:$0x3] =	wrdreg s5  }
0xb9: {  	[dreg:$0x4] =	wrdreg $0xC0  }
0xba: {  	_ =	task [dreg:s22], $0x5FFFF  }
0xbb: {  	[dreg:$0x1] =	wrdreg $0xFFFFFFFF  }
0xbc: {  	[dreg:$0x0] =	wrdreg $0x60  }
0xbd: {  	[dreg:$0x2] =	wrdreg s24  }
0xbe: {  	[dreg:$0x3] =	wrdreg $0xD  }
0xbf: {  	_ =	task.clear_ibuf [dreg:s22], $0x4FFFF;
	_ =	strace $0x90000052  }
0xc0: {  	s29 =	simm.s32 $0xD;
	_ =	strace $0x80000054  }
0xc1: {  	_ =	swait.ge [sflag:s29], $0x1  }
0xc2: {  	[sflag:s29] =	ssyncadd.s32 $0xFFFFFFFF  }
0xc3: {  	_ =	strace $0x90000054  }
0xc4: {  	_ =	sfence  }
0xc5: {  	s30 =	sld [smem:$0x0];
	_ =	sdelay $0x2  }
0xc6: {  	s31 =	sshll.u32 s1, $0xD;
	s1 =	sshrl.u32 s1, $0x2  }
0xc7: {  	s4 =	sand.u32 $0x4000, s31;
	s1 =	sadd.s32 s1, s30  }
0xc8: {  	s0 =	sor.u32 s4, s0;
	s1 =	sshll.u32 s1, $0x11  }
0xc9: {  	s0 =	sor.u32 s1, s0  }
0xca: {  	s0 =	sadd.s32 $0x8F2B, s0  }
0xcb: {  	[sflag:s0] =	ssyncadd.remote.s32 $0x1  }
0xcc: {  	_ =	sfence.sel $0xFFFF  }
0xcd: {  	[dreg:$0x0] =	wrdreg $0xFFFFFFFF;
	(pc) =	sbr.abs _section_cstart, $3  }
0xce: {  	[dreg:$0x1] =	wrdreg $0xFFFFFFFF  }
0xcf: {  	_ =	task.clear_ibuf [dreg:s22], $0x2FFFF;
	_ =	strace $0x9FFFFFFF  }
0xd0: {  	(tm) =	ssettm $0x7FFFFFFF  }
0xd1: {  	_ =	shalt  }
tec
execute0_lowered:
.L_overlay_start_1:
0x0: {  	(tag) =	ssettag $0x1  }
0x1: {  	s5 =	rddreg [dreg:$0x0]  }
0x2: {  	s0 =	rddreg [dreg:$0x1];
	s1 =	simm.s32 $0x0  }
0x3: {  	s4 =	srdreg.scid;
	s2 =	stileid.u32;
	s12 =	simm.s32 $0x50  }
0x4: {  	s13 =	simm.s32 $0x2000;
	s14 =	simm.s32 $0x1;
	s15 =	simm.s32 $0x4800  }
0x5: {  	s16 =	simm.s32 $0x0;
	[smem:$0x7FF] =	sst s1;
	s3 =	sadd.s32 $0x20C00, s5  }
0x6: {  	s6 =	sand.u32 $0x1, s4;
	s4 =	sadd.s32 $0x48C00, s5;
	s7 =	sshll.u32 s2, $0xA  }
0x7: {  	s30 =	smul.u32 $0xFA00, s2;
	_ =	strace $0x80000053;
	s8 =	sshll.u32 s6, $0x9  }
0x8: {  	s9 =	ssub.s32 $0x2, s6;
	s11 =	smul.u32 $0x7D00, s6;
	s7 =	sor.u32 s8, s7  }
0x9: {  	s10 =	sshrl.u32 s9, $0x1;
	s8 =	sadd.s32 s30, s5;
	s7 =	sadd.s32 s7, s5  }
0xa: {  	s9 =	ssub.s32 s9, s10;
	s31 =	sadd.s32 s11, s8;
	s10 =	simm.s32 $0x2  }
0xb: {  	s11 =	simm.s32 $0x1000;
	s5 =	sadd.s32 $0x1CC00, s7;
	s6 =	sadd.s32 $0x18C00, s7  }
0xc: {  	s7 =	smax.u32 s9, $0x1;
	s8 =	sadd.s32 $0x871200, s31;
	s9 =	sadd.s32 $0x96B200, s31  }
.LBB2_1:
0xd: {  	[tilespmem:s1], [sflag:$0x2] =	stream.linear.gather [hbm4b:s5+s1], $0xC80, $0x38;
	[tilespmem:$0x7000] =	vst v63  }
0xe: {  	_ =	swait.ge [sflag:s10], $0xC80  }
0xf: {  	[sflag:s10] =	ssyncset.done $0x0  }
0x10: {  	[sflag:s10] =	ssyncadd.s32 $0xFFFFF380  }
0x11: {  	[tilespmem:s11], [sflag:$0x2] =	stream.linear.gather [hbm4b:s6+s1], $0xC80, $0x38;
	[tilespmem:$0x7000] =	vst v63  }
0x12: {  	_ =	swait.ge [sflag:s10], $0xC80  }
0x13: {  	[sflag:s10] =	ssyncset.done $0x0  }
0x14: {  	s17 =	simm.s32 $0x0;
	[sflag:s10] =	ssyncadd.s32 $0xFFFFF380  }
0x15: {  	[tilespmem:s13], [sflag:$0x1] =	stream.indirect.gather [hbm4b:s3+s12], $0x80, s17, s12, $0xb8;
	[tilespmem:$0x7000] =	vst v63  }
0x16: {  	_ =	swait.ge [sflag:s14], $0x2800  }
0x17: {  	[sflag:s14] =	ssyncset.done $0x0  }
0x18: {  	s31 =	simm.s32 $0x1000;
	[sflag:s14] =	ssyncadd.s32 $0xFFFFD800  }
0x19: {  	[tilespmem:s15], [sflag:$0x1] =	stream.indirect.gather [hbm4b:s4+s12], $0x80, s31, s12, $0xb8;
	[tilespmem:$0x7000] =	vst v63  }
0x1a: {  	_ =	swait.ge [sflag:s14], $0x2800  }
0x1b: {  	[sflag:s14] =	ssyncset.done $0x0  }
0x1c: {  	[sflag:s14] =	ssyncadd.s32 $0xFFFFD800  }
0x1d: {  	[hbm4b:s8+s1] =	stream.linear.scatter [tilespmem:s13], [sflag:$0x2], $0x2800, $0x38;
	[tilespmem:$0x7000] =	vst v63  }
0x1e: {  	_ =	swait.ge [sflag:s10], $0x2800  }
0x1f: {  	[sflag:s10] =	ssyncset.done $0x0  }
0x20: {  	[sflag:s10] =	ssyncadd.s32 $0xFFFFD800  }
0x21: {  	[hbm4b:s9+s1] =	stream.linear.scatter [tilespmem:s15], [sflag:$0x2], $0x2800, $0x38;
	[tilespmem:$0x7000] =	vst v63  }
0x22: {  	s19 =	simm.s32 $0x200;
	s20 =	simm.s32 $0x400;
	_ =	swait.ge [sflag:s10], $0x2800  }
0x23: {  	s18 =	sadd.s32 $0x500, s8;
	s17 =	sadd.s32 $0x500, s9;
	[sflag:s10] =	ssyncset.done $0x0  }
.LBB2_2:
0x24: {  	s21 =	sshra.s32 s19, $0x2  }
0x25: {  	[sflag:s10] =	ssyncadd.s32 $0xFFFFD800;
	s19 =	smov.u32 s20;
	s22 =	sadd.s32 $0x200, s20  }
0x26: {  	[tilespmem:s13], [sflag:$0x1] =	stream.indirect.gather [hbm4b:s3+s12], $0x80, s21, s12, $0xb8;
	[tilespmem:$0x7000] =	vst v63  }
0x27: {  	p0 =	sne.s32 s20, $0x3000;
	_ =	swait.ge [sflag:s14], $0x2800  }
0x28: {  	[sflag:s14] =	ssyncset.done $0x0  }
0x29: {  	s20 =	sadd.s32 $0x1000, s21;
	[sflag:s14] =	ssyncadd.s32 $0xFFFFD800  }
0x2a: {  	[tilespmem:s15], [sflag:$0x1] =	stream.indirect.gather [hbm4b:s4+s12], $0x80, s20, s12, $0xb8;
	[tilespmem:$0x7000] =	vst v63  }
0x2b: {  	_ =	swait.ge [sflag:s14], $0x2800  }
0x2c: {  	[sflag:s14] =	ssyncset.done $0x0  }
0x2d: {  	[sflag:s14] =	ssyncadd.s32 $0xFFFFD800  }
0x2e: {  	[hbm4b:s18+s1] =	stream.linear.scatter [tilespmem:s13], [sflag:$0x2], $0x2800, $0x38;
	[tilespmem:$0x7000] =	vst v63  }
0x2f: {  	_ =	swait.ge [sflag:s10], $0x2800  }
.Ltmp0:
0x30: {  	[sflag:s10] =	ssyncset.done $0x0;
	(pc) =	sbr.rel @p0 .LBB2_2-.Ltmp0, $4  }
0x31: {  	[sflag:s10] =	ssyncadd.s32 $0xFFFFD800  }
0x32: {  	[hbm4b:s17+s1] =	stream.linear.scatter [tilespmem:s15], [sflag:$0x2], $0x2800, $0x38;
	[tilespmem:$0x7000] =	vst v63  }
0x33: {  	s20 =	smov.u32 s22;
	_ =	swait.ge [sflag:s10], $0x2800  }
0x34: {  	s18 =	sadd.s32 $0x500, s18;
	s17 =	sadd.s32 $0x500, s17;
	[sflag:s10] =	ssyncset.done $0x0  }
0x35: {  	s19 =	sshra.s32 s19, $0x2;
	[sflag:s10] =	ssyncadd.s32 $0xFFFFD800  }
0x36: {  	[tilespmem:s13], [sflag:$0x1] =	stream.indirect.gather [hbm4b:s3+s12], $0x80, s19, s12, $0xb8;
	[tilespmem:$0x7000] =	vst v63  }
0x37: {  	_ =	swait.ge [sflag:s14], $0x2800  }
0x38: {  	[sflag:s14] =	ssyncset.done $0x0  }
0x39: {  	s19 =	sadd.s32 $0x1000, s19;
	[sflag:s14] =	ssyncadd.s32 $0xFFFFD800  }
0x3a: {  	[tilespmem:s15], [sflag:$0x1] =	stream.indirect.gather [hbm4b:s4+s12], $0x80, s19, s12, $0xb8;
	[tilespmem:$0x7000] =	vst v63  }
0x3b: {  	_ =	swait.ge [sflag:s14], $0x2800  }
0x3c: {  	[sflag:s14] =	ssyncset.done $0x0  }
0x3d: {  	[sflag:s14] =	ssyncadd.s32 $0xFFFFD800  }
0x3e: {  	[hbm4b:s18+s1] =	stream.linear.scatter [tilespmem:s13], [sflag:$0x2], $0x2800, $0x38;
	[tilespmem:$0x7000] =	vst v63  }
0x3f: {  	s16 =	sadd.s32 $0x1, s16;
	_ =	swait.ge [sflag:s10], $0x2800  }
0x40: {  	p0 =	sne.s32 s16, s7;
	[sflag:s10] =	ssyncset.done $0x0  }
.Ltmp1:
0x41: {  	[sflag:s10] =	ssyncadd.s32 $0xFFFFD800;
	(pc) =	sbr.rel @p0 .LBB2_1-.Ltmp1, $4  }
0x42: {  	[hbm4b:s17+s1] =	stream.linear.scatter [tilespmem:s15], [sflag:$0x2], $0x2800, $0x38;
	[tilespmem:$0x7000] =	vst v63  }
0x43: {  	_ =	swait.ge [sflag:s10], $0x2800  }
0x44: {  	[sflag:s10] =	ssyncset.done $0x0  }
0x45: {  	[sflag:s10] =	ssyncadd.s32 $0xFFFFD800  }
0x46: {  	_ =	sfence.sel $0x180000  }
0x47: {  	[bflag:$0x0] =	sbarrier.arrive $0xFFFF  }
0x48: {  	p0 =	sne.s32 s2, $0x0;
	_ =	strace $0x90000053  }
0x49: {  	s0 =	sadd.s32 @!p0 $0x100000, s0;
	[bflag:$0x2] =	sbarrier.arrive $0xFFFF  }
0x4a: {  	[sflag:s0] =	ssyncadd.tile.s32 @!p0 $0x1;
	_ =	shalt  }
.Lfunc_end2:
_tile_overlayer_lowered:
.L_overlay_start_2:
0x4b: {  	(tag) =	ssettag $0x2  }
0x4c: {  	s0 =	rddreg [dreg:$0x0];
	s2 =	stileid.u32  }
0x4d: {  	s1 =	rddreg [dreg:$0x1];
	p0 =	sne.s32 s2, $0x0  }
0x4e: {  	s3 =	rddreg [dreg:$0x2];
	[bflag:$0x3] =	sbarrier.arrive $0xFFFF;
	s2 =	simm.s32 @!p0 $0x1C02  }
0x4f: {  	[timem:s3], [sflag:s2] =	dma.local @!p0 [hbm:s0], s1  }
0x50: {  	s0 =	simm.s32 @!p0 $0x2  }
0x51: {  	_ =	swait.ge @!p0 [sflag:s0], s1  }
0x52: {  	s1 =	ssub.s32 @!p0 $0x0, s1;
	[sflag:s0] =	ssyncset.done @!p0 $0x0  }
0x53: {  	[sflag:s0] =	ssyncadd.s32 @!p0 s1  }
0x54: {  	[bflag:$0x3] =	sbarrier.arrive $0xFFFF  }
0x55: {  	_ =	shalt  }

// kernel: kernel.30.cloned.1.call-start
scs
__scs_entry_jumppad:
0x0: {  	(pc) =	sbr.rel $0x88, $3  }
0x1: {  	(tag) =	ssettag $0x0;
	lr =	simm.s32 $0x1  }
0x2: {  	[smem:$0x3F86] =	sst lr;
	_ =	strace $0xD0000000  }
0x3: {  	_ = 	snop  }
0x4: {  	_ = 	snop  }
0x5: {  	_ = 	snop  }
0x6: {  	_ = 	snop  }
0x7: {  	_ = 	snop  }
__scs_overlays_trampoline_lowered:
0x8: {  	[smem:$0x3F95] =	sst s0  }
0x9: {  	[smem:$0x3F96] =	sst s1  }
0xa: {  	[smem:$0x3F97] =	sst s2  }
0xb: {  	[smem:$0x3F98] =	sst s3  }
0xc: {  	[smem:$0x3F99] =	sst s4  }
0xd: {  	[smem:$0x3F9A] =	sst s5  }
0xe: {  	[smem:$0x3F9B] =	sst s6  }
0xf: {  	[smem:$0x3F9C] =	sst s7  }
0x10: {  	[smem:$0x3F9D] =	sst s8  }
0x11: {  	[smem:$0x3F9E] =	sst s9;
	s0 =	simm.s32 @!p0 $0x0  }
0x12: {  	s1 =	sld [smem:$0x3F84];
	s0 =	simm.s32 @p0 $0x1  }
0x13: {  	[smem:$0x3F9F] =	sst s0;
	s0 =	simm.s32 @!p1 $0x0  }
0x14: {  	s2 =	sld [smem:$0x3F83];
	s0 =	simm.s32 @p1 $0x1  }
0x15: {  	[smem:$0x3FA0] =	sst s0;
	s0 =	simm.s32 @!p2 $0x0  }
0x16: {  	s3 =	sld [smem:$0x3FDB];
	s0 =	simm.s32 @p2 $0x1  }
0x17: {  	s4 =	simm.s32 $0x1BF5;
	[smem:$0x3FA2] =	sst s0  }
0x18: {  	s0 =	sld [smem:$0x3F85];
	_ =	swait.ge [sflag:s4], $0x0  }
0x19: {  	s7 =	sld [smem:$0x3F86]  }
0x1a: {  	s8 =	sadd.s32 $0xFFFFE003, lr  }
0x1b: {  	s9 =	sadd.s32 $0xFFFFFEF7, lr;
	s5 =	simm.s32 $0xFFFFFFFF;
	p2 =	slt.u32 s8, $0xFFFFF086  }
0x1c: {  	p1 =	slt.u32 s9, $0xF7A;
	s5 =	simm.s32 @!p2 $0x0  }
0x1d: {  	s5 =	simm.s32 @p1 $0x1;
	p0 =	seq.s32 s7, s2  }
0x1e: {  	s7 =	smul.u32 @!p0 $0xF7A, s2;
	p2 =	seq.s32 @!p0 s5, $0x0  }
0x1f: {  	s9 =	smul.u32 $0xF7A, s1;
	s8 =	simm.s32 @!p0 $0x1BF5;
	p2 =	por !p2, p0  }
0x20: {  	[sflag:s8] =	ssyncset.s32 @!p0 $0xFFFFF086;
	s6 =	sadd.s32 @!p0 s3, s7;
	s7 =	simm.s32 @!p0 $0x108  }
0x21: {  	s3 =	sadd.s32 s3, s9;
	s6 =	sadd.s32 @!p0 $0x88, s6;
	s7 =	simm.s32 @p2 $0x1082  }
0x22: {  	[simem:s7], [sflag:s8] =	dma.local @!p0 [hbm:s6], $0xF7A  }
0x23: {  	s9 =	sor.u32 $0xD0000000, s2;
	s6 =	simm.s32 $0x108;
	_ =	swait.ge @!p0 [sflag:s8], $0x0  }
0x24: {  	s3 =	sadd.s32 $0x88, s3;
	s6 =	simm.s32 @!p1 $0x1082;
	[sflag:s4] =	ssyncset.s32 $0xFFFFF086  }
0x25: {  	[simem:s6], [sflag:s4] =	dma.local [hbm:s3], $0xF7A  }
0x26: {  	[smem:$0x3F86] =	sst s1;
	(tag) =	ssettag s2;
	_ =	strace s9  }
0x27: {  	s1 =	sld [smem:$0x3F96]  }
0x28: {  	s2 =	sld [smem:$0x3F97]  }
0x29: {  	s4 =	sld [smem:$0x3F99]  }
0x2a: {  	p0 =	seq.s32 s5, $0x0;
	s5 =	sld [smem:$0x3F9A]  }
0x2b: {  	s6 =	sld [smem:$0x3F9B]  }
0x2c: {  	s7 =	sld [smem:$0x3F9C]  }
0x2d: {  	s3 =	simm.s32 $0x108;
	s8 =	sld [smem:$0x3F9D]  }
0x2e: {  	s3 =	simm.s32 @!p0 $0x1082;
	s9 =	sld [smem:$0x3F9E]  }
0x2f: {  	lr =	sadd.s32 s0, s3;
	s0 =	sld [smem:$0x3F95]  }
0x30: {  	s3 =	sld [smem:$0x3F98]  }
0x31: {  	[smem:$0x3FA1] =	sst s10  }
0x32: {  	s10 =	sld [smem:$0x3F9F];
	_ =	sdelay $0x3  }
0x33: {  	p0 =	seq.s32 s10, $0x1;
	s10 =	sld [smem:$0x3FA1];
	_ =	sdelay $0x3  }
0x34: {  	[smem:$0x3FA1] =	sst s10  }
0x35: {  	s10 =	sld [smem:$0x3FA0];
	_ =	sdelay $0x3  }
0x36: {  	p1 =	seq.s32 s10, $0x1;
	s10 =	sld [smem:$0x3FA1];
	_ =	sdelay $0x3  }
0x37: {  	[smem:$0x3FA1] =	sst s10  }
0x38: {  	s10 =	sld [smem:$0x3FA2]  }
0x39: {  	_ = 	snop;
	(pc) =	sbr.ind lr, $3  }
0x3a: {  	_ = 	snop  }
0x3b: {  	_ = 	snop  }
0x3c: {  	p2 =	seq.s32 s10, $0x1;
	s10 =	sld [smem:$0x3FA1]  }
0x3d: {  	_ =	shalt  }
0x3e: {  	_ =	shalt  }
0x3f: {  	_ =	shalt  }
0x40: {  	_ =	shalt  }
0x41: {  	_ =	shalt  }
0x42: {  	_ =	shalt  }
0x43: {  	_ =	shalt  }
0x44: {  	_ =	shalt  }
0x45: {  	_ =	shalt  }
0x46: {  	_ =	shalt  }
0x47: {  	_ =	shalt  }
0x48: {  	_ =	shalt  }
0x49: {  	_ =	shalt  }
0x4a: {  	_ =	shalt  }
0x4b: {  	_ =	shalt  }
0x4c: {  	_ =	shalt  }
0x4d: {  	_ =	shalt  }
0x4e: {  	_ =	shalt  }
0x4f: {  	_ =	shalt  }
0x50: {  	_ =	shalt  }
0x51: {  	_ =	shalt  }
0x52: {  	_ =	shalt  }
0x53: {  	_ =	shalt  }
0x54: {  	_ =	shalt  }
0x55: {  	_ =	shalt  }
0x56: {  	_ =	shalt  }
0x57: {  	_ =	shalt  }
0x58: {  	_ =	shalt  }
0x59: {  	_ =	shalt  }
0x5a: {  	_ =	shalt  }
0x5b: {  	_ =	shalt  }
0x5c: {  	_ =	shalt  }
0x5d: {  	_ =	shalt  }
0x5e: {  	_ =	shalt  }
0x5f: {  	_ =	shalt  }
0x60: {  	_ =	shalt  }
0x61: {  	_ =	shalt  }
0x62: {  	_ =	shalt  }
0x63: {  	_ =	shalt  }
0x64: {  	_ =	shalt  }
0x65: {  	_ =	shalt  }
0x66: {  	_ =	shalt  }
0x67: {  	_ =	shalt  }
0x68: {  	_ =	shalt  }
0x69: {  	_ =	shalt  }
0x6a: {  	_ =	shalt  }
0x6b: {  	_ =	shalt  }
0x6c: {  	_ =	shalt  }
0x6d: {  	_ =	shalt  }
0x6e: {  	_ =	shalt  }
0x6f: {  	_ =	shalt  }
0x70: {  	_ =	shalt  }
0x71: {  	_ =	shalt  }
0x72: {  	_ =	shalt  }
0x73: {  	_ =	shalt  }
0x74: {  	_ =	shalt  }
0x75: {  	_ =	shalt  }
0x76: {  	_ =	shalt  }
0x77: {  	_ =	shalt  }
0x78: {  	_ =	shalt  }
0x79: {  	_ =	shalt  }
0x7a: {  	_ =	shalt  }
0x7b: {  	_ =	shalt  }
0x7c: {  	_ =	shalt  }
0x7d: {  	_ =	shalt  }
0x7e: {  	_ =	shalt  }
0x7f: {  	_ =	shalt  }
0x80: {  	_ =	shalt  }
0x81: {  	_ =	shalt  }
0x82: {  	_ =	shalt  }
0x83: {  	_ =	shalt  }
0x84: {  	_ =	shalt  }
0x85: {  	_ =	shalt  }
0x86: {  	_ =	shalt  }
0x87: {  	_ =	shalt  }
.Lfunc_end0:
.L_simem_size_0:
called_computation.5_lowered:
.L_overlay_start_0:
0x88: {  	s2 =	sld [smem:$0x3FD9]  }
0x89: {  	s3 =	sld [smem:$0x3FFE];
	_ =	sdelay $0x1  }
0x8a: {  	s1 =	srdreg.scid  }
0x8b: {  	s0 =	sand.u32 $0x1, s1  }
0x8c: {  	s14 =	sshll.u32 s0, $0xA;
	s2 =	sadd.s32 s3, s2  }
0x8d: {  	s2 =	sadd.s32 s2, s14  }
0x8e: {  	[smem:$0x3FAD] =	sst s2  }
0x8f: {  	_ = 	snop  }
0x90: {  	s2 =	sld [smem:$0x3FD0];
	_ =	sdelay $0x2  }
0x91: {  	s15 =	simm.s32 $0xE;
	s4 =	simm.s32 $0x10  }
0x92: {  	[smem:s4], [sflag:s15] =	dma.local [hbm:s2], $0x1  }
0x93: {  	_ =	swait.eq [sflag:s15], $0x1  }
0x94: {  	s16 =	sld [smem:$0x10];
	[sflag:s15] =	ssyncset.done $0x0  }
0x95: {  	s17 =	sld [smem:$0x11];
	[sflag:s15] =	ssyncadd.s32 $0xFFFFFFFF  }
0x96: {  	s18 =	sld [smem:$0x12];
	(tm) =	ssettm $0x1  }
0x97: {  	s5 =	sld [smem:$0x3FFB];
	_ =	sdelay $0x3  }
0x98: {  	_ =	strace s5  }
0x99: {  	s5 =	sld [smem:$0x3FFC];
	_ =	sdelay $0x3  }
0x9a: {  	_ =	strace s5  }
0x9b: {  	s5 =	sld [smem:$0x3FFD];
	_ =	sdelay $0x3  }
0x9c: {  	_ =	strace s5  }
0x9d: {  	_ =	strace $0x8FFFFFFF  }
0x9e: {  	s19 =	sld [smem:$0x3FDB];
	_ =	sdelay $0x1  }
0x9f: {  	s6 =	simm.s32 $_scs_section_size  }
0xa0: {  	s7 =	simm.s32 $_size__tile_overlayer_lowered;
	s8 =	simm.s32 $_tile_overlayer_lowered  }
0xa1: {  	s22 =	simm.s32 $0x1BFF;
	s21 =	sshll.u32 s8, $0x1;
	s5 =	sadd.s32 s6, s19  }
0xa2: {  	s9 =	simm.s32 $0x0;
	s20 =	sshll.u32 s7, $0x1;
	s7 =	sadd.s32 s21, s5  }
0xa3: {  	[timem:s9], [sflag:s22] =	dma.local [hbm:s7], s20  }
0xa4: {  	_ =	swait.ge [sflag:s22], s20  }
0xa5: {  	s6 =	ssub.s32 $0x0, s20;
	[sflag:s22] =	ssyncset.done $0x0  }
0xa6: {  	[sflag:s22] =	ssyncadd.s32 s6;
	_ =	sdelay $0x1  }
0xa7: {  	s23 =	simm.s32 $0x1B8B  }
0xa8: {  	_ =	swait.ge [sflag:s23], $0x1  }
0xa9: {  	[sflag:s23] =	ssyncset.done $0x0  }
0xaa: {  	s25 =	simm.s32 $0x1B8E;
	s24 =	sld [smem:$0x3FFE];
	[sflag:s23] =	ssyncadd.s32 $0xFFFFFFFF  }
0xab: {  	s26 =	simm.s32 $execute0_lowered;
	[smem:$0x3FD2] =	sst s25  }
0xac: {  	s7 =	sshll.u32 s26, $0x1;
	_ =	strace $0x80000055;
	[dreg:$0x1] =	wrdreg $0xFFFFFFFF  }
0xad: {  	s28 =	simm.s32 $_size_execute0_lowered;
	s5 =	sadd.s32 s5, s7;
	[dreg:$0x0] =	wrdreg $0x0  }
0xae: {  	s7 =	sshll.u32 s28, $0x1;
	[dreg:$0x2] =	wrdreg s5  }
0xaf: {  	[dreg:$0x3] =	wrdreg s7  }
0xb0: {  	[dreg:$0x4] =	wrdreg $0xC0  }
0xb1: {  	_ =	task [dreg:s9], $0x5FFFF  }
0xb2: {  	[dreg:$0x1] =	wrdreg $0xFFFFFFFF  }
0xb3: {  	[dreg:$0x0] =	wrdreg $0x60  }
0xb4: {  	[dreg:$0x2] =	wrdreg s24  }
0xb5: {  	[dreg:$0x3] =	wrdreg s18  }
0xb6: {  	[dreg:$0x4] =	wrdreg s17  }
0xb7: {  	[dreg:$0x5] =	wrdreg s16  }
0xb8: {  	[dreg:$0x6] =	wrdreg $0x9  }
0xb9: {  	_ =	task.clear_ibuf [dreg:s9], $0x7FFFF;
	_ =	strace $0x90000055  }
0xba: {  	s29 =	simm.s32 $0x9;
	_ =	strace $0x80000057  }
0xbb: {  	_ =	swait.ge [sflag:s29], $0x1  }
0xbc: {  	[sflag:s29] =	ssyncadd.s32 $0xFFFFFFFF  }
0xbd: {  	_ =	strace $0x90000057  }
0xbe: {  	_ =	sfence  }
0xbf: {  	s30 =	sld [smem:$0x0];
	_ =	sdelay $0x2  }
0xc0: {  	s31 =	sshll.u32 s1, $0xD;
	s1 =	sshrl.u32 s1, $0x2  }
0xc1: {  	s3 =	sand.u32 $0x4000, s31;
	s1 =	sadd.s32 s1, s30  }
0xc2: {  	s0 =	sor.u32 s3, s0;
	s1 =	sshll.u32 s1, $0x11  }
0xc3: {  	s0 =	sor.u32 s1, s0  }
0xc4: {  	s0 =	sadd.s32 $0x8F2B, s0  }
0xc5: {  	[sflag:s0] =	ssyncadd.remote.s32 $0x1  }
0xc6: {  	_ =	sfence.sel $0xFFFF  }
0xc7: {  	[dreg:$0x0] =	wrdreg $0xFFFFFFFF;
	(pc) =	sbr.abs _section_cstart, $3  }
0xc8: {  	[dreg:$0x1] =	wrdreg $0xFFFFFFFF  }
0xc9: {  	_ =	task.clear_ibuf [dreg:s9], $0x2FFFF;
	_ =	strace $0x9FFFFFFF  }
0xca: {  	(tm) =	ssettm $0x7FFFFFFF  }
0xcb: {  	_ =	shalt  }
tec
execute0_lowered:
.L_overlay_start_1:
0x0: {  	(tag) =	ssettag $0x1  }
0x1: {  	s7 =	rddreg [dreg:$0x0]  }
0x2: {  	s1 =	rddreg [dreg:$0x1]  }
0x3: {  	s2 =	srdreg.scid;
	s3 =	rddreg [dreg:$0x2]  }
0x4: {  	s0 =	stileid.u32;
	s4 =	rddreg [dreg:$0x3];
	s5 =	simm.s32 $0x0  }
0x5: {  	s16 =	simm.s32 $0x2780;
	s17 =	simm.s32 $0x4F00;
	s18 =	simm.s32 $0x7680  }
0x6: {  	s19 =	simm.s32 $0x80;
	s20 =	simm.s32 $0x400;
	s21 =	simm.s32 $0x9E00  }
0x7: {  	s22 =	simm.s32 $0xC580;
	s23 =	simm.s32 $0xED00;
	s28 =	simm.s32 $0x18D00  }
0x8: {  	s29 =	simm.s32 $0x0;
	s6 =	sand.u32 $0x1, s2;
	s9 =	sshrl.u32 s0, $0x2  }
0x9: {  	s24 =	sshll.u32 s0, $0x1;
	s2 =	rddreg [dreg:$0x4];
	s11 =	smul.u32 $0x13C00, s9  }
0xa: {  	[smem:$0x7FF] =	sst s5;
	s8 =	sor.u32 s6, s24;
	s9 =	smul.u32 $0x28000, s9  }
0xb: {  	_ =	strace $0x80000056;
	s30 =	ssub.s32 $0x2, s6;
	s10 =	sshll.u32 s8, $0x7  }
0xc: {  	s6 =	sadd.s32 $0x98C00, s7;
	s8 =	smul.u32 $0x4E2, s8;
	s10 =	sand.u32 $0x380, s10  }
0xd: {  	s24 =	simm.s32 $0x11500;
	s31 =	sshrl.u32 s30, $0x1;
	s11 =	sor.u32 s11, s10  }
0xe: {  	s12 =	sadd.s32 s8, s7;
	s26 =	sor.u32 s9, s10;
	s25 =	sshrl.u32 s11, $0x3  }
0xf: {  	s8 =	sshrl.u32 s26, $0x3;
	s9 =	sadd.s32 $0xAA00, s12;
	s11 =	sadd.s32 $0xC00, s12  }
0x10: {  	s26 =	simm.s32 $0x16500;
	s13 =	sadd.s32 s25, s7;
	s14 =	sadd.s32 s8, s7  }
0x11: {  	s7 =	sadd.s32 $0x1E600, s12;
	s8 =	sadd.s32 $0x14800, s12;
	s25 =	simm.s32 $0x13D00  }
0x12: {  	s15 =	ssub.s32 s30, s31;
	s10 =	sadd.s32 $0xA8CA00, s13;
	s12 =	sadd.s32 $0xA96800, s13  }
0x13: {  	v0 =	vimm.f32 $0.0e+00;
	s13 =	sadd.s32 $0x28400, s14;
	s14 =	smax.u32 s15, $0x1;
	s15 =	simm.s32 $0x1  }
.LBB2_1:
0x14: {  	[tilespmem:s5], [sflag:$0x1] =	stream.linear.gather [hbm4b:s7+s5], $0x2710, $0x38;
	[tilespmem:$0x1DD00] =	vst v63  }
0x15: {  	_ =	swait.ge [sflag:s15], $0x2710  }
0x16: {  	[sflag:s15] =	ssyncset.done $0x0  }
0x17: {  	[sflag:s15] =	ssyncadd.s32 $0xFFFFD8F0  }
0x18: {  	[tilespmem:s16], [sflag:$0x1] =	stream.linear.gather [hbm4b:s8+s5], $0x2710, $0x38;
	[tilespmem:$0x1DD00] =	vst v63  }
0x19: {  	_ =	swait.ge [sflag:s15], $0x2710  }
0x1a: {  	[sflag:s15] =	ssyncset.done $0x0  }
0x1b: {  	[sflag:s15] =	ssyncadd.s32 $0xFFFFD8F0  }
0x1c: {  	[tilespmem:s17], [sflag:$0x1] =	stream.linear.gather [hbm4b:s9+s5], $0x2710, $0x38;
	[tilespmem:$0x1DD00] =	vst v63  }
0x1d: {  	_ =	swait.ge [sflag:s15], $0x2710  }
0x1e: {  	[sflag:s15] =	ssyncset.done $0x0  }
0x1f: {  	[sflag:s15] =	ssyncadd.s32 $0xFFFFD8F0  }
0x20: {  	[tilespmem:s18], [sflag:$0x1] =	stream.linear.gather [hbm4b:s11+s5], $0x2710, $0x38;
	[tilespmem:$0x1DD00] =	vst v63  }
0x21: {  	_ =	swait.ge [sflag:s15], $0x2710  }
0x22: {  	[sflag:s15] =	ssyncset.done $0x0  }
0x23: {  	[sflag:s15] =	ssyncadd.s32 $0xFFFFD8F0  }
0x24: {  	[tilespmem:s21], [sflag:$0x1] =	stream.strided.gather [hbm4b:s10+s19], $0x2780, s20, s19, $0x38;
	[tilespmem:$0x1DD00] =	vst v63  }
0x25: {  	_ =	swait.ge [sflag:s15], $0x2780  }
0x26: {  	[sflag:s15] =	ssyncset.done $0x0  }
0x27: {  	[sflag:s15] =	ssyncadd.s32 $0xFFFFD880  }
0x28: {  	[tilespmem:s22], [sflag:$0x1] =	stream.strided.gather [hbm4b:s12+s19], $0x2780, s20, s19, $0x38;
	[tilespmem:$0x1DD00] =	vst v63  }
0x29: {  	_ =	swait.ge [sflag:s15], $0x2780  }
0x2a: {  	[sflag:s15] =	ssyncset.done $0x0  }
0x2b: {  	[sflag:s15] =	ssyncadd.s32 $0xFFFFD880  }
0x2c: {  	[tilespmem:s23], [sflag:$0x1] =	stream.linear.gather [hbm4b:s1+s5], $0x2800, $0x38;
	[tilespmem:$0x1DD00] =	vst v63  }
0x2d: {  	_ =	swait.ge [sflag:s15], $0x2800  }
0x2e: {  	[sflag:s15] =	ssyncset.done $0x0  }
0x2f: {  	[sflag:s15] =	ssyncadd.s32 $0xFFFFD800  }
0x30: {  	[tilespmem:s24], [sflag:$0x1] =	stream.linear.gather [hbm4b:s3+s5], $0x2800, $0x38;
	[tilespmem:$0x1DD00] =	vst v63  }
0x31: {  	_ =	swait.ge [sflag:s15], $0x2800  }
0x32: {  	[sflag:s15] =	ssyncset.done $0x0  }
0x33: {  	[sflag:s15] =	ssyncadd.s32 $0xFFFFD800  }
0x34: {  	[tilespmem:s25], [sflag:$0x1] =	stream.linear.gather [hbm4b:s4+s5], $0x2800, $0x38;
	[tilespmem:$0x1DD00] =	vst v63  }
0x35: {  	_ =	swait.ge [sflag:s15], $0x2800  }
0x36: {  	[sflag:s15] =	ssyncset.done $0x0  }
0x37: {  	[sflag:s15] =	ssyncadd.s32 $0xFFFFD800  }
0x38: {  	[tilespmem:s26], [sflag:$0x1] =	stream.linear.gather [hbm4b:s6+s5], $0x2800, $0x38;
	[tilespmem:$0x1DD00] =	vst v63  }
0x39: {  	_ =	swait.ge [sflag:s15], $0x2800  }
0x3a: {  	[sflag:s15] =	ssyncset.done $0x0  }
0x3b: {  	s30 =	simm.s32 $0x0;
	[sflag:s15] =	ssyncadd.s32 $0xFFFFD800  }
.LBB2_2:
0x3c: {  	p0 =	sne.s32 s30, $0x13FC0  }
.Ltmp0:
0x3d: {  	_ = 	snop;
	(pc) =	sbr.rel @p0 .LBB2_2-.Ltmp0, $3  }
0x3e: {  	_ =	sdelay $0x1  }
0x3f: {  	s31 =	sshra.s32 s30, $0x2  }
0x40: {  	s30 =	sadd.s32 $0x40, s30;
	[tilespmem:s31+$0x18D00] =	vst v0  }
0x41: {  	s31 =	simm.s32 $0x0  }
0x42: {  	v1 =	vld [tilespmem:s31+$0x9E00]  }
0x43: {  	s30 =	simm.s32 $0x40  }
.LBB2_4:
0x44: {  	p0 =	sne.s32 s30, $0x9C00;
	_ =	sdelay $0x2  }
0x45: {  	v2 =	vld [tilespmem:s31+$0x2780]  }
0x46: {  	v3 =	vld [tilespmem:s31+$0x4F00]  }
0x47: {  	v4 =	vld [tilespmem:s31+$0x0]  }
0x48: {  	v5 =	vld.idx.msk [tilespmem:v1+s24+$0x0], $0xffff  }
0x49: {  	v6 =	vld.idx.msk [tilespmem:v1+s25+$0x0], $0xffff  }
0x4a: {  	v7 =	vld.idx.msk [tilespmem:v1+s23+$0x0], $0xffff  }
0x4b: {  	v1 =	vld.idx.msk [tilespmem:v1+s26+$0x0], $0xffff  }
0x4c: {  	v8 =	vld [tilespmem:s31+$0xC580]  }
0x4d: {  	v10 =	vsub.f32 $0.0e+00, v4;
	v9 =	vld [tilespmem:s31+$0x7680];
	_ =	sdelay $0x1  }
0x4e: {  	v5 =	vmul.f32 v10, v5;
	v2 =	vmul.f32 v2, v6  }
0x4f: {  	v6 =	vmul.f32 v3, v6;
	v4 =	vmul.f32 v4, v7  }
0x50: {  	v2 =	vadd.f32 v2, v5;
	v3 =	vmul.f32 v3, v1;
	v5 =	vadd.s32 $0x2800, v8  }
0x51: {  	v4 =	vadd.f32 v6, v4;
	v1 =	vmul.f32 v9, v1  }
0x52: {  	v2 =	vadd.f32 v3, v2  }
.Ltmp1:
0x53: {  	v1 =	vadd.f32 v1, v4;
	(pc) =	sbr.rel @p0 .LBB2_4-.Ltmp1, $4  }
0x54: {  	[tilespmem:v8+s28+$0x0] =	vst.idx.add.f32.msk $0xffff, v2  }
0x55: {  	s31 =	sshra.s32 s30, $0x2;
	[tilespmem:v5+s28+$0x0] =	vst.idx.add.f32.msk $0xffff, v1  }
0x56: {  	v1 =	vld [tilespmem:s31+$0x9E00]  }
0x57: {  	s30 =	sadd.s32 $0x40, s30  }
0x58: {  	_ =	sdelay $0x2  }
0x59: {  	v2 =	vld [tilespmem:s31+$0x2780]  }
0x5a: {  	v3 =	vld [tilespmem:s31+$0x4F00]  }
0x5b: {  	v4 =	vld [tilespmem:s31+$0x0]  }
0x5c: {  	v8 =	vld [tilespmem:s31+$0xC580]  }
0x5d: {  	v5 =	vld.idx.msk [tilespmem:v1+s24+$0x0], $0xffff  }
0x5e: {  	v6 =	vld.idx.msk [tilespmem:v1+s25+$0x0], $0xffff  }
0x5f: {  	v7 =	vld.idx.msk [tilespmem:v1+s23+$0x0], $0xffff  }
0x60: {  	v1 =	vld.idx.msk [tilespmem:v1+s26+$0x0], $0xffff  }
0x61: {  	v9 =	vld [tilespmem:s31+$0x7680];
	v10 =	vsub.f32 $0.0e+00, v4;
	_ =	sdelay $0x1  }
0x62: {  	v5 =	vmul.f32 v10, v5;
	v2 =	vmul.f32 v2, v6  }
0x63: {  	v4 =	vmul.f32 v4, v7;
	v6 =	vmul.f32 v3, v6  }
0x64: {  	v63 =	vadd.s32 $0x2800, v8;
	v3 =	vmul.f32 v3, v1;
	v2 =	vadd.f32 v2, v5  }
0x65: {  	v1 =	vmul.f32 v9, v1;
	v4 =	vadd.f32 v6, v4  }
0x66: {  	v2 =	vadd.f32 v3, v2  }
0x67: {  	s29 =	sadd.s32 $0x1, s29;
	v1 =	vadd.f32 v1, v4  }
0x68: {  	p0 =	sne.s32 s29, s14;
	[tilespmem:v8+s28+$0x0] =	vst.idx.add.f32.msk $0xffff, v2  }
.Ltmp2:
0x69: {  	[tilespmem:v63+s28+$0x0] =	vst.idx.add.f32.msk $0xffff, v1;
	(pc) =	sbr.rel @p0 .LBB2_1-.Ltmp2, $4  }
0x6a: {  	[hbm4b:s13+s19] =	stream.strided.scatter [tilespmem:s28], [sflag:$0x1], $0x5000, s20, s19, $0x38;
	[tilespmem:$0x1DD00] =	vst v63  }
0x6b: {  	_ =	swait.ge [sflag:s15], $0x5000  }
0x6c: {  	[sflag:s15] =	ssyncset.done $0x0  }
0x6d: {  	[sflag:s15] =	ssyncadd.s32 $0xFFFFB000  }
0x6e: {  	_ =	sfence.sel $0x180000  }
0x6f: {  	[bflag:$0x0] =	sbarrier.arrive $0xFFFF  }
0x70: {  	p0 =	sne.s32 s0, $0x0;
	_ =	strace $0x90000056  }
0x71: {  	s0 =	sadd.s32 @!p0 $0x100000, s2;
	[bflag:$0x2] =	sbarrier.arrive $0xFFFF  }
0x72: {  	[sflag:s0] =	ssyncadd.tile.s32 @!p0 $0x1;
	_ =	shalt  }
.Lfunc_end2:
_tile_overlayer_lowered:
.L_overlay_start_2:
0x73: {  	(tag) =	ssettag $0x2  }
0x74: {  	s0 =	rddreg [dreg:$0x0];
	s2 =	stileid.u32  }
0x75: {  	s1 =	rddreg [dreg:$0x1];
	p0 =	sne.s32 s2, $0x0  }
0x76: {  	s3 =	rddreg [dreg:$0x2];
	[bflag:$0x3] =	sbarrier.arrive $0xFFFF;
	s2 =	simm.s32 @!p0 $0x1C01  }
0x77: {  	[timem:s3], [sflag:s2] =	dma.local @!p0 [hbm:s0], s1  }
0x78: {  	s0 =	simm.s32 @!p0 $0x1  }
0x79: {  	_ =	swait.ge @!p0 [sflag:s0], s1  }
0x7a: {  	s1 =	ssub.s32 @!p0 $0x0, s1;
	[sflag:s0] =	ssyncset.done @!p0 $0x0  }
0x7b: {  	[sflag:s0] =	ssyncadd.s32 @!p0 s1  }
0x7c: {  	[bflag:$0x3] =	sbarrier.arrive $0xFFFF  }
0x7d: {  	_ =	shalt  }

</sc_bundles>
